<compile_context>
chip_gen: v7x
topology: tpu7x:2x2x1
jax: 0.10.2.dev20260603
libtpu: 0.0.44.dev20260713+nightly
codegen_flags: <defaults>
</compile_context>

<pallas_src>
import functools
import math

import jax
import jax.numpy as jnp
from jax import lax
from jax.experimental import pallas as pl
from jax.experimental.pallas import tpu as pltpu
from jax.experimental.pallas import tpu_sc as plsc

_NUM_CORES = 2
_NUM_SUBCORES = 16
_NUM_WORKERS = _NUM_CORES * _NUM_SUBCORES

_WINDOW = 128
_HALF = 100
_GROUP = 10

_TC_SEQ_BLOCK = 8


def _sc_gather_planes(table, idx_rows):
    n_bases = table.shape[1]
    nwin = idx_rows.shape[0]
    per_worker = nwin // _NUM_WORKERS
    n_halves = per_worker // _HALF
    mesh = plsc.VectorSubcoreMesh(core_axis_name="c", subcore_axis_name="s")
    rows_ty = jax.ShapeDtypeStruct((nwin, _WINDOW, n_bases), jnp.float32)

    @functools.partial(
        pl.kernel,
        out_type=rows_ty,
        mesh=mesh,
        scratch_types=[
            pltpu.VMEM((_HALF, _WINDOW), jnp.int32),
            pltpu.VMEM((_HALF, _WINDOW, n_bases), jnp.float32),
            pltpu.SemaphoreType.DMA,
            pltpu.SemaphoreType.DMA,
        ],
        compiler_params=pltpu.CompilerParams(use_tc_tiling_on_sc=False),
    )
    def gather_kernel(table_hbm, idx_hbm, *rest):
        rows_out = rest[0]
        idx_v, stage, sem_g, sem_o = rest[1:]
        wid = lax.axis_index("s") * _NUM_CORES + lax.axis_index("c")
        base = wid * per_worker

        def fire(w):
            for j in range(_GROUP):
                pltpu.async_copy(
                    table_hbm.at[idx_v.at[w + j]], stage.at[w + j], sem_g
                )

        def drain(w):
            for j in range(_GROUP):
                pltpu.make_async_copy(
                    table_hbm.at[idx_v.at[w + j]], stage.at[w + j], sem_g
                ).wait()

        for half in range(n_halves):
            row0 = base + half * _HALF
            pltpu.sync_copy(idx_hbm.at[pl.ds(row0, _HALF)], idx_v)

            @pl.loop(0, _HALF + _GROUP, step=_GROUP)
            def _(w):
                @pl.when(w < _HALF)
                def _():
                    fire(w)

                @pl.when(w >= _GROUP)
                def _():
                    drain(w - _GROUP)

            pltpu.async_copy(stage, rows_out.at[pl.ds(row0, _HALF)], sem_o)
            pltpu.make_async_copy(
                stage, rows_out.at[pl.ds(row0, _HALF)], sem_o
            ).wait()

    return gather_kernel(table, idx_rows)


_FMA_WCHUNK = 4


def _tc_combine_kernel(rows_ref, sel_ref, bt_ref, lt_ref, o_ref):
    b = (bt_ref[...] + lt_ref[...]) * 8.0
    bcols = [b[:, k : k + 1].reshape(64, 1, 1) for k in range(4)]
    g = rows_ref[...]
    tb, wb, _ = g.shape
    pall = jnp.dot(
        g.reshape(tb * wb, 4 * _WINDOW),
        sel_ref[...],
        preferred_element_type=jnp.float32,
    )
    g0, g1, g2, g3 = (
        pall[:, k * _WINDOW : (k + 1) * _WINDOW].reshape(tb, wb, _WINDOW)
        for k in range(4)
    )
    m = jnp.maximum(jnp.maximum(g0, g1), jnp.maximum(g2, g3))
    e0, e1, e2, e3 = (jnp.exp(g0 - m), jnp.exp(g1 - m),
                      jnp.exp(g2 - m), jnp.exp(g3 - m))
    inv = 1.0 / (e0 + e1 + e2 + e3)
    ps = [e0 * inv, e1 * inv, e2 * inv, e3 * inv]
    tb, wb, _ = g0.shape
    for r in range(tb):
        for c in range(wb // _FMA_WCHUNK):
            lo, hi = c * _FMA_WCHUNK, (c + 1) * _FMA_WCHUNK
            acc = (bcols[0] * ps[0][r, lo:hi, :]
                   + bcols[1] * ps[1][r, lo:hi, :]
                   + bcols[2] * ps[2][r, lo:hi, :]
                   + bcols[3] * ps[3][r, lo:hi, :])
            o_ref[r, :, lo:hi, :] = acc


def _tc_combine(rows, sel, bases_t, lang_bias_t, seq, batch):
    d_model = bases_t.shape[0]
    nw = batch // 128
    half_w = nw // 2
    grid = (seq // _TC_SEQ_BLOCK,)
    rows_spec = pl.BlockSpec(
        (_TC_SEQ_BLOCK, half_w, 4 * _WINDOW), lambda i: (i, 0, 0)
    )
    sel_spec = pl.BlockSpec(sel.shape, lambda i: (0, 0))
    small_spec = pl.BlockSpec(bases_t.shape, lambda i: (0, 0))
    mesh = pltpu.create_tensorcore_mesh("core", num_cores=2)

    @functools.partial(
        pl.kernel,
        out_type=jax.ShapeDtypeStruct((seq, d_model, nw, 128), jnp.float32),
        mesh=mesh,
    )
    def combine(rows_hbm, sel_hbm, bt, lt, o_hbm):
        core = lax.axis_index("core")
        off = core * half_w
        rows_half = rows_hbm.at[:, pl.ds(off, half_w), :]
        o_half = o_hbm.at[:, :, pl.ds(off, half_w), :]
        pltpu.emit_pipeline(
            _tc_combine_kernel,
            grid=grid,
            in_specs=[rows_spec, sel_spec, small_spec, small_spec],
            out_specs=[
                pl.BlockSpec(
                    (_TC_SEQ_BLOCK, d_model, half_w, 128), lambda i: (i, 0, 0, 0)
                )
            ],
        )(rows_half, sel_hbm, bt, lt, o_half)

    return combine(rows, sel, bases_t, lang_bias_t)


def kernel(x, coeff_weight, base_embed_weight, lang_bias):
    batch, seq = x.shape
    d_model = base_embed_weight.shape[1]
    n = batch * seq

    idx_rows = x.T.reshape(n // _WINDOW, _WINDOW)

    rows = _sc_gather_planes(coeff_weight, idx_rows)
    rows_il = rows.reshape(seq, batch // 128, 4 * _WINDOW)

    j = jnp.arange(4 * _WINDOW)[:, None]
    lk = jnp.arange(4 * _WINDOW)[None, :]
    sel = (j == 4 * (lk % _WINDOW) + lk // _WINDOW).astype(jnp.float32)

    out_phys = _tc_combine(
        rows_il, sel, base_embed_weight.T, lang_bias.T, seq, batch
    ).reshape(seq, d_model, batch)
    return jnp.transpose(out_phys, (2, 0, 1))

# --- scband reference (transcript-rebuilt; emitter-appended) ---
"""Pipeline reference for scband-quantum-embedding-v2-25786983645541 (READ-ONLY COPY).

The authoritative reference and input builder live on the scoring server;
editing this copy changes nothing except your own understanding.
"""

import jax, jax.numpy as jnp
import numpy as np
import math

VOCAB = 1000000
D_MODEL = 64
N_BASES = 4

def setup_inputs(seed: int = 0):
    key = jax.random.key(seed)
    k1, k2, k3 = jax.random.split(key, 3)
    x = jax.random.randint(k1, (4096, 200), 0, VOCAB, dtype=jnp.int32)
    limit = math.sqrt(6.0 / (VOCAB + N_BASES))
    coeff_weight = jax.random.uniform(k2, (VOCAB, N_BASES), minval=-limit, maxval=limit, dtype=jnp.float32)
    base_embed_weight = jax.random.normal(k3, (N_BASES, D_MODEL), dtype=jnp.float32)
    lang_bias = jnp.zeros((4, D_MODEL), dtype=jnp.float32)
    return {"x": x, "coeff_weight": coeff_weight, "base_embed_weight": base_embed_weight, "lang_bias": lang_bias}

def reference(x, coeff_weight, base_embed_weight, lang_bias):
    d_model = base_embed_weight.shape[1]
    coeff = jax.nn.softmax(jnp.take(coeff_weight, x, axis=0), axis=-1)
    bases = base_embed_weight + lang_bias
    out = jnp.matmul(coeff, bases) * math.sqrt(d_model)
    return out

if __name__ == "__main__":
    import jax
    _d = setup_inputs()
    print(jax.jit(kernel)(*tuple(_d.values())))

</pallas_src>

<mosaic_0001>
#map = affine_map<(d0, d1) -> (0, 0)>
#map1 = affine_map<(d0, d1) -> (0, 0, 0)>
module attributes {stable_mosaic.version = 14 : i64} {
  func.func @gather_kernel(%arg0: i32, %arg1: i32, %arg2: memref<1000000x4xf32, #tpu.memory_space<hbm>>, %arg3: memref<6400x128xi32, #tpu.memory_space<hbm>>, %arg4: memref<6400x128x4xf32, #tpu.memory_space<hbm>>, %arg5: memref<100x128xi32, #tpu.memory_space<vmem>>, %arg6: memref<100x128x4xf32, #tpu.memory_space<vmem>>, %arg7: memref<!tpu.dma_semaphore, #tpu.memory_space<semaphore_mem>>, %arg8: memref<!tpu.dma_semaphore, #tpu.memory_space<semaphore_mem>>) attributes {dimension_semantics = [#tpu.dimension_semantics<core_parallel>, #tpu.dimension_semantics<subcore_parallel>], iteration_bounds = array<i64: 2, 16>, scalar_prefetch = 0 : i64, scratch_operands = 4 : i64, tpu.core_type = #tpu.core_type<sc_vector_subcore>, window_params = [{transform_indices = #map}, {transform_indices = #map}, {transform_indices = #map1}]} {
    %mul3A = arith.constant 2 : i32
    %mul3A_0 = arith.muli %arg1, %mul3A : i32
    %add3A = arith.addi %mul3A_0, %arg0 : i32
    %mul3A_1 = arith.constant 200 : i32
    %mul3A_2 = arith.muli %add3A, %mul3A_1 : i32
    %add3A_3 = arith.constant 0 : i32
    %add3A_4 = arith.addi %mul3A_2, %add3A_3 : i32
    "tpu.region"() ({
      %run_scoped3A = tpu.sem_alloc : memref<!tpu.dma_semaphore, #tpu.memory_space<semaphore_mem>>
      %dma_start3A_38 = arith.constant 0 : i32
      %dma_start3A_39 = tpu.memref_slice %arg3[%add3A_4, %dma_start3A_38] : memref<6400x128xi32, #tpu.memory_space<hbm>> -> memref<100x128xi32, #tpu.memory_space<hbm>>
      %dma_start3A_40 = arith.constant 0 : i32
      %dma_start3A_41 = tpu.memref_slice %arg3[%add3A_4, %dma_start3A_40] : memref<6400x128xi32, #tpu.memory_space<hbm>> -> memref<100x128xi32, #tpu.memory_space<hbm>>
      tpu.enqueue_dma source(%dma_start3A_41 : memref<100x128xi32, #tpu.memory_space<hbm>>) target(%arg5 : memref<100x128xi32, #tpu.memory_space<vmem>>) target_semaphore(%run_scoped3A : memref<!tpu.dma_semaphore, #tpu.memory_space<semaphore_mem>>)
      %dma_wait3A_42 = arith.constant 0 : i32
      %dma_wait3A_43 = tpu.memref_slice %arg3[%add3A_4, %dma_wait3A_42] : memref<6400x128xi32, #tpu.memory_space<hbm>> -> memref<100x128xi32, #tpu.memory_space<hbm>>
      %dma_wait3A_44 = arith.constant 0 : i32
      %dma_wait3A_45 = tpu.memref_slice %arg3[%add3A_4, %dma_wait3A_44] : memref<6400x128xi32, #tpu.memory_space<hbm>> -> memref<100x128xi32, #tpu.memory_space<hbm>>
      tpu.wait_dma2 semaphore(%run_scoped3A : memref<!tpu.dma_semaphore, #tpu.memory_space<semaphore_mem>>) src(%dma_wait3A_45 : memref<100x128xi32, #tpu.memory_space<hbm>>) dst(%arg5 : memref<100x128xi32, #tpu.memory_space<vmem>>)
      tpu.yield
    }) : () -> ()
    %scan3A = arith.constant 0 : i32
    %scan3A_5 = arith.constant 11 : i32
    %scan3A_6 = arith.addi %scan3A, %scan3A_5 : i32
    %scan3A_7 = arith.constant 1 : i32
    scf.for %scan3A_38 = %scan3A to %scan3A_6 step %scan3A_7  : i32 {
      %mul3A_39 = arith.constant 10 : i32
      %mul3A_40 = arith.muli %scan3A_38, %mul3A_39 : i32
      %add3A_41 = arith.constant 0 : i32
      %add3A_42 = arith.addi %add3A_41, %mul3A_40 : i32
      %lt3A = arith.constant 100 : i32
      %lt3A_43 = arith.cmpi slt, %add3A_42, %lt3A : i32
      %convert_element_type3A = arith.extui %lt3A_43 : i1 to i32
      %cond3A = arith.constant 0 : i32
      %cond3A_44 = arith.cmpi ne, %convert_element_type3A, %cond3A : i32
      scf.if %cond3A_44 {
        %add3A_49 = arith.constant 0 : i32
        %add3A_50 = arith.addi %add3A_42, %add3A_49 : i32
        %add3A_51 = arith.constant 0 : i32
        %add3A_52 = arith.addi %add3A_42, %add3A_51 : i32
        %dma_start3A_53 = arith.constant 0 : i32
        %dma_start3A_54 = arith.constant 0 : i32
        %dma_start3A_55 = tpu.memref_slice %arg6[%add3A_52, %dma_start3A_53, %dma_start3A_54] : memref<100x128x4xf32, #tpu.memory_space<vmem>> -> memref<1x128x4xf32, #tpu.memory_space<vmem>>
        %dma_start3A_56 = tpu.memref_squeeze %dma_start3A_55 : memref<1x128x4xf32, #tpu.memory_space<vmem>> -> memref<128x4xf32, #tpu.memory_space<vmem>>
        %dma_start3A_57 = arith.constant 0 : i32
        %dma_start3A_58 = tpu.memref_slice %arg5[%add3A_50, %dma_start3A_57] : memref<100x128xi32, #tpu.memory_space<vmem>> -> memref<1x128xi32, #tpu.memory_space<vmem>>
        %dma_start3A_59 = tpu.memref_squeeze %dma_start3A_58 : memref<1x128xi32, #tpu.memory_space<vmem>> -> memref<128xi32, #tpu.memory_space<vmem>>
        %dma_start3A_60 = arith.constant 0 : i32
        %dma_start3A_61 = arith.constant 0 : i32
        %dma_start3A_62 = tpu.memref_slice %arg2[%dma_start3A_60, %dma_start3A_61] : memref<1000000x4xf32, #tpu.memory_space<hbm>> -> memref<1000000x4xf32, #tpu.memory_space<hbm>>
        tpu.enqueue_indirect_dma source(%dma_start3A_62 : memref<1000000x4xf32, #tpu.memory_space<hbm>>) target(%dma_start3A_56 : memref<128x4xf32, #tpu.memory_space<vmem>>) offsets(%dma_start3A_59 : memref<128xi32, #tpu.memory_space<vmem>>) semaphore(%arg7 : memref<!tpu.dma_semaphore, #tpu.memory_space<semaphore_mem>>)
        %add3A_63 = arith.constant 1 : i32
        %add3A_64 = arith.addi %add3A_42, %add3A_63 : i32
        %add3A_65 = arith.constant 1 : i32
        %add3A_66 = arith.addi %add3A_42, %add3A_65 : i32
        %dma_start3A_67 = arith.constant 0 : i32
        %dma_start3A_68 = arith.constant 0 : i32
        %dma_start3A_69 = tpu.memref_slice %arg6[%add3A_66, %dma_start3A_67, %dma_start3A_68] : memref<100x128x4xf32, #tpu.memory_space<vmem>> -> memref<1x128x4xf32, #tpu.memory_space<vmem>>
        %dma_start3A_70 = tpu.memref_squeeze %dma_start3A_69 : memref<1x128x4xf32, #tpu.memory_space<vmem>> -> memref<128x4xf32, #tpu.memory_space<vmem>>
        %dma_start3A_71 = arith.constant 0 : i32
        %dma_start3A_72 = tpu.memref_slice %arg5[%add3A_64, %dma_start3A_71] : memref<100x128xi32, #tpu.memory_space<vmem>> -> memref<1x128xi32, #tpu.memory_space<vmem>>
        %dma_start3A_73 = tpu.memref_squeeze %dma_start3A_72 : memref<1x128xi32, #tpu.memory_space<vmem>> -> memref<128xi32, #tpu.memory_space<vmem>>
        %dma_start3A_74 = arith.constant 0 : i32
        %dma_start3A_75 = arith.constant 0 : i32
        %dma_start3A_76 = tpu.memref_slice %arg2[%dma_start3A_74, %dma_start3A_75] : memref<1000000x4xf32, #tpu.memory_space<hbm>> -> memref<1000000x4xf32, #tpu.memory_space<hbm>>
        tpu.enqueue_indirect_dma source(%dma_start3A_76 : memref<1000000x4xf32, #tpu.memory_space<hbm>>) target(%dma_start3A_70 : memref<128x4xf32, #tpu.memory_space<vmem>>) offsets(%dma_start3A_73 : memref<128xi32, #tpu.memory_space<vmem>>) semaphore(%arg7 : memref<!tpu.dma_semaphore, #tpu.memory_space<semaphore_mem>>)
        %add3A_77 = arith.constant 2 : i32
        %add3A_78 = arith.addi %add3A_42, %add3A_77 : i32
        %add3A_79 = arith.constant 2 : i32
        %add3A_80 = arith.addi %add3A_42, %add3A_79 : i32
        %dma_start3A_81 = arith.constant 0 : i32
        %dma_start3A_82 = arith.constant 0 : i32
        %dma_start3A_83 = tpu.memref_slice %arg6[%add3A_80, %dma_start3A_81, %dma_start3A_82] : memref<100x128x4xf32, #tpu.memory_space<vmem>> -> memref<1x128x4xf32, #tpu.memory_space<vmem>>
        %dma_start3A_84 = tpu.memref_squeeze %dma_start3A_83 : memref<1x128x4xf32, #tpu.memory_space<vmem>> -> memref<128x4xf32, #tpu.memory_space<vmem>>
        %dma_start3A_85 = arith.constant 0 : i32
        %dma_start3A_86 = tpu.memref_slice %arg5[%add3A_78, %dma_start3A_85] : memref<100x128xi32, #tpu.memory_space<vmem>> -> memref<1x128xi32, #tpu.memory_space<vmem>>
        %dma_start3A_87 = tpu.memref_squeeze %dma_start3A_86 : memref<1x128xi32, #tpu.memory_space<vmem>> -> memref<128xi32, #tpu.memory_space<vmem>>
        %dma_start3A_88 = arith.constant 0 : i32
        %dma_start3A_89 = arith.constant 0 : i32
        %dma_start3A_90 = tpu.memref_slice %arg2[%dma_start3A_88, %dma_start3A_89] : memref<1000000x4xf32, #tpu.memory_space<hbm>> -> memref<1000000x4xf32, #tpu.memory_space<hbm>>
        tpu.enqueue_indirect_dma source(%dma_start3A_90 : memref<1000000x4xf32, #tpu.memory_space<hbm>>) target(%dma_start3A_84 : memref<128x4xf32, #tpu.memory_space<vmem>>) offsets(%dma_start3A_87 : memref<128xi32, #tpu.memory_space<vmem>>) semaphore(%arg7 : memref<!tpu.dma_semaphore, #tpu.memory_space<semaphore_mem>>)
        %add3A_91 = arith.constant 3 : i32
        %add3A_92 = arith.addi %add3A_42, %add3A_91 : i32
        %add3A_93 = arith.constant 3 : i32
        %add3A_94 = arith.addi %add3A_42, %add3A_93 : i32
        %dma_start3A_95 = arith.constant 0 : i32
        %dma_start3A_96 = arith.constant 0 : i32
        %dma_start3A_97 = tpu.memref_slice %arg6[%add3A_94, %dma_start3A_95, %dma_start3A_96] : memref<100x128x4xf32, #tpu.memory_space<vmem>> -> memref<1x128x4xf32, #tpu.memory_space<vmem>>
        %dma_start3A_98 = tpu.memref_squeeze %dma_start3A_97 : memref<1x128x4xf32, #tpu.memory_space<vmem>> -> memref<128x4xf32, #tpu.memory_space<vmem>>
        %dma_start3A_99 = arith.constant 0 : i32
        %dma_start3A_100 = tpu.memref_slice %arg5[%add3A_92, %dma_start3A_99] : memref<100x128xi32, #tpu.memory_space<vmem>> -> memref<1x128xi32, #tpu.memory_space<vmem>>
        %dma_start3A_101 = tpu.memref_squeeze %dma_start3A_100 : memref<1x128xi32, #tpu.memory_space<vmem>> -> memref<128xi32, #tpu.memory_space<vmem>>
        %dma_start3A_102 = arith.constant 0 : i32
        %dma_start3A_103 = arith.constant 0 : i32
        %dma_start3A_104 = tpu.memref_slice %arg2[%dma_start3A_102, %dma_start3A_103] : memref<1000000x4xf32, #tpu.memory_space<hbm>> -> memref<1000000x4xf32, #tpu.memory_space<hbm>>
        tpu.enqueue_indirect_dma source(%dma_start3A_104 : memref<1000000x4xf32, #tpu.memory_space<hbm>>) target(%dma_start3A_98 : memref<128x4xf32, #tpu.memory_space<vmem>>) offsets(%dma_start3A_101 : memref<128xi32, #tpu.memory_space<vmem>>) semaphore(%arg7 : memref<!tpu.dma_semaphore, #tpu.memory_space<semaphore_mem>>)
        %add3A_105 = arith.constant 4 : i32
        %add3A_106 = arith.addi %add3A_42, %add3A_105 : i32
        %add3A_107 = arith.constant 4 : i32
        %add3A_108 = arith.addi %add3A_42, %add3A_107 : i32
        %dma_start3A_109 = arith.constant 0 : i32
        %dma_start3A_110 = arith.constant 0 : i32
        %dma_start3A_111 = tpu.memref_slice %arg6[%add3A_108, %dma_start3A_109, %dma_start3A_110] : memref<100x128x4xf32, #tpu.memory_space<vmem>> -> memref<1x128x4xf32, #tpu.memory_space<vmem>>
        %dma_start3A_112 = tpu.memref_squeeze %dma_start3A_111 : memref<1x128x4xf32, #tpu.memory_space<vmem>> -> memref<128x4xf32, #tpu.memory_space<vmem>>
        %dma_start3A_113 = arith.constant 0 : i32
        %dma_start3A_114 = tpu.memref_slice %arg5[%add3A_106, %dma_start3A_113] : memref<100x128xi32, #tpu.memory_space<vmem>> -> memref<1x128xi32, #tpu.memory_space<vmem>>
        %dma_start3A_115 = tpu.memref_squeeze %dma_start3A_114 : memref<1x128xi32, #tpu.memory_space<vmem>> -> memref<128xi32, #tpu.memory_space<vmem>>
        %dma_start3A_116 = arith.constant 0 : i32
        %dma_start3A_117 = arith.constant 0 : i32
        %dma_start3A_118 = tpu.memref_slice %arg2[%dma_start3A_116, %dma_start3A_117] : memref<1000000x4xf32, #tpu.memory_space<hbm>> -> memref<1000000x4xf32, #tpu.memory_space<hbm>>
        tpu.enqueue_indirect_dma source(%dma_start3A_118 : memref<1000000x4xf32, #tpu.memory_space<hbm>>) target(%dma_start3A_112 : memref<128x4xf32, #tpu.memory_space<vmem>>) offsets(%dma_start3A_115 : memref<128xi32, #tpu.memory_space<vmem>>) semaphore(%arg7 : memref<!tpu.dma_semaphore, #tpu.memory_space<semaphore_mem>>)
        %add3A_119 = arith.constant 5 : i32
        %add3A_120 = arith.addi %add3A_42, %add3A_119 : i32
        %add3A_121 = arith.constant 5 : i32
        %add3A_122 = arith.addi %add3A_42, %add3A_121 : i32
        %dma_start3A_123 = arith.constant 0 : i32
        %dma_start3A_124 = arith.constant 0 : i32
        %dma_start3A_125 = tpu.memref_slice %arg6[%add3A_122, %dma_start3A_123, %dma_start3A_124] : memref<100x128x4xf32, #tpu.memory_space<vmem>> -> memref<1x128x4xf32, #tpu.memory_space<vmem>>
        %dma_start3A_126 = tpu.memref_squeeze %dma_start3A_125 : memref<1x128x4xf32, #tpu.memory_space<vmem>> -> memref<128x4xf32, #tpu.memory_space<vmem>>
        %dma_start3A_127 = arith.constant 0 : i32
        %dma_start3A_128 = tpu.memref_slice %arg5[%add3A_120, %dma_start3A_127] : memref<100x128xi32, #tpu.memory_space<vmem>> -> memref<1x128xi32, #tpu.memory_space<vmem>>
        %dma_start3A_129 = tpu.memref_squeeze %dma_start3A_128 : memref<1x128xi32, #tpu.memory_space<vmem>> -> memref<128xi32, #tpu.memory_space<vmem>>
        %dma_start3A_130 = arith.constant 0 : i32
        %dma_start3A_131 = arith.constant 0 : i32
        %dma_start3A_132 = tpu.memref_slice %arg2[%dma_start3A_130, %dma_start3A_131] : memref<1000000x4xf32, #tpu.memory_space<hbm>> -> memref<1000000x4xf32, #tpu.memory_space<hbm>>
        tpu.enqueue_indirect_dma source(%dma_start3A_132 : memref<1000000x4xf32, #tpu.memory_space<hbm>>) target(%dma_start3A_126 : memref<128x4xf32, #tpu.memory_space<vmem>>) offsets(%dma_start3A_129 : memref<128xi32, #tpu.memory_space<vmem>>) semaphore(%arg7 : memref<!tpu.dma_semaphore, #tpu.memory_space<semaphore_mem>>)
        %add3A_133 = arith.constant 6 : i32
        %add3A_134 = arith.addi %add3A_42, %add3A_133 : i32
        %add3A_135 = arith.constant 6 : i32
        %add3A_136 = arith.addi %add3A_42, %add3A_135 : i32
        %dma_start3A_137 = arith.constant 0 : i32
        %dma_start3A_138 = arith.constant 0 : i32
        %dma_start3A_139 = tpu.memref_slice %arg6[%add3A_136, %dma_start3A_137, %dma_start3A_138] : memref<100x128x4xf32, #tpu.memory_space<vmem>> -> memref<1x128x4xf32, #tpu.memory_space<vmem>>
        %dma_start3A_140 = tpu.memref_squeeze %dma_start3A_139 : memref<1x128x4xf32, #tpu.memory_space<vmem>> -> memref<128x4xf32, #tpu.memory_space<vmem>>
        %dma_start3A_141 = arith.constant 0 : i32
        %dma_start3A_142 = tpu.memref_slice %arg5[%add3A_134, %dma_start3A_141] : memref<100x128xi32, #tpu.memory_space<vmem>> -> memref<1x128xi32, #tpu.memory_space<vmem>>
        %dma_start3A_143 = tpu.memref_squeeze %dma_start3A_142 : memref<1x128xi32, #tpu.memory_space<vmem>> -> memref<128xi32, #tpu.memory_space<vmem>>
        %dma_start3A_144 = arith.constant 0 : i32
        %dma_start3A_145 = arith.constant 0 : i32
        %dma_start3A_146 = tpu.memref_slice %arg2[%dma_start3A_144, %dma_start3A_145] : memref<1000000x4xf32, #tpu.memory_space<hbm>> -> memref<1000000x4xf32, #tpu.memory_space<hbm>>
        tpu.enqueue_indirect_dma source(%dma_start3A_146 : memref<1000000x4xf32, #tpu.memory_space<hbm>>) target(%dma_start3A_140 : memref<128x4xf32, #tpu.memory_space<vmem>>) offsets(%dma_start3A_143 : memref<128xi32, #tpu.memory_space<vmem>>) semaphore(%arg7 : memref<!tpu.dma_semaphore, #tpu.memory_space<semaphore_mem>>)
        %add3A_147 = arith.constant 7 : i32
        %add3A_148 = arith.addi %add3A_42, %add3A_147 : i32
        %add3A_149 = arith.constant 7 : i32
        %add3A_150 = arith.addi %add3A_42, %add3A_149 : i32
        %dma_start3A_151 = arith.constant 0 : i32
        %dma_start3A_152 = arith.constant 0 : i32
        %dma_start3A_153 = tpu.memref_slice %arg6[%add3A_150, %dma_start3A_151, %dma_start3A_152] : memref<100x128x4xf32, #tpu.memory_space<vmem>> -> memref<1x128x4xf32, #tpu.memory_space<vmem>>
        %dma_start3A_154 = tpu.memref_squeeze %dma_start3A_153 : memref<1x128x4xf32, #tpu.memory_space<vmem>> -> memref<128x4xf32, #tpu.memory_space<vmem>>
        %dma_start3A_155 = arith.constant 0 : i32
        %dma_start3A_156 = tpu.memref_slice %arg5[%add3A_148, %dma_start3A_155] : memref<100x128xi32, #tpu.memory_space<vmem>> -> memref<1x128xi32, #tpu.memory_space<vmem>>
        %dma_start3A_157 = tpu.memref_squeeze %dma_start3A_156 : memref<1x128xi32, #tpu.memory_space<vmem>> -> memref<128xi32, #tpu.memory_space<vmem>>
        %dma_start3A_158 = arith.constant 0 : i32
        %dma_start3A_159 = arith.constant 0 : i32
        %dma_start3A_160 = tpu.memref_slice %arg2[%dma_start3A_158, %dma_start3A_159] : memref<1000000x4xf32, #tpu.memory_space<hbm>> -> memref<1000000x4xf32, #tpu.memory_space<hbm>>
        tpu.enqueue_indirect_dma source(%dma_start3A_160 : memref<1000000x4xf32, #tpu.memory_space<hbm>>) target(%dma_start3A_154 : memref<128x4xf32, #tpu.memory_space<vmem>>) offsets(%dma_start3A_157 : memref<128xi32, #tpu.memory_space<vmem>>) semaphore(%arg7 : memref<!tpu.dma_semaphore, #tpu.memory_space<semaphore_mem>>)
        %add3A_161 = arith.constant 8 : i32
        %add3A_162 = arith.addi %add3A_42, %add3A_161 : i32
        %add3A_163 = arith.constant 8 : i32
        %add3A_164 = arith.addi %add3A_42, %add3A_163 : i32
        %dma_start3A_165 = arith.constant 0 : i32
        %dma_start3A_166 = arith.constant 0 : i32
        %dma_start3A_167 = tpu.memref_slice %arg6[%add3A_164, %dma_start3A_165, %dma_start3A_166] : memref<100x128x4xf32, #tpu.memory_space<vmem>> -> memref<1x128x4xf32, #tpu.memory_space<vmem>>
        %dma_start3A_168 = tpu.memref_squeeze %dma_start3A_167 : memref<1x128x4xf32, #tpu.memory_space<vmem>> -> memref<128x4xf32, #tpu.memory_space<vmem>>
        %dma_start3A_169 = arith.constant 0 : i32
        %dma_start3A_170 = tpu.memref_slice %arg5[%add3A_162, %dma_start3A_169] : memref<100x128xi32, #tpu.memory_space<vmem>> -> memref<1x128xi32, #tpu.memory_space<vmem>>
        %dma_start3A_171 = tpu.memref_squeeze %dma_start3A_170 : memref<1x128xi32, #tpu.memory_space<vmem>> -> memref<128xi32, #tpu.memory_space<vmem>>
        %dma_start3A_172 = arith.constant 0 : i32
        %dma_start3A_173 = arith.constant 0 : i32
        %dma_start3A_174 = tpu.memref_slice %arg2[%dma_start3A_172, %dma_start3A_173] : memref<1000000x4xf32, #tpu.memory_space<hbm>> -> memref<1000000x4xf32, #tpu.memory_space<hbm>>
        tpu.enqueue_indirect_dma source(%dma_start3A_174 : memref<1000000x4xf32, #tpu.memory_space<hbm>>) target(%dma_start3A_168 : memref<128x4xf32, #tpu.memory_space<vmem>>) offsets(%dma_start3A_171 : memref<128xi32, #tpu.memory_space<vmem>>) semaphore(%arg7 : memref<!tpu.dma_semaphore, #tpu.memory_space<semaphore_mem>>)
        %add3A_175 = arith.constant 9 : i32
        %add3A_176 = arith.addi %add3A_42, %add3A_175 : i32
        %add3A_177 = arith.constant 9 : i32
        %add3A_178 = arith.addi %add3A_42, %add3A_177 : i32
        %dma_start3A_179 = arith.constant 0 : i32
        %dma_start3A_180 = arith.constant 0 : i32
        %dma_start3A_181 = tpu.memref_slice %arg6[%add3A_178, %dma_start3A_179, %dma_start3A_180] : memref<100x128x4xf32, #tpu.memory_space<vmem>> -> memref<1x128x4xf32, #tpu.memory_space<vmem>>
        %dma_start3A_182 = tpu.memref_squeeze %dma_start3A_181 : memref<1x128x4xf32, #tpu.memory_space<vmem>> -> memref<128x4xf32, #tpu.memory_space<vmem>>
        %dma_start3A_183 = arith.constant 0 : i32
        %dma_start3A_184 = tpu.memref_slice %arg5[%add3A_176, %dma_start3A_183] : memref<100x128xi32, #tpu.memory_space<vmem>> -> memref<1x128xi32, #tpu.memory_space<vmem>>
        %dma_start3A_185 = tpu.memref_squeeze %dma_start3A_184 : memref<1x128xi32, #tpu.memory_space<vmem>> -> memref<128xi32, #tpu.memory_space<vmem>>
        %dma_start3A_186 = arith.constant 0 : i32
        %dma_start3A_187 = arith.constant 0 : i32
        %dma_start3A_188 = tpu.memref_slice %arg2[%dma_start3A_186, %dma_start3A_187] : memref<1000000x4xf32, #tpu.memory_space<hbm>> -> memref<1000000x4xf32, #tpu.memory_space<hbm>>
        tpu.enqueue_indirect_dma source(%dma_start3A_188 : memref<1000000x4xf32, #tpu.memory_space<hbm>>) target(%dma_start3A_182 : memref<128x4xf32, #tpu.memory_space<vmem>>) offsets(%dma_start3A_185 : memref<128xi32, #tpu.memory_space<vmem>>) semaphore(%arg7 : memref<!tpu.dma_semaphore, #tpu.memory_space<semaphore_mem>>)
      } else {
      }
      %ge3A = arith.constant 10 : i32
      %ge3A_45 = arith.cmpi sge, %add3A_42, %ge3A : i32
      %convert_element_type3A_46 = arith.extui %ge3A_45 : i1 to i32
      %cond3A_47 = arith.constant 0 : i32
      %cond3A_48 = arith.cmpi ne, %convert_element_type3A_46, %cond3A_47 : i32
      scf.if %cond3A_48 {
        %sub3A = arith.constant 10 : i32
        %sub3A_49 = arith.subi %add3A_42, %sub3A : i32
        %add3A_50 = arith.constant 0 : i32
        %add3A_51 = arith.addi %sub3A_49, %add3A_50 : i32
        %add3A_52 = arith.constant 0 : i32
        %add3A_53 = arith.addi %sub3A_49, %add3A_52 : i32
        %dma_wait3A_54 = arith.constant 0 : i32
        %dma_wait3A_55 = arith.constant 0 : i32
        %dma_wait3A_56 = tpu.memref_slice %arg6[%add3A_53, %dma_wait3A_54, %dma_wait3A_55] : memref<100x128x4xf32, #tpu.memory_space<vmem>> -> memref<1x128x4xf32, #tpu.memory_space<vmem>>
        %dma_wait3A_57 = tpu.memref_squeeze %dma_wait3A_56 : memref<1x128x4xf32, #tpu.memory_space<vmem>> -> memref<128x4xf32, #tpu.memory_space<vmem>>
        %dma_wait3A_58 = arith.constant 0 : i32
        %dma_wait3A_59 = tpu.memref_slice %arg5[%add3A_51, %dma_wait3A_58] : memref<100x128xi32, #tpu.memory_space<vmem>> -> memref<1x128xi32, #tpu.memory_space<vmem>>
        %dma_wait3A_60 = tpu.memref_squeeze %dma_wait3A_59 : memref<1x128xi32, #tpu.memory_space<vmem>> -> memref<128xi32, #tpu.memory_space<vmem>>
        %dma_wait3A_61 = arith.constant 0 : i32
        %dma_wait3A_62 = arith.constant 0 : i32
        %dma_wait3A_63 = tpu.memref_slice %arg2[%dma_wait3A_61, %dma_wait3A_62] : memref<1000000x4xf32, #tpu.memory_space<hbm>> -> memref<1000000x4xf32, #tpu.memory_space<hbm>>
        tpu.wait_indirect_dma semaphore(%arg7 : memref<!tpu.dma_semaphore, #tpu.memory_space<semaphore_mem>>) src(%dma_wait3A_63 : memref<1000000x4xf32, #tpu.memory_space<hbm>>) dst(%dma_wait3A_57 : memref<128x4xf32, #tpu.memory_space<vmem>>)
        %add3A_64 = arith.constant 1 : i32
        %add3A_65 = arith.addi %sub3A_49, %add3A_64 : i32
        %add3A_66 = arith.constant 1 : i32
        %add3A_67 = arith.addi %sub3A_49, %add3A_66 : i32
        %dma_wait3A_68 = arith.constant 0 : i32
        %dma_wait3A_69 = arith.constant 0 : i32
        %dma_wait3A_70 = tpu.memref_slice %arg6[%add3A_67, %dma_wait3A_68, %dma_wait3A_69] : memref<100x128x4xf32, #tpu.memory_space<vmem>> -> memref<1x128x4xf32, #tpu.memory_space<vmem>>
        %dma_wait3A_71 = tpu.memref_squeeze %dma_wait3A_70 : memref<1x128x4xf32, #tpu.memory_space<vmem>> -> memref<128x4xf32, #tpu.memory_space<vmem>>
        %dma_wait3A_72 = arith.constant 0 : i32
        %dma_wait3A_73 = tpu.memref_slice %arg5[%add3A_65, %dma_wait3A_72] : memref<100x128xi32, #tpu.memory_space<vmem>> -> memref<1x128xi32, #tpu.memory_space<vmem>>
        %dma_wait3A_74 = tpu.memref_squeeze %dma_wait3A_73 : memref<1x128xi32, #tpu.memory_space<vmem>> -> memref<128xi32, #tpu.memory_space<vmem>>
        %dma_wait3A_75 = arith.constant 0 : i32
        %dma_wait3A_76 = arith.constant 0 : i32
        %dma_wait3A_77 = tpu.memref_slice %arg2[%dma_wait3A_75, %dma_wait3A_76] : memref<1000000x4xf32, #tpu.memory_space<hbm>> -> memref<1000000x4xf32, #tpu.memory_space<hbm>>
        tpu.wait_indirect_dma semaphore(%arg7 : memref<!tpu.dma_semaphore, #tpu.memory_space<semaphore_mem>>) src(%dma_wait3A_77 : memref<1000000x4xf32, #tpu.memory_space<hbm>>) dst(%dma_wait3A_71 : memref<128x4xf32, #tpu.memory_space<vmem>>)
        %add3A_78 = arith.constant 2 : i32
        %add3A_79 = arith.addi %sub3A_49, %add3A_78 : i32
        %add3A_80 = arith.constant 2 : i32
        %add3A_81 = arith.addi %sub3A_49, %add3A_80 : i32
        %dma_wait3A_82 = arith.constant 0 : i32
        %dma_wait3A_83 = arith.constant 0 : i32
        %dma_wait3A_84 = tpu.memref_slice %arg6[%add3A_81, %dma_wait3A_82, %dma_wait3A_83] : memref<100x128x4xf32, #tpu.memory_space<vmem>> -> memref<1x128x4xf32, #tpu.memory_space<vmem>>
        %dma_wait3A_85 = tpu.memref_squeeze %dma_wait3A_84 : memref<1x128x4xf32, #tpu.memory_space<vmem>> -> memref<128x4xf32, #tpu.memory_space<vmem>>
        %dma_wait3A_86 = arith.constant 0 : i32
        %dma_wait3A_87 = tpu.memref_slice %arg5[%add3A_79, %dma_wait3A_86] : memref<100x128xi32, #tpu.memory_space<vmem>> -> memref<1x128xi32, #tpu.memory_space<vmem>>
        %dma_wait3A_88 = tpu.memref_squeeze %dma_wait3A_87 : memref<1x128xi32, #tpu.memory_space<vmem>> -> memref<128xi32, #tpu.memory_space<vmem>>
        %dma_wait3A_89 = arith.constant 0 : i32
        %dma_wait3A_90 = arith.constant 0 : i32
        %dma_wait3A_91 = tpu.memref_slice %arg2[%dma_wait3A_89, %dma_wait3A_90] : memref<1000000x4xf32, #tpu.memory_space<hbm>> -> memref<1000000x4xf32, #tpu.memory_space<hbm>>
        tpu.wait_indirect_dma semaphore(%arg7 : memref<!tpu.dma_semaphore, #tpu.memory_space<semaphore_mem>>) src(%dma_wait3A_91 : memref<1000000x4xf32, #tpu.memory_space<hbm>>) dst(%dma_wait3A_85 : memref<128x4xf32, #tpu.memory_space<vmem>>)
        %add3A_92 = arith.constant 3 : i32
        %add3A_93 = arith.addi %sub3A_49, %add3A_92 : i32
        %add3A_94 = arith.constant 3 : i32
        %add3A_95 = arith.addi %sub3A_49, %add3A_94 : i32
        %dma_wait3A_96 = arith.constant 0 : i32
        %dma_wait3A_97 = arith.constant 0 : i32
        %dma_wait3A_98 = tpu.memref_slice %arg6[%add3A_95, %dma_wait3A_96, %dma_wait3A_97] : memref<100x128x4xf32, #tpu.memory_space<vmem>> -> memref<1x128x4xf32, #tpu.memory_space<vmem>>
        %dma_wait3A_99 = tpu.memref_squeeze %dma_wait3A_98 : memref<1x128x4xf32, #tpu.memory_space<vmem>> -> memref<128x4xf32, #tpu.memory_space<vmem>>
        %dma_wait3A_100 = arith.constant 0 : i32
        %dma_wait3A_101 = tpu.memref_slice %arg5[%add3A_93, %dma_wait3A_100] : memref<100x128xi32, #tpu.memory_space<vmem>> -> memref<1x128xi32, #tpu.memory_space<vmem>>
        %dma_wait3A_102 = tpu.memref_squeeze %dma_wait3A_101 : memref<1x128xi32, #tpu.memory_space<vmem>> -> memref<128xi32, #tpu.memory_space<vmem>>
        %dma_wait3A_103 = arith.constant 0 : i32
        %dma_wait3A_104 = arith.constant 0 : i32
        %dma_wait3A_105 = tpu.memref_slice %arg2[%dma_wait3A_103, %dma_wait3A_104] : memref<1000000x4xf32, #tpu.memory_space<hbm>> -> memref<1000000x4xf32, #tpu.memory_space<hbm>>
        tpu.wait_indirect_dma semaphore(%arg7 : memref<!tpu.dma_semaphore, #tpu.memory_space<semaphore_mem>>) src(%dma_wait3A_105 : memref<1000000x4xf32, #tpu.memory_space<hbm>>) dst(%dma_wait3A_99 : memref<128x4xf32, #tpu.memory_space<vmem>>)
        %add3A_106 = arith.constant 4 : i32
        %add3A_107 = arith.addi %sub3A_49, %add3A_106 : i32
        %add3A_108 = arith.constant 4 : i32
        %add3A_109 = arith.addi %sub3A_49, %add3A_108 : i32
        %dma_wait3A_110 = arith.constant 0 : i32
        %dma_wait3A_111 = arith.constant 0 : i32
        %dma_wait3A_112 = tpu.memref_slice %arg6[%add3A_109, %dma_wait3A_110, %dma_wait3A_111] : memref<100x128x4xf32, #tpu.memory_space<vmem>> -> memref<1x128x4xf32, #tpu.memory_space<vmem>>
        %dma_wait3A_113 = tpu.memref_squeeze %dma_wait3A_112 : memref<1x128x4xf32, #tpu.memory_space<vmem>> -> memref<128x4xf32, #tpu.memory_space<vmem>>
        %dma_wait3A_114 = arith.constant 0 : i32
        %dma_wait3A_115 = tpu.memref_slice %arg5[%add3A_107, %dma_wait3A_114] : memref<100x128xi32, #tpu.memory_space<vmem>> -> memref<1x128xi32, #tpu.memory_space<vmem>>
        %dma_wait3A_116 = tpu.memref_squeeze %dma_wait3A_115 : memref<1x128xi32, #tpu.memory_space<vmem>> -> memref<128xi32, #tpu.memory_space<vmem>>
        %dma_wait3A_117 = arith.constant 0 : i32
        %dma_wait3A_118 = arith.constant 0 : i32
        %dma_wait3A_119 = tpu.memref_slice %arg2[%dma_wait3A_117, %dma_wait3A_118] : memref<1000000x4xf32, #tpu.memory_space<hbm>> -> memref<1000000x4xf32, #tpu.memory_space<hbm>>
        tpu.wait_indirect_dma semaphore(%arg7 : memref<!tpu.dma_semaphore, #tpu.memory_space<semaphore_mem>>) src(%dma_wait3A_119 : memref<1000000x4xf32, #tpu.memory_space<hbm>>) dst(%dma_wait3A_113 : memref<128x4xf32, #tpu.memory_space<vmem>>)
        %add3A_120 = arith.constant 5 : i32
        %add3A_121 = arith.addi %sub3A_49, %add3A_120 : i32
        %add3A_122 = arith.constant 5 : i32
        %add3A_123 = arith.addi %sub3A_49, %add3A_122 : i32
        %dma_wait3A_124 = arith.constant 0 : i32
        %dma_wait3A_125 = arith.constant 0 : i32
        %dma_wait3A_126 = tpu.memref_slice %arg6[%add3A_123, %dma_wait3A_124, %dma_wait3A_125] : memref<100x128x4xf32, #tpu.memory_space<vmem>> -> memref<1x128x4xf32, #tpu.memory_space<vmem>>
        %dma_wait3A_127 = tpu.memref_squeeze %dma_wait3A_126 : memref<1x128x4xf32, #tpu.memory_space<vmem>> -> memref<128x4xf32, #tpu.memory_space<vmem>>
        %dma_wait3A_128 = arith.constant 0 : i32
        %dma_wait3A_129 = tpu.memref_slice %arg5[%add3A_121, %dma_wait3A_128] : memref<100x128xi32, #tpu.memory_space<vmem>> -> memref<1x128xi32, #tpu.memory_space<vmem>>
        %dma_wait3A_130 = tpu.memref_squeeze %dma_wait3A_129 : memref<1x128xi32, #tpu.memory_space<vmem>> -> memref<128xi32, #tpu.memory_space<vmem>>
        %dma_wait3A_131 = arith.constant 0 : i32
        %dma_wait3A_132 = arith.constant 0 : i32
        %dma_wait3A_133 = tpu.memref_slice %arg2[%dma_wait3A_131, %dma_wait3A_132] : memref<1000000x4xf32, #tpu.memory_space<hbm>> -> memref<1000000x4xf32, #tpu.memory_space<hbm>>
        tpu.wait_indirect_dma semaphore(%arg7 : memref<!tpu.dma_semaphore, #tpu.memory_space<semaphore_mem>>) src(%dma_wait3A_133 : memref<1000000x4xf32, #tpu.memory_space<hbm>>) dst(%dma_wait3A_127 : memref<128x4xf32, #tpu.memory_space<vmem>>)
        %add3A_134 = arith.constant 6 : i32
        %add3A_135 = arith.addi %sub3A_49, %add3A_134 : i32
        %add3A_136 = arith.constant 6 : i32
        %add3A_137 = arith.addi %sub3A_49, %add3A_136 : i32
        %dma_wait3A_138 = arith.constant 0 : i32
        %dma_wait3A_139 = arith.constant 0 : i32
        %dma_wait3A_140 = tpu.memref_slice %arg6[%add3A_137, %dma_wait3A_138, %dma_wait3A_139] : memref<100x128x4xf32, #tpu.memory_space<vmem>> -> memref<1x128x4xf32, #tpu.memory_space<vmem>>
        %dma_wait3A_141 = tpu.memref_squeeze %dma_wait3A_140 : memref<1x128x4xf32, #tpu.memory_space<vmem>> -> memref<128x4xf32, #tpu.memory_space<vmem>>
        %dma_wait3A_142 = arith.constant 0 : i32
        %dma_wait3A_143 = tpu.memref_slice %arg5[%add3A_135, %dma_wait3A_142] : memref<100x128xi32, #tpu.memory_space<vmem>> -> memref<1x128xi32, #tpu.memory_space<vmem>>
        %dma_wait3A_144 = tpu.memref_squeeze %dma_wait3A_143 : memref<1x128xi32, #tpu.memory_space<vmem>> -> memref<128xi32, #tpu.memory_space<vmem>>
        %dma_wait3A_145 = arith.constant 0 : i32
        %dma_wait3A_146 = arith.constant 0 : i32
        %dma_wait3A_147 = tpu.memref_slice %arg2[%dma_wait3A_145, %dma_wait3A_146] : memref<1000000x4xf32, #tpu.memory_space<hbm>> -> memref<1000000x4xf32, #tpu.memory_space<hbm>>
        tpu.wait_indirect_dma semaphore(%arg7 : memref<!tpu.dma_semaphore, #tpu.memory_space<semaphore_mem>>) src(%dma_wait3A_147 : memref<1000000x4xf32, #tpu.memory_space<hbm>>) dst(%dma_wait3A_141 : memref<128x4xf32, #tpu.memory_space<vmem>>)
        %add3A_148 = arith.constant 7 : i32
        %add3A_149 = arith.addi %sub3A_49, %add3A_148 : i32
        %add3A_150 = arith.constant 7 : i32
        %add3A_151 = arith.addi %sub3A_49, %add3A_150 : i32
        %dma_wait3A_152 = arith.constant 0 : i32
        %dma_wait3A_153 = arith.constant 0 : i32
        %dma_wait3A_154 = tpu.memref_slice %arg6[%add3A_151, %dma_wait3A_152, %dma_wait3A_153] : memref<100x128x4xf32, #tpu.memory_space<vmem>> -> memref<1x128x4xf32, #tpu.memory_space<vmem>>
        %dma_wait3A_155 = tpu.memref_squeeze %dma_wait3A_154 : memref<1x128x4xf32, #tpu.memory_space<vmem>> -> memref<128x4xf32, #tpu.memory_space<vmem>>
        %dma_wait3A_156 = arith.constant 0 : i32
        %dma_wait3A_157 = tpu.memref_slice %arg5[%add3A_149, %dma_wait3A_156] : memref<100x128xi32, #tpu.memory_space<vmem>> -> memref<1x128xi32, #tpu.memory_space<vmem>>
        %dma_wait3A_158 = tpu.memref_squeeze %dma_wait3A_157 : memref<1x128xi32, #tpu.memory_space<vmem>> -> memref<128xi32, #tpu.memory_space<vmem>>
        %dma_wait3A_159 = arith.constant 0 : i32
        %dma_wait3A_160 = arith.constant 0 : i32
        %dma_wait3A_161 = tpu.memref_slice %arg2[%dma_wait3A_159, %dma_wait3A_160] : memref<1000000x4xf32, #tpu.memory_space<hbm>> -> memref<1000000x4xf32, #tpu.memory_space<hbm>>
        tpu.wait_indirect_dma semaphore(%arg7 : memref<!tpu.dma_semaphore, #tpu.memory_space<semaphore_mem>>) src(%dma_wait3A_161 : memref<1000000x4xf32, #tpu.memory_space<hbm>>) dst(%dma_wait3A_155 : memref<128x4xf32, #tpu.memory_space<vmem>>)
        %add3A_162 = arith.constant 8 : i32
        %add3A_163 = arith.addi %sub3A_49, %add3A_162 : i32
        %add3A_164 = arith.constant 8 : i32
        %add3A_165 = arith.addi %sub3A_49, %add3A_164 : i32
        %dma_wait3A_166 = arith.constant 0 : i32
        %dma_wait3A_167 = arith.constant 0 : i32
        %dma_wait3A_168 = tpu.memref_slice %arg6[%add3A_165, %dma_wait3A_166, %dma_wait3A_167] : memref<100x128x4xf32, #tpu.memory_space<vmem>> -> memref<1x128x4xf32, #tpu.memory_space<vmem>>
        %dma_wait3A_169 = tpu.memref_squeeze %dma_wait3A_168 : memref<1x128x4xf32, #tpu.memory_space<vmem>> -> memref<128x4xf32, #tpu.memory_space<vmem>>
        %dma_wait3A_170 = arith.constant 0 : i32
        %dma_wait3A_171 = tpu.memref_slice %arg5[%add3A_163, %dma_wait3A_170] : memref<100x128xi32, #tpu.memory_space<vmem>> -> memref<1x128xi32, #tpu.memory_space<vmem>>
        %dma_wait3A_172 = tpu.memref_squeeze %dma_wait3A_171 : memref<1x128xi32, #tpu.memory_space<vmem>> -> memref<128xi32, #tpu.memory_space<vmem>>
        %dma_wait3A_173 = arith.constant 0 : i32
        %dma_wait3A_174 = arith.constant 0 : i32
        %dma_wait3A_175 = tpu.memref_slice %arg2[%dma_wait3A_173, %dma_wait3A_174] : memref<1000000x4xf32, #tpu.memory_space<hbm>> -> memref<1000000x4xf32, #tpu.memory_space<hbm>>
        tpu.wait_indirect_dma semaphore(%arg7 : memref<!tpu.dma_semaphore, #tpu.memory_space<semaphore_mem>>) src(%dma_wait3A_175 : memref<1000000x4xf32, #tpu.memory_space<hbm>>) dst(%dma_wait3A_169 : memref<128x4xf32, #tpu.memory_space<vmem>>)
        %add3A_176 = arith.constant 9 : i32
        %add3A_177 = arith.addi %sub3A_49, %add3A_176 : i32
        %add3A_178 = arith.constant 9 : i32
        %add3A_179 = arith.addi %sub3A_49, %add3A_178 : i32
        %dma_wait3A_180 = arith.constant 0 : i32
        %dma_wait3A_181 = arith.constant 0 : i32
        %dma_wait3A_182 = tpu.memref_slice %arg6[%add3A_179, %dma_wait3A_180, %dma_wait3A_181] : memref<100x128x4xf32, #tpu.memory_space<vmem>> -> memref<1x128x4xf32, #tpu.memory_space<vmem>>
        %dma_wait3A_183 = tpu.memref_squeeze %dma_wait3A_182 : memref<1x128x4xf32, #tpu.memory_space<vmem>> -> memref<128x4xf32, #tpu.memory_space<vmem>>
        %dma_wait3A_184 = arith.constant 0 : i32
        %dma_wait3A_185 = tpu.memref_slice %arg5[%add3A_177, %dma_wait3A_184] : memref<100x128xi32, #tpu.memory_space<vmem>> -> memref<1x128xi32, #tpu.memory_space<vmem>>
        %dma_wait3A_186 = tpu.memref_squeeze %dma_wait3A_185 : memref<1x128xi32, #tpu.memory_space<vmem>> -> memref<128xi32, #tpu.memory_space<vmem>>
        %dma_wait3A_187 = arith.constant 0 : i32
        %dma_wait3A_188 = arith.constant 0 : i32
        %dma_wait3A_189 = tpu.memref_slice %arg2[%dma_wait3A_187, %dma_wait3A_188] : memref<1000000x4xf32, #tpu.memory_space<hbm>> -> memref<1000000x4xf32, #tpu.memory_space<hbm>>
        tpu.wait_indirect_dma semaphore(%arg7 : memref<!tpu.dma_semaphore, #tpu.memory_space<semaphore_mem>>) src(%dma_wait3A_189 : memref<1000000x4xf32, #tpu.memory_space<hbm>>) dst(%dma_wait3A_183 : memref<128x4xf32, #tpu.memory_space<vmem>>)
      } else {
      }
    }
    %scan3A_8 = arith.constant 11 : i32
    %dma_start3A = arith.constant 0 : i32
    %dma_start3A_9 = arith.constant 0 : i32
    %dma_start3A_10 = tpu.memref_slice %arg4[%add3A_4, %dma_start3A, %dma_start3A_9] : memref<6400x128x4xf32, #tpu.memory_space<hbm>> -> memref<100x128x4xf32, #tpu.memory_space<hbm>>
    %dma_start3A_11 = arith.constant 0 : i32
    %dma_start3A_12 = arith.constant 0 : i32
    %dma_start3A_13 = tpu.memref_slice %arg4[%add3A_4, %dma_start3A_11, %dma_start3A_12] : memref<6400x128x4xf32, #tpu.memory_space<hbm>> -> memref<100x128x4xf32, #tpu.memory_space<hbm>>
    tpu.enqueue_dma source(%arg6 : memref<100x128x4xf32, #tpu.memory_space<vmem>>) target(%dma_start3A_13 : memref<100x128x4xf32, #tpu.memory_space<hbm>>) target_semaphore(%arg8 : memref<!tpu.dma_semaphore, #tpu.memory_space<semaphore_mem>>)
    %dma_wait3A = arith.constant 0 : i32
    %dma_wait3A_14 = arith.constant 0 : i32
    %dma_wait3A_15 = tpu.memref_slice %arg4[%add3A_4, %dma_wait3A, %dma_wait3A_14] : memref<6400x128x4xf32, #tpu.memory_space<hbm>> -> memref<100x128x4xf32, #tpu.memory_space<hbm>>
    %dma_wait3A_16 = arith.constant 0 : i32
    %dma_wait3A_17 = arith.constant 0 : i32
    %dma_wait3A_18 = tpu.memref_slice %arg4[%add3A_4, %dma_wait3A_16, %dma_wait3A_17] : memref<6400x128x4xf32, #tpu.memory_space<hbm>> -> memref<100x128x4xf32, #tpu.memory_space<hbm>>
    tpu.wait_dma2 semaphore(%arg8 : memref<!tpu.dma_semaphore, #tpu.memory_space<semaphore_mem>>) src(%arg6 : memref<100x128x4xf32, #tpu.memory_space<vmem>>) dst(%dma_wait3A_18 : memref<100x128x4xf32, #tpu.memory_space<hbm>>)
    %add3A_19 = arith.constant 100 : i32
    %add3A_20 = arith.addi %mul3A_2, %add3A_19 : i32
    "tpu.region"() ({
      %run_scoped3A = tpu.sem_alloc : memref<!tpu.dma_semaphore, #tpu.memory_space<semaphore_mem>>
      %dma_start3A_38 = arith.constant 0 : i32
      %dma_start3A_39 = tpu.memref_slice %arg3[%add3A_20, %dma_start3A_38] : memref<6400x128xi32, #tpu.memory_space<hbm>> -> memref<100x128xi32, #tpu.memory_space<hbm>>
      %dma_start3A_40 = arith.constant 0 : i32
      %dma_start3A_41 = tpu.memref_slice %arg3[%add3A_20, %dma_start3A_40] : memref<6400x128xi32, #tpu.memory_space<hbm>> -> memref<100x128xi32, #tpu.memory_space<hbm>>
      tpu.enqueue_dma source(%dma_start3A_41 : memref<100x128xi32, #tpu.memory_space<hbm>>) target(%arg5 : memref<100x128xi32, #tpu.memory_space<vmem>>) target_semaphore(%run_scoped3A : memref<!tpu.dma_semaphore, #tpu.memory_space<semaphore_mem>>)
      %dma_wait3A_42 = arith.constant 0 : i32
      %dma_wait3A_43 = tpu.memref_slice %arg3[%add3A_20, %dma_wait3A_42] : memref<6400x128xi32, #tpu.memory_space<hbm>> -> memref<100x128xi32, #tpu.memory_space<hbm>>
      %dma_wait3A_44 = arith.constant 0 : i32
      %dma_wait3A_45 = tpu.memref_slice %arg3[%add3A_20, %dma_wait3A_44] : memref<6400x128xi32, #tpu.memory_space<hbm>> -> memref<100x128xi32, #tpu.memory_space<hbm>>
      tpu.wait_dma2 semaphore(%run_scoped3A : memref<!tpu.dma_semaphore, #tpu.memory_space<semaphore_mem>>) src(%dma_wait3A_45 : memref<100x128xi32, #tpu.memory_space<hbm>>) dst(%arg5 : memref<100x128xi32, #tpu.memory_space<vmem>>)
      tpu.yield
    }) : () -> ()
    %scan3A_21 = arith.constant 0 : i32
    %scan3A_22 = arith.constant 11 : i32
    %scan3A_23 = arith.addi %scan3A_21, %scan3A_22 : i32
    %scan3A_24 = arith.constant 1 : i32
    scf.for %scan3A_38 = %scan3A_21 to %scan3A_23 step %scan3A_24  : i32 {
      %mul3A_39 = arith.constant 10 : i32
      %mul3A_40 = arith.muli %scan3A_38, %mul3A_39 : i32
      %add3A_41 = arith.constant 0 : i32
      %add3A_42 = arith.addi %add3A_41, %mul3A_40 : i32
      %lt3A = arith.constant 100 : i32
      %lt3A_43 = arith.cmpi slt, %add3A_42, %lt3A : i32
      %convert_element_type3A = arith.extui %lt3A_43 : i1 to i32
      %cond3A = arith.constant 0 : i32
      %cond3A_44 = arith.cmpi ne, %convert_element_type3A, %cond3A : i32
      scf.if %cond3A_44 {
        %add3A_49 = arith.constant 0 : i32
        %add3A_50 = arith.addi %add3A_42, %add3A_49 : i32
        %add3A_51 = arith.constant 0 : i32
        %add3A_52 = arith.addi %add3A_42, %add3A_51 : i32
        %dma_start3A_53 = arith.constant 0 : i32
        %dma_start3A_54 = arith.constant 0 : i32
        %dma_start3A_55 = tpu.memref_slice %arg6[%add3A_52, %dma_start3A_53, %dma_start3A_54] : memref<100x128x4xf32, #tpu.memory_space<vmem>> -> memref<1x128x4xf32, #tpu.memory_space<vmem>>
        %dma_start3A_56 = tpu.memref_squeeze %dma_start3A_55 : memref<1x128x4xf32, #tpu.memory_space<vmem>> -> memref<128x4xf32, #tpu.memory_space<vmem>>
        %dma_start3A_57 = arith.constant 0 : i32
        %dma_start3A_58 = tpu.memref_slice %arg5[%add3A_50, %dma_start3A_57] : memref<100x128xi32, #tpu.memory_space<vmem>> -> memref<1x128xi32, #tpu.memory_space<vmem>>
        %dma_start3A_59 = tpu.memref_squeeze %dma_start3A_58 : memref<1x128xi32, #tpu.memory_space<vmem>> -> memref<128xi32, #tpu.memory_space<vmem>>
        %dma_start3A_60 = arith.constant 0 : i32
        %dma_start3A_61 = arith.constant 0 : i32
        %dma_start3A_62 = tpu.memref_slice %arg2[%dma_start3A_60, %dma_start3A_61] : memref<1000000x4xf32, #tpu.memory_space<hbm>> -> memref<1000000x4xf32, #tpu.memory_space<hbm>>
        tpu.enqueue_indirect_dma source(%dma_start3A_62 : memref<1000000x4xf32, #tpu.memory_space<hbm>>) target(%dma_start3A_56 : memref<128x4xf32, #tpu.memory_space<vmem>>) offsets(%dma_start3A_59 : memref<128xi32, #tpu.memory_space<vmem>>) semaphore(%arg7 : memref<!tpu.dma_semaphore, #tpu.memory_space<semaphore_mem>>)
        %add3A_63 = arith.constant 1 : i32
        %add3A_64 = arith.addi %add3A_42, %add3A_63 : i32
        %add3A_65 = arith.constant 1 : i32
        %add3A_66 = arith.addi %add3A_42, %add3A_65 : i32
        %dma_start3A_67 = arith.constant 0 : i32
        %dma_start3A_68 = arith.constant 0 : i32
        %dma_start3A_69 = tpu.memref_slice %arg6[%add3A_66, %dma_start3A_67, %dma_start3A_68] : memref<100x128x4xf32, #tpu.memory_space<vmem>> -> memref<1x128x4xf32, #tpu.memory_space<vmem>>
        %dma_start3A_70 = tpu.memref_squeeze %dma_start3A_69 : memref<1x128x4xf32, #tpu.memory_space<vmem>> -> memref<128x4xf32, #tpu.memory_space<vmem>>
        %dma_start3A_71 = arith.constant 0 : i32
        %dma_start3A_72 = tpu.memref_slice %arg5[%add3A_64, %dma_start3A_71] : memref<100x128xi32, #tpu.memory_space<vmem>> -> memref<1x128xi32, #tpu.memory_space<vmem>>
        %dma_start3A_73 = tpu.memref_squeeze %dma_start3A_72 : memref<1x128xi32, #tpu.memory_space<vmem>> -> memref<128xi32, #tpu.memory_space<vmem>>
        %dma_start3A_74 = arith.constant 0 : i32
        %dma_start3A_75 = arith.constant 0 : i32
        %dma_start3A_76 = tpu.memref_slice %arg2[%dma_start3A_74, %dma_start3A_75] : memref<1000000x4xf32, #tpu.memory_space<hbm>> -> memref<1000000x4xf32, #tpu.memory_space<hbm>>
        tpu.enqueue_indirect_dma source(%dma_start3A_76 : memref<1000000x4xf32, #tpu.memory_space<hbm>>) target(%dma_start3A_70 : memref<128x4xf32, #tpu.memory_space<vmem>>) offsets(%dma_start3A_73 : memref<128xi32, #tpu.memory_space<vmem>>) semaphore(%arg7 : memref<!tpu.dma_semaphore, #tpu.memory_space<semaphore_mem>>)
        %add3A_77 = arith.constant 2 : i32
        %add3A_78 = arith.addi %add3A_42, %add3A_77 : i32
        %add3A_79 = arith.constant 2 : i32
        %add3A_80 = arith.addi %add3A_42, %add3A_79 : i32
        %dma_start3A_81 = arith.constant 0 : i32
        %dma_start3A_82 = arith.constant 0 : i32
        %dma_start3A_83 = tpu.memref_slice %arg6[%add3A_80, %dma_start3A_81, %dma_start3A_82] : memref<100x128x4xf32, #tpu.memory_space<vmem>> -> memref<1x128x4xf32, #tpu.memory_space<vmem>>
        %dma_start3A_84 = tpu.memref_squeeze %dma_start3A_83 : memref<1x128x4xf32, #tpu.memory_space<vmem>> -> memref<128x4xf32, #tpu.memory_space<vmem>>
        %dma_start3A_85 = arith.constant 0 : i32
        %dma_start3A_86 = tpu.memref_slice %arg5[%add3A_78, %dma_start3A_85] : memref<100x128xi32, #tpu.memory_space<vmem>> -> memref<1x128xi32, #tpu.memory_space<vmem>>
        %dma_start3A_87 = tpu.memref_squeeze %dma_start3A_86 : memref<1x128xi32, #tpu.memory_space<vmem>> -> memref<128xi32, #tpu.memory_space<vmem>>
        %dma_start3A_88 = arith.constant 0 : i32
        %dma_start3A_89 = arith.constant 0 : i32
        %dma_start3A_90 = tpu.memref_slice %arg2[%dma_start3A_88, %dma_start3A_89] : memref<1000000x4xf32, #tpu.memory_space<hbm>> -> memref<1000000x4xf32, #tpu.memory_space<hbm>>
        tpu.enqueue_indirect_dma source(%dma_start3A_90 : memref<1000000x4xf32, #tpu.memory_space<hbm>>) target(%dma_start3A_84 : memref<128x4xf32, #tpu.memory_space<vmem>>) offsets(%dma_start3A_87 : memref<128xi32, #tpu.memory_space<vmem>>) semaphore(%arg7 : memref<!tpu.dma_semaphore, #tpu.memory_space<semaphore_mem>>)
        %add3A_91 = arith.constant 3 : i32
        %add3A_92 = arith.addi %add3A_42, %add3A_91 : i32
        %add3A_93 = arith.constant 3 : i32
        %add3A_94 = arith.addi %add3A_42, %add3A_93 : i32
        %dma_start3A_95 = arith.constant 0 : i32
        %dma_start3A_96 = arith.constant 0 : i32
        %dma_start3A_97 = tpu.memref_slice %arg6[%add3A_94, %dma_start3A_95, %dma_start3A_96] : memref<100x128x4xf32, #tpu.memory_space<vmem>> -> memref<1x128x4xf32, #tpu.memory_space<vmem>>
        %dma_start3A_98 = tpu.memref_squeeze %dma_start3A_97 : memref<1x128x4xf32, #tpu.memory_space<vmem>> -> memref<128x4xf32, #tpu.memory_space<vmem>>
        %dma_start3A_99 = arith.constant 0 : i32
        %dma_start3A_100 = tpu.memref_slice %arg5[%add3A_92, %dma_start3A_99] : memref<100x128xi32, #tpu.memory_space<vmem>> -> memref<1x128xi32, #tpu.memory_space<vmem>>
        %dma_start3A_101 = tpu.memref_squeeze %dma_start3A_100 : memref<1x128xi32, #tpu.memory_space<vmem>> -> memref<128xi32, #tpu.memory_space<vmem>>
        %dma_start3A_102 = arith.constant 0 : i32
        %dma_start3A_103 = arith.constant 0 : i32
        %dma_start3A_104 = tpu.memref_slice %arg2[%dma_start3A_102, %dma_start3A_103] : memref<1000000x4xf32, #tpu.memory_space<hbm>> -> memref<1000000x4xf32, #tpu.memory_space<hbm>>
        tpu.enqueue_indirect_dma source(%dma_start3A_104 : memref<1000000x4xf32, #tpu.memory_space<hbm>>) target(%dma_start3A_98 : memref<128x4xf32, #tpu.memory_space<vmem>>) offsets(%dma_start3A_101 : memref<128xi32, #tpu.memory_space<vmem>>) semaphore(%arg7 : memref<!tpu.dma_semaphore, #tpu.memory_space<semaphore_mem>>)
        %add3A_105 = arith.constant 4 : i32
        %add3A_106 = arith.addi %add3A_42, %add3A_105 : i32
        %add3A_107 = arith.constant 4 : i32
        %add3A_108 = arith.addi %add3A_42, %add3A_107 : i32
        %dma_start3A_109 = arith.constant 0 : i32
        %dma_start3A_110 = arith.constant 0 : i32
        %dma_start3A_111 = tpu.memref_slice %arg6[%add3A_108, %dma_start3A_109, %dma_start3A_110] : memref<100x128x4xf32, #tpu.memory_space<vmem>> -> memref<1x128x4xf32, #tpu.memory_space<vmem>>
        %dma_start3A_112 = tpu.memref_squeeze %dma_start3A_111 : memref<1x128x4xf32, #tpu.memory_space<vmem>> -> memref<128x4xf32, #tpu.memory_space<vmem>>
        %dma_start3A_113 = arith.constant 0 : i32
        %dma_start3A_114 = tpu.memref_slice %arg5[%add3A_106, %dma_start3A_113] : memref<100x128xi32, #tpu.memory_space<vmem>> -> memref<1x128xi32, #tpu.memory_space<vmem>>
        %dma_start3A_115 = tpu.memref_squeeze %dma_start3A_114 : memref<1x128xi32, #tpu.memory_space<vmem>> -> memref<128xi32, #tpu.memory_space<vmem>>
        %dma_start3A_116 = arith.constant 0 : i32
        %dma_start3A_117 = arith.constant 0 : i32
        %dma_start3A_118 = tpu.memref_slice %arg2[%dma_start3A_116, %dma_start3A_117] : memref<1000000x4xf32, #tpu.memory_space<hbm>> -> memref<1000000x4xf32, #tpu.memory_space<hbm>>
        tpu.enqueue_indirect_dma source(%dma_start3A_118 : memref<1000000x4xf32, #tpu.memory_space<hbm>>) target(%dma_start3A_112 : memref<128x4xf32, #tpu.memory_space<vmem>>) offsets(%dma_start3A_115 : memref<128xi32, #tpu.memory_space<vmem>>) semaphore(%arg7 : memref<!tpu.dma_semaphore, #tpu.memory_space<semaphore_mem>>)
        %add3A_119 = arith.constant 5 : i32
        %add3A_120 = arith.addi %add3A_42, %add3A_119 : i32
        %add3A_121 = arith.constant 5 : i32
        %add3A_122 = arith.addi %add3A_42, %add3A_121 : i32
        %dma_start3A_123 = arith.constant 0 : i32
        %dma_start3A_124 = arith.constant 0 : i32
        %dma_start3A_125 = tpu.memref_slice %arg6[%add3A_122, %dma_start3A_123, %dma_start3A_124] : memref<100x128x4xf32, #tpu.memory_space<vmem>> -> memref<1x128x4xf32, #tpu.memory_space<vmem>>
        %dma_start3A_126 = tpu.memref_squeeze %dma_start3A_125 : memref<1x128x4xf32, #tpu.memory_space<vmem>> -> memref<128x4xf32, #tpu.memory_space<vmem>>
        %dma_start3A_127 = arith.constant 0 : i32
        %dma_start3A_128 = tpu.memref_slice %arg5[%add3A_120, %dma_start3A_127] : memref<100x128xi32, #tpu.memory_space<vmem>> -> memref<1x128xi32, #tpu.memory_space<vmem>>
        %dma_start3A_129 = tpu.memref_squeeze %dma_start3A_128 : memref<1x128xi32, #tpu.memory_space<vmem>> -> memref<128xi32, #tpu.memory_space<vmem>>
        %dma_start3A_130 = arith.constant 0 : i32
        %dma_start3A_131 = arith.constant 0 : i32
        %dma_start3A_132 = tpu.memref_slice %arg2[%dma_start3A_130, %dma_start3A_131] : memref<1000000x4xf32, #tpu.memory_space<hbm>> -> memref<1000000x4xf32, #tpu.memory_space<hbm>>
        tpu.enqueue_indirect_dma source(%dma_start3A_132 : memref<1000000x4xf32, #tpu.memory_space<hbm>>) target(%dma_start3A_126 : memref<128x4xf32, #tpu.memory_space<vmem>>) offsets(%dma_start3A_129 : memref<128xi32, #tpu.memory_space<vmem>>) semaphore(%arg7 : memref<!tpu.dma_semaphore, #tpu.memory_space<semaphore_mem>>)
        %add3A_133 = arith.constant 6 : i32
        %add3A_134 = arith.addi %add3A_42, %add3A_133 : i32
        %add3A_135 = arith.constant 6 : i32
        %add3A_136 = arith.addi %add3A_42, %add3A_135 : i32
        %dma_start3A_137 = arith.constant 0 : i32
        %dma_start3A_138 = arith.constant 0 : i32
        %dma_start3A_139 = tpu.memref_slice %arg6[%add3A_136, %dma_start3A_137, %dma_start3A_138] : memref<100x128x4xf32, #tpu.memory_space<vmem>> -> memref<1x128x4xf32, #tpu.memory_space<vmem>>
        %dma_start3A_140 = tpu.memref_squeeze %dma_start3A_139 : memref<1x128x4xf32, #tpu.memory_space<vmem>> -> memref<128x4xf32, #tpu.memory_space<vmem>>
        %dma_start3A_141 = arith.constant 0 : i32
        %dma_start3A_142 = tpu.memref_slice %arg5[%add3A_134, %dma_start3A_141] : memref<100x128xi32, #tpu.memory_space<vmem>> -> memref<1x128xi32, #tpu.memory_space<vmem>>
        %dma_start3A_143 = tpu.memref_squeeze %dma_start3A_142 : memref<1x128xi32, #tpu.memory_space<vmem>> -> memref<128xi32, #tpu.memory_space<vmem>>
        %dma_start3A_144 = arith.constant 0 : i32
        %dma_start3A_145 = arith.constant 0 : i32
        %dma_start3A_146 = tpu.memref_slice %arg2[%dma_start3A_144, %dma_start3A_145] : memref<1000000x4xf32, #tpu.memory_space<hbm>> -> memref<1000000x4xf32, #tpu.memory_space<hbm>>
        tpu.enqueue_indirect_dma source(%dma_start3A_146 : memref<1000000x4xf32, #tpu.memory_space<hbm>>) target(%dma_start3A_140 : memref<128x4xf32, #tpu.memory_space<vmem>>) offsets(%dma_start3A_143 : memref<128xi32, #tpu.memory_space<vmem>>) semaphore(%arg7 : memref<!tpu.dma_semaphore, #tpu.memory_space<semaphore_mem>>)
        %add3A_147 = arith.constant 7 : i32
        %add3A_148 = arith.addi %add3A_42, %add3A_147 : i32
        %add3A_149 = arith.constant 7 : i32
        %add3A_150 = arith.addi %add3A_42, %add3A_149 : i32
        %dma_start3A_151 = arith.constant 0 : i32
        %dma_start3A_152 = arith.constant 0 : i32
        %dma_start3A_153 = tpu.memref_slice %arg6[%add3A_150, %dma_start3A_151, %dma_start3A_152] : memref<100x128x4xf32, #tpu.memory_space<vmem>> -> memref<1x128x4xf32, #tpu.memory_space<vmem>>
        %dma_start3A_154 = tpu.memref_squeeze %dma_start3A_153 : memref<1x128x4xf32, #tpu.memory_space<vmem>> -> memref<128x4xf32, #tpu.memory_space<vmem>>
        %dma_start3A_155 = arith.constant 0 : i32
        %dma_start3A_156 = tpu.memref_slice %arg5[%add3A_148, %dma_start3A_155] : memref<100x128xi32, #tpu.memory_space<vmem>> -> memref<1x128xi32, #tpu.memory_space<vmem>>
        %dma_start3A_157 = tpu.memref_squeeze %dma_start3A_156 : memref<1x128xi32, #tpu.memory_space<vmem>> -> memref<128xi32, #tpu.memory_space<vmem>>
        %dma_start3A_158 = arith.constant 0 : i32
        %dma_start3A_159 = arith.constant 0 : i32
        %dma_start3A_160 = tpu.memref_slice %arg2[%dma_start3A_158, %dma_start3A_159] : memref<1000000x4xf32, #tpu.memory_space<hbm>> -> memref<1000000x4xf32, #tpu.memory_space<hbm>>
        tpu.enqueue_indirect_dma source(%dma_start3A_160 : memref<1000000x4xf32, #tpu.memory_space<hbm>>) target(%dma_start3A_154 : memref<128x4xf32, #tpu.memory_space<vmem>>) offsets(%dma_start3A_157 : memref<128xi32, #tpu.memory_space<vmem>>) semaphore(%arg7 : memref<!tpu.dma_semaphore, #tpu.memory_space<semaphore_mem>>)
        %add3A_161 = arith.constant 8 : i32
        %add3A_162 = arith.addi %add3A_42, %add3A_161 : i32
        %add3A_163 = arith.constant 8 : i32
        %add3A_164 = arith.addi %add3A_42, %add3A_163 : i32
        %dma_start3A_165 = arith.constant 0 : i32
        %dma_start3A_166 = arith.constant 0 : i32
        %dma_start3A_167 = tpu.memref_slice %arg6[%add3A_164, %dma_start3A_165, %dma_start3A_166] : memref<100x128x4xf32, #tpu.memory_space<vmem>> -> memref<1x128x4xf32, #tpu.memory_space<vmem>>
        %dma_start3A_168 = tpu.memref_squeeze %dma_start3A_167 : memref<1x128x4xf32, #tpu.memory_space<vmem>> -> memref<128x4xf32, #tpu.memory_space<vmem>>
        %dma_start3A_169 = arith.constant 0 : i32
        %dma_start3A_170 = tpu.memref_slice %arg5[%add3A_162, %dma_start3A_169] : memref<100x128xi32, #tpu.memory_space<vmem>> -> memref<1x128xi32, #tpu.memory_space<vmem>>
        %dma_start3A_171 = tpu.memref_squeeze %dma_start3A_170 : memref<1x128xi32, #tpu.memory_space<vmem>> -> memref<128xi32, #tpu.memory_space<vmem>>
        %dma_start3A_172 = arith.constant 0 : i32
        %dma_start3A_173 = arith.constant 0 : i32
        %dma_start3A_174 = tpu.memref_slice %arg2[%dma_start3A_172, %dma_start3A_173] : memref<1000000x4xf32, #tpu.memory_space<hbm>> -> memref<1000000x4xf32, #tpu.memory_space<hbm>>
        tpu.enqueue_indirect_dma source(%dma_start3A_174 : memref<1000000x4xf32, #tpu.memory_space<hbm>>) target(%dma_start3A_168 : memref<128x4xf32, #tpu.memory_space<vmem>>) offsets(%dma_start3A_171 : memref<128xi32, #tpu.memory_space<vmem>>) semaphore(%arg7 : memref<!tpu.dma_semaphore, #tpu.memory_space<semaphore_mem>>)
        %add3A_175 = arith.constant 9 : i32
        %add3A_176 = arith.addi %add3A_42, %add3A_175 : i32
        %add3A_177 = arith.constant 9 : i32
        %add3A_178 = arith.addi %add3A_42, %add3A_177 : i32
        %dma_start3A_179 = arith.constant 0 : i32
        %dma_start3A_180 = arith.constant 0 : i32
        %dma_start3A_181 = tpu.memref_slice %arg6[%add3A_178, %dma_start3A_179, %dma_start3A_180] : memref<100x128x4xf32, #tpu.memory_space<vmem>> -> memref<1x128x4xf32, #tpu.memory_space<vmem>>
        %dma_start3A_182 = tpu.memref_squeeze %dma_start3A_181 : memref<1x128x4xf32, #tpu.memory_space<vmem>> -> memref<128x4xf32, #tpu.memory_space<vmem>>
        %dma_start3A_183 = arith.constant 0 : i32
        %dma_start3A_184 = tpu.memref_slice %arg5[%add3A_176, %dma_start3A_183] : memref<100x128xi32, #tpu.memory_space<vmem>> -> memref<1x128xi32, #tpu.memory_space<vmem>>
        %dma_start3A_185 = tpu.memref_squeeze %dma_start3A_184 : memref<1x128xi32, #tpu.memory_space<vmem>> -> memref<128xi32, #tpu.memory_space<vmem>>
        %dma_start3A_186 = arith.constant 0 : i32
        %dma_start3A_187 = arith.constant 0 : i32
        %dma_start3A_188 = tpu.memref_slice %arg2[%dma_start3A_186, %dma_start3A_187] : memref<1000000x4xf32, #tpu.memory_space<hbm>> -> memref<1000000x4xf32, #tpu.memory_space<hbm>>
        tpu.enqueue_indirect_dma source(%dma_start3A_188 : memref<1000000x4xf32, #tpu.memory_space<hbm>>) target(%dma_start3A_182 : memref<128x4xf32, #tpu.memory_space<vmem>>) offsets(%dma_start3A_185 : memref<128xi32, #tpu.memory_space<vmem>>) semaphore(%arg7 : memref<!tpu.dma_semaphore, #tpu.memory_space<semaphore_mem>>)
      } else {
      }
      %ge3A = arith.constant 10 : i32
      %ge3A_45 = arith.cmpi sge, %add3A_42, %ge3A : i32
      %convert_element_type3A_46 = arith.extui %ge3A_45 : i1 to i32
      %cond3A_47 = arith.constant 0 : i32
      %cond3A_48 = arith.cmpi ne, %convert_element_type3A_46, %cond3A_47 : i32
      scf.if %cond3A_48 {
        %sub3A = arith.constant 10 : i32
        %sub3A_49 = arith.subi %add3A_42, %sub3A : i32
        %add3A_50 = arith.constant 0 : i32
        %add3A_51 = arith.addi %sub3A_49, %add3A_50 : i32
        %add3A_52 = arith.constant 0 : i32
        %add3A_53 = arith.addi %sub3A_49, %add3A_52 : i32
        %dma_wait3A_54 = arith.constant 0 : i32
        %dma_wait3A_55 = arith.constant 0 : i32
        %dma_wait3A_56 = tpu.memref_slice %arg6[%add3A_53, %dma_wait3A_54, %dma_wait3A_55] : memref<100x128x4xf32, #tpu.memory_space<vmem>> -> memref<1x128x4xf32, #tpu.memory_space<vmem>>
        %dma_wait3A_57 = tpu.memref_squeeze %dma_wait3A_56 : memref<1x128x4xf32, #tpu.memory_space<vmem>> -> memref<128x4xf32, #tpu.memory_space<vmem>>
        %dma_wait3A_58 = arith.constant 0 : i32
        %dma_wait3A_59 = tpu.memref_slice %arg5[%add3A_51, %dma_wait3A_58] : memref<100x128xi32, #tpu.memory_space<vmem>> -> memref<1x128xi32, #tpu.memory_space<vmem>>
        %dma_wait3A_60 = tpu.memref_squeeze %dma_wait3A_59 : memref<1x128xi32, #tpu.memory_space<vmem>> -> memref<128xi32, #tpu.memory_space<vmem>>
        %dma_wait3A_61 = arith.constant 0 : i32
        %dma_wait3A_62 = arith.constant 0 : i32
        %dma_wait3A_63 = tpu.memref_slice %arg2[%dma_wait3A_61, %dma_wait3A_62] : memref<1000000x4xf32, #tpu.memory_space<hbm>> -> memref<1000000x4xf32, #tpu.memory_space<hbm>>
        tpu.wait_indirect_dma semaphore(%arg7 : memref<!tpu.dma_semaphore, #tpu.memory_space<semaphore_mem>>) src(%dma_wait3A_63 : memref<1000000x4xf32, #tpu.memory_space<hbm>>) dst(%dma_wait3A_57 : memref<128x4xf32, #tpu.memory_space<vmem>>)
        %add3A_64 = arith.constant 1 : i32
        %add3A_65 = arith.addi %sub3A_49, %add3A_64 : i32
        %add3A_66 = arith.constant 1 : i32
        %add3A_67 = arith.addi %sub3A_49, %add3A_66 : i32
        %dma_wait3A_68 = arith.constant 0 : i32
        %dma_wait3A_69 = arith.constant 0 : i32
        %dma_wait3A_70 = tpu.memref_slice %arg6[%add3A_67, %dma_wait3A_68, %dma_wait3A_69] : memref<100x128x4xf32, #tpu.memory_space<vmem>> -> memref<1x128x4xf32, #tpu.memory_space<vmem>>
        %dma_wait3A_71 = tpu.memref_squeeze %dma_wait3A_70 : memref<1x128x4xf32, #tpu.memory_space<vmem>> -> memref<128x4xf32, #tpu.memory_space<vmem>>
        %dma_wait3A_72 = arith.constant 0 : i32
        %dma_wait3A_73 = tpu.memref_slice %arg5[%add3A_65, %dma_wait3A_72] : memref<100x128xi32, #tpu.memory_space<vmem>> -> memref<1x128xi32, #tpu.memory_space<vmem>>
        %dma_wait3A_74 = tpu.memref_squeeze %dma_wait3A_73 : memref<1x128xi32, #tpu.memory_space<vmem>> -> memref<128xi32, #tpu.memory_space<vmem>>
        %dma_wait3A_75 = arith.constant 0 : i32
        %dma_wait3A_76 = arith.constant 0 : i32
        %dma_wait3A_77 = tpu.memref_slice %arg2[%dma_wait3A_75, %dma_wait3A_76] : memref<1000000x4xf32, #tpu.memory_space<hbm>> -> memref<1000000x4xf32, #tpu.memory_space<hbm>>
        tpu.wait_indirect_dma semaphore(%arg7 : memref<!tpu.dma_semaphore, #tpu.memory_space<semaphore_mem>>) src(%dma_wait3A_77 : memref<1000000x4xf32, #tpu.memory_space<hbm>>) dst(%dma_wait3A_71 : memref<128x4xf32, #tpu.memory_space<vmem>>)
        %add3A_78 = arith.constant 2 : i32
        %add3A_79 = arith.addi %sub3A_49, %add3A_78 : i32
        %add3A_80 = arith.constant 2 : i32
        %add3A_81 = arith.addi %sub3A_49, %add3A_80 : i32
        %dma_wait3A_82 = arith.constant 0 : i32
        %dma_wait3A_83 = arith.constant 0 : i32
        %dma_wait3A_84 = tpu.memref_slice %arg6[%add3A_81, %dma_wait3A_82, %dma_wait3A_83] : memref<100x128x4xf32, #tpu.memory_space<vmem>> -> memref<1x128x4xf32, #tpu.memory_space<vmem>>
        %dma_wait3A_85 = tpu.memref_squeeze %dma_wait3A_84 : memref<1x128x4xf32, #tpu.memory_space<vmem>> -> memref<128x4xf32, #tpu.memory_space<vmem>>
        %dma_wait3A_86 = arith.constant 0 : i32
        %dma_wait3A_87 = tpu.memref_slice %arg5[%add3A_79, %dma_wait3A_86] : memref<100x128xi32, #tpu.memory_space<vmem>> -> memref<1x128xi32, #tpu.memory_space<vmem>>
        %dma_wait3A_88 = tpu.memref_squeeze %dma_wait3A_87 : memref<1x128xi32, #tpu.memory_space<vmem>> -> memref<128xi32, #tpu.memory_space<vmem>>
        %dma_wait3A_89 = arith.constant 0 : i32
        %dma_wait3A_90 = arith.constant 0 : i32
        %dma_wait3A_91 = tpu.memref_slice %arg2[%dma_wait3A_89, %dma_wait3A_90] : memref<1000000x4xf32, #tpu.memory_space<hbm>> -> memref<1000000x4xf32, #tpu.memory_space<hbm>>
        tpu.wait_indirect_dma semaphore(%arg7 : memref<!tpu.dma_semaphore, #tpu.memory_space<semaphore_mem>>) src(%dma_wait3A_91 : memref<1000000x4xf32, #tpu.memory_space<hbm>>) dst(%dma_wait3A_85 : memref<128x4xf32, #tpu.memory_space<vmem>>)
        %add3A_92 = arith.constant 3 : i32
        %add3A_93 = arith.addi %sub3A_49, %add3A_92 : i32
        %add3A_94 = arith.constant 3 : i32
        %add3A_95 = arith.addi %sub3A_49, %add3A_94 : i32
        %dma_wait3A_96 = arith.constant 0 : i32
        %dma_wait3A_97 = arith.constant 0 : i32
        %dma_wait3A_98 = tpu.memref_slice %arg6[%add3A_95, %dma_wait3A_96, %dma_wait3A_97] : memref<100x128x4xf32, #tpu.memory_space<vmem>> -> memref<1x128x4xf32, #tpu.memory_space<vmem>>
        %dma_wait3A_99 = tpu.memref_squeeze %dma_wait3A_98 : memref<1x128x4xf32, #tpu.memory_space<vmem>> -> memref<128x4xf32, #tpu.memory_space<vmem>>
        %dma_wait3A_100 = arith.constant 0 : i32
        %dma_wait3A_101 = tpu.memref_slice %arg5[%add3A_93, %dma_wait3A_100] : memref<100x128xi32, #tpu.memory_space<vmem>> -> memref<1x128xi32, #tpu.memory_space<vmem>>
        %dma_wait3A_102 = tpu.memref_squeeze %dma_wait3A_101 : memref<1x128xi32, #tpu.memory_space<vmem>> -> memref<128xi32, #tpu.memory_space<vmem>>
        %dma_wait3A_103 = arith.constant 0 : i32
        %dma_wait3A_104 = arith.constant 0 : i32
        %dma_wait3A_105 = tpu.memref_slice %arg2[%dma_wait3A_103, %dma_wait3A_104] : memref<1000000x4xf32, #tpu.memory_space<hbm>> -> memref<1000000x4xf32, #tpu.memory_space<hbm>>
        tpu.wait_indirect_dma semaphore(%arg7 : memref<!tpu.dma_semaphore, #tpu.memory_space<semaphore_mem>>) src(%dma_wait3A_105 : memref<1000000x4xf32, #tpu.memory_space<hbm>>) dst(%dma_wait3A_99 : memref<128x4xf32, #tpu.memory_space<vmem>>)
        %add3A_106 = arith.constant 4 : i32
        %add3A_107 = arith.addi %sub3A_49, %add3A_106 : i32
        %add3A_108 = arith.constant 4 : i32
        %add3A_109 = arith.addi %sub3A_49, %add3A_108 : i32
        %dma_wait3A_110 = arith.constant 0 : i32
        %dma_wait3A_111 = arith.constant 0 : i32
        %dma_wait3A_112 = tpu.memref_slice %arg6[%add3A_109, %dma_wait3A_110, %dma_wait3A_111] : memref<100x128x4xf32, #tpu.memory_space<vmem>> -> memref<1x128x4xf32, #tpu.memory_space<vmem>>
        %dma_wait3A_113 = tpu.memref_squeeze %dma_wait3A_112 : memref<1x128x4xf32, #tpu.memory_space<vmem>> -> memref<128x4xf32, #tpu.memory_space<vmem>>
        %dma_wait3A_114 = arith.constant 0 : i32
        %dma_wait3A_115 = tpu.memref_slice %arg5[%add3A_107, %dma_wait3A_114] : memref<100x128xi32, #tpu.memory_space<vmem>> -> memref<1x128xi32, #tpu.memory_space<vmem>>
        %dma_wait3A_116 = tpu.memref_squeeze %dma_wait3A_115 : memref<1x128xi32, #tpu.memory_space<vmem>> -> memref<128xi32, #tpu.memory_space<vmem>>
        %dma_wait3A_117 = arith.constant 0 : i32
        %dma_wait3A_118 = arith.constant 0 : i32
        %dma_wait3A_119 = tpu.memref_slice %arg2[%dma_wait3A_117, %dma_wait3A_118] : memref<1000000x4xf32, #tpu.memory_space<hbm>> -> memref<1000000x4xf32, #tpu.memory_space<hbm>>
        tpu.wait_indirect_dma semaphore(%arg7 : memref<!tpu.dma_semaphore, #tpu.memory_space<semaphore_mem>>) src(%dma_wait3A_119 : memref<1000000x4xf32, #tpu.memory_space<hbm>>) dst(%dma_wait3A_113 : memref<128x4xf32, #tpu.memory_space<vmem>>)
        %add3A_120 = arith.constant 5 : i32
        %add3A_121 = arith.addi %sub3A_49, %add3A_120 : i32
        %add3A_122 = arith.constant 5 : i32
        %add3A_123 = arith.addi %sub3A_49, %add3A_122 : i32
        %dma_wait3A_124 = arith.constant 0 : i32
        %dma_wait3A_125 = arith.constant 0 : i32
        %dma_wait3A_126 = tpu.memref_slice %arg6[%add3A_123, %dma_wait3A_124, %dma_wait3A_125] : memref<100x128x4xf32, #tpu.memory_space<vmem>> -> memref<1x128x4xf32, #tpu.memory_space<vmem>>
        %dma_wait3A_127 = tpu.memref_squeeze %dma_wait3A_126 : memref<1x128x4xf32, #tpu.memory_space<vmem>> -> memref<128x4xf32, #tpu.memory_space<vmem>>
        %dma_wait3A_128 = arith.constant 0 : i32
        %dma_wait3A_129 = tpu.memref_slice %arg5[%add3A_121, %dma_wait3A_128] : memref<100x128xi32, #tpu.memory_space<vmem>> -> memref<1x128xi32, #tpu.memory_space<vmem>>
        %dma_wait3A_130 = tpu.memref_squeeze %dma_wait3A_129 : memref<1x128xi32, #tpu.memory_space<vmem>> -> memref<128xi32, #tpu.memory_space<vmem>>
        %dma_wait3A_131 = arith.constant 0 : i32
        %dma_wait3A_132 = arith.constant 0 : i32
        %dma_wait3A_133 = tpu.memref_slice %arg2[%dma_wait3A_131, %dma_wait3A_132] : memref<1000000x4xf32, #tpu.memory_space<hbm>> -> memref<1000000x4xf32, #tpu.memory_space<hbm>>
        tpu.wait_indirect_dma semaphore(%arg7 : memref<!tpu.dma_semaphore, #tpu.memory_space<semaphore_mem>>) src(%dma_wait3A_133 : memref<1000000x4xf32, #tpu.memory_space<hbm>>) dst(%dma_wait3A_127 : memref<128x4xf32, #tpu.memory_space<vmem>>)
        %add3A_134 = arith.constant 6 : i32
        %add3A_135 = arith.addi %sub3A_49, %add3A_134 : i32
        %add3A_136 = arith.constant 6 : i32
        %add3A_137 = arith.addi %sub3A_49, %add3A_136 : i32
        %dma_wait3A_138 = arith.constant 0 : i32
        %dma_wait3A_139 = arith.constant 0 : i32
        %dma_wait3A_140 = tpu.memref_slice %arg6[%add3A_137, %dma_wait3A_138, %dma_wait3A_139] : memref<100x128x4xf32, #tpu.memory_space<vmem>> -> memref<1x128x4xf32, #tpu.memory_space<vmem>>
        %dma_wait3A_141 = tpu.memref_squeeze %dma_wait3A_140 : memref<1x128x4xf32, #tpu.memory_space<vmem>> -> memref<128x4xf32, #tpu.memory_space<vmem>>
        %dma_wait3A_142 = arith.constant 0 : i32
        %dma_wait3A_143 = tpu.memref_slice %arg5[%add3A_135, %dma_wait3A_142] : memref<100x128xi32, #tpu.memory_space<vmem>> -> memref<1x128xi32, #tpu.memory_space<vmem>>
        %dma_wait3A_144 = tpu.memref_squeeze %dma_wait3A_143 : memref<1x128xi32, #tpu.memory_space<vmem>> -> memref<128xi32, #tpu.memory_space<vmem>>
        %dma_wait3A_145 = arith.constant 0 : i32
        %dma_wait3A_146 = arith.constant 0 : i32
        %dma_wait3A_147 = tpu.memref_slice %arg2[%dma_wait3A_145, %dma_wait3A_146] : memref<1000000x4xf32, #tpu.memory_space<hbm>> -> memref<1000000x4xf32, #tpu.memory_space<hbm>>
        tpu.wait_indirect_dma semaphore(%arg7 : memref<!tpu.dma_semaphore, #tpu.memory_space<semaphore_mem>>) src(%dma_wait3A_147 : memref<1000000x4xf32, #tpu.memory_space<hbm>>) dst(%dma_wait3A_141 : memref<128x4xf32, #tpu.memory_space<vmem>>)
        %add3A_148 = arith.constant 7 : i32
        %add3A_149 = arith.addi %sub3A_49, %add3A_148 : i32
        %add3A_150 = arith.constant 7 : i32
        %add3A_151 = arith.addi %sub3A_49, %add3A_150 : i32
        %dma_wait3A_152 = arith.constant 0 : i32
        %dma_wait3A_153 = arith.constant 0 : i32
        %dma_wait3A_154 = tpu.memref_slice %arg6[%add3A_151, %dma_wait3A_152, %dma_wait3A_153] : memref<100x128x4xf32, #tpu.memory_space<vmem>> -> memref<1x128x4xf32, #tpu.memory_space<vmem>>
        %dma_wait3A_155 = tpu.memref_squeeze %dma_wait3A_154 : memref<1x128x4xf32, #tpu.memory_space<vmem>> -> memref<128x4xf32, #tpu.memory_space<vmem>>
        %dma_wait3A_156 = arith.constant 0 : i32
        %dma_wait3A_157 = tpu.memref_slice %arg5[%add3A_149, %dma_wait3A_156] : memref<100x128xi32, #tpu.memory_space<vmem>> -> memref<1x128xi32, #tpu.memory_space<vmem>>
        %dma_wait3A_158 = tpu.memref_squeeze %dma_wait3A_157 : memref<1x128xi32, #tpu.memory_space<vmem>> -> memref<128xi32, #tpu.memory_space<vmem>>
        %dma_wait3A_159 = arith.constant 0 : i32
        %dma_wait3A_160 = arith.constant 0 : i32
        %dma_wait3A_161 = tpu.memref_slice %arg2[%dma_wait3A_159, %dma_wait3A_160] : memref<1000000x4xf32, #tpu.memory_space<hbm>> -> memref<1000000x4xf32, #tpu.memory_space<hbm>>
        tpu.wait_indirect_dma semaphore(%arg7 : memref<!tpu.dma_semaphore, #tpu.memory_space<semaphore_mem>>) src(%dma_wait3A_161 : memref<1000000x4xf32, #tpu.memory_space<hbm>>) dst(%dma_wait3A_155 : memref<128x4xf32, #tpu.memory_space<vmem>>)
        %add3A_162 = arith.constant 8 : i32
        %add3A_163 = arith.addi %sub3A_49, %add3A_162 : i32
        %add3A_164 = arith.constant 8 : i32
        %add3A_165 = arith.addi %sub3A_49, %add3A_164 : i32
        %dma_wait3A_166 = arith.constant 0 : i32
        %dma_wait3A_167 = arith.constant 0 : i32
        %dma_wait3A_168 = tpu.memref_slice %arg6[%add3A_165, %dma_wait3A_166, %dma_wait3A_167] : memref<100x128x4xf32, #tpu.memory_space<vmem>> -> memref<1x128x4xf32, #tpu.memory_space<vmem>>
        %dma_wait3A_169 = tpu.memref_squeeze %dma_wait3A_168 : memref<1x128x4xf32, #tpu.memory_space<vmem>> -> memref<128x4xf32, #tpu.memory_space<vmem>>
        %dma_wait3A_170 = arith.constant 0 : i32
        %dma_wait3A_171 = tpu.memref_slice %arg5[%add3A_163, %dma_wait3A_170] : memref<100x128xi32, #tpu.memory_space<vmem>> -> memref<1x128xi32, #tpu.memory_space<vmem>>
        %dma_wait3A_172 = tpu.memref_squeeze %dma_wait3A_171 : memref<1x128xi32, #tpu.memory_space<vmem>> -> memref<128xi32, #tpu.memory_space<vmem>>
        %dma_wait3A_173 = arith.constant 0 : i32
        %dma_wait3A_174 = arith.constant 0 : i32
        %dma_wait3A_175 = tpu.memref_slice %arg2[%dma_wait3A_173, %dma_wait3A_174] : memref<1000000x4xf32, #tpu.memory_space<hbm>> -> memref<1000000x4xf32, #tpu.memory_space<hbm>>
        tpu.wait_indirect_dma semaphore(%arg7 : memref<!tpu.dma_semaphore, #tpu.memory_space<semaphore_mem>>) src(%dma_wait3A_175 : memref<1000000x4xf32, #tpu.memory_space<hbm>>) dst(%dma_wait3A_169 : memref<128x4xf32, #tpu.memory_space<vmem>>)
        %add3A_176 = arith.constant 9 : i32
        %add3A_177 = arith.addi %sub3A_49, %add3A_176 : i32
        %add3A_178 = arith.constant 9 : i32
        %add3A_179 = arith.addi %sub3A_49, %add3A_178 : i32
        %dma_wait3A_180 = arith.constant 0 : i32
        %dma_wait3A_181 = arith.constant 0 : i32
        %dma_wait3A_182 = tpu.memref_slice %arg6[%add3A_179, %dma_wait3A_180, %dma_wait3A_181] : memref<100x128x4xf32, #tpu.memory_space<vmem>> -> memref<1x128x4xf32, #tpu.memory_space<vmem>>
        %dma_wait3A_183 = tpu.memref_squeeze %dma_wait3A_182 : memref<1x128x4xf32, #tpu.memory_space<vmem>> -> memref<128x4xf32, #tpu.memory_space<vmem>>
        %dma_wait3A_184 = arith.constant 0 : i32
        %dma_wait3A_185 = tpu.memref_slice %arg5[%add3A_177, %dma_wait3A_184] : memref<100x128xi32, #tpu.memory_space<vmem>> -> memref<1x128xi32, #tpu.memory_space<vmem>>
        %dma_wait3A_186 = tpu.memref_squeeze %dma_wait3A_185 : memref<1x128xi32, #tpu.memory_space<vmem>> -> memref<128xi32, #tpu.memory_space<vmem>>
        %dma_wait3A_187 = arith.constant 0 : i32
        %dma_wait3A_188 = arith.constant 0 : i32
        %dma_wait3A_189 = tpu.memref_slice %arg2[%dma_wait3A_187, %dma_wait3A_188] : memref<1000000x4xf32, #tpu.memory_space<hbm>> -> memref<1000000x4xf32, #tpu.memory_space<hbm>>
        tpu.wait_indirect_dma semaphore(%arg7 : memref<!tpu.dma_semaphore, #tpu.memory_space<semaphore_mem>>) src(%dma_wait3A_189 : memref<1000000x4xf32, #tpu.memory_space<hbm>>) dst(%dma_wait3A_183 : memref<128x4xf32, #tpu.memory_space<vmem>>)
      } else {
      }
    }
    %scan3A_25 = arith.constant 11 : i32
    %dma_start3A_26 = arith.constant 0 : i32
    %dma_start3A_27 = arith.constant 0 : i32
    %dma_start3A_28 = tpu.memref_slice %arg4[%add3A_20, %dma_start3A_26, %dma_start3A_27] : memref<6400x128x4xf32, #tpu.memory_space<hbm>> -> memref<100x128x4xf32, #tpu.memory_space<hbm>>
    %dma_start3A_29 = arith.constant 0 : i32
    %dma_start3A_30 = arith.constant 0 : i32
    %dma_start3A_31 = tpu.memref_slice %arg4[%add3A_20, %dma_start3A_29, %dma_start3A_30] : memref<6400x128x4xf32, #tpu.memory_space<hbm>> -> memref<100x128x4xf32, #tpu.memory_space<hbm>>
    tpu.enqueue_dma source(%arg6 : memref<100x128x4xf32, #tpu.memory_space<vmem>>) target(%dma_start3A_31 : memref<100x128x4xf32, #tpu.memory_space<hbm>>) target_semaphore(%arg8 : memref<!tpu.dma_semaphore, #tpu.memory_space<semaphore_mem>>)
    %dma_wait3A_32 = arith.constant 0 : i32
    %dma_wait3A_33 = arith.constant 0 : i32
    %dma_wait3A_34 = tpu.memref_slice %arg4[%add3A_20, %dma_wait3A_32, %dma_wait3A_33] : memref<6400x128x4xf32, #tpu.memory_space<hbm>> -> memref<100x128x4xf32, #tpu.memory_space<hbm>>
    %dma_wait3A_35 = arith.constant 0 : i32
    %dma_wait3A_36 = arith.constant 0 : i32
    %dma_wait3A_37 = tpu.memref_slice %arg4[%add3A_20, %dma_wait3A_35, %dma_wait3A_36] : memref<6400x128x4xf32, #tpu.memory_space<hbm>> -> memref<100x128x4xf32, #tpu.memory_space<hbm>>
    tpu.wait_dma2 semaphore(%arg8 : memref<!tpu.dma_semaphore, #tpu.memory_space<semaphore_mem>>) src(%arg6 : memref<100x128x4xf32, #tpu.memory_space<vmem>>) dst(%dma_wait3A_37 : memref<100x128x4xf32, #tpu.memory_space<hbm>>)
    return
  }
}

module attributes {stable_mosaic.version = 14 : i64} {
  func.func @combine(%arg0: i32, %arg1: memref<200x32x512xf32, #tpu.memory_space<any>>, %arg2: memref<512x512xf32, #tpu.memory_space<any>>, %arg3: memref<64x4xf32, #tpu.memory_space<any>>, %arg4: memref<64x4xf32, #tpu.memory_space<any>>, %arg5: memref<200x64x32x128xf32, #tpu.memory_space<any>>) attributes {dimension_semantics = [#tpu.dimension_semantics<parallel>], iteration_bounds = array<i64: 2>, scalar_prefetch = 0 : i64, scratch_operands = 0 : i64, tpu.core_type = #tpu.core_type<tc>, window_params = [{}, {}, {}, {}, {}]} {
    %mul3A = arith.constant 16 : i32
    %mul3A_0 = arith.muli %arg0, %mul3A : i32
    "tpu.region"() ({
      %run_scoped3A = memref.alloca() : memref<2x8x16x512xf32, #tpu.memory_space<vmem>>
      %run_scoped3A_1 = tpu.sem_alloc : memref<2x!tpu.dma_semaphore, #tpu.memory_space<semaphore_mem>>
      %run_scoped3A_2 = memref.alloca() : memref<512x512xf32, #tpu.memory_space<vmem>>
      %run_scoped3A_3 = memref.alloca() : memref<64x4xf32, #tpu.memory_space<vmem>>
      %run_scoped3A_4 = memref.alloca() : memref<64x4xf32, #tpu.memory_space<vmem>>
      %run_scoped3A_5 = memref.alloca() : memref<2x8x64x16x128xf32, #tpu.memory_space<vmem>>
      %run_scoped3A_6 = tpu.sem_alloc : memref<2x!tpu.dma_semaphore, #tpu.memory_space<semaphore_mem>>
      %select_n3A = arith.constant true
      %select_n3A_7 = arith.constant 0 : i32
      %select_n3A_8 = arith.constant -1 : i32
      %select_n3A_9 = arith.select %select_n3A, %select_n3A_8, %select_n3A_7 : i32
      %eq3A = arith.constant -1 : i32
      %eq3A_10 = arith.cmpi eq, %select_n3A_9, %eq3A : i32
      %select_n3A_11 = arith.constant 24 : i32
      %select_n3A_12 = arith.select %eq3A_10, %select_n3A_11, %select_n3A_9 : i32
      %add3A = arith.constant 0 : i32
      %add3A_13 = arith.addi %select_n3A_12, %add3A : i32
      %select_n3A_14 = arith.constant true
      %select_n3A_15 = arith.constant 0 : i32
      %select_n3A_16 = arith.constant 1 : i32
      %select_n3A_17 = arith.select %select_n3A_14, %select_n3A_16, %select_n3A_15 : i32
      %eq3A_18 = arith.constant 25 : i32
      %eq3A_19 = arith.cmpi eq, %select_n3A_17, %eq3A_18 : i32
      %select_n3A_20 = arith.constant 0 : i32
      %select_n3A_21 = arith.select %eq3A_19, %select_n3A_20, %select_n3A_17 : i32
      %add3A_22 = arith.constant 0 : i32
      %add3A_23 = arith.addi %select_n3A_21, %add3A_22 : i32
      %add3A_24 = arith.constant 1 : i32
      %add3A_25 = arith.addi %select_n3A_21, %add3A_24 : i32
      %select_n3A_26 = arith.constant true
      %select_n3A_27 = arith.select %select_n3A_26, %add3A_25, %select_n3A_21 : i32
      %eq3A_28 = arith.constant 25 : i32
      %eq3A_29 = arith.cmpi eq, %select_n3A_27, %eq3A_28 : i32
      %select_n3A_30 = arith.constant 0 : i32
      %select_n3A_31 = arith.select %eq3A_29, %select_n3A_30, %select_n3A_27 : i32
      %add3A_32 = arith.constant 0 : i32
      %add3A_33 = arith.addi %select_n3A_31, %add3A_32 : i32
      "tpu.region"() ({
        %run_scoped3A_128 = tpu.sem_alloc : memref<!tpu.dma_semaphore, #tpu.memory_space<semaphore_mem>>
        tpu.enqueue_dma source(%arg2 : memref<512x512xf32, #tpu.memory_space<any>>) target(%run_scoped3A_2 : memref<512x512xf32, #tpu.memory_space<vmem>>) target_semaphore(%run_scoped3A_128 : memref<!tpu.dma_semaphore, #tpu.memory_space<semaphore_mem>>)
        tpu.wait_dma2 semaphore(%run_scoped3A_128 : memref<!tpu.dma_semaphore, #tpu.memory_space<semaphore_mem>>) src(%arg2 : memref<512x512xf32, #tpu.memory_space<any>>) dst(%run_scoped3A_2 : memref<512x512xf32, #tpu.memory_space<vmem>>)
        tpu.yield
      }) : () -> ()
      "tpu.region"() ({
        %run_scoped3A_128 = tpu.sem_alloc : memref<!tpu.dma_semaphore, #tpu.memory_space<semaphore_mem>>
        tpu.enqueue_dma source(%arg3 : memref<64x4xf32, #tpu.memory_space<any>>) target(%run_scoped3A_3 : memref<64x4xf32, #tpu.memory_space<vmem>>) target_semaphore(%run_scoped3A_128 : memref<!tpu.dma_semaphore, #tpu.memory_space<semaphore_mem>>)
        tpu.wait_dma2 semaphore(%run_scoped3A_128 : memref<!tpu.dma_semaphore, #tpu.memory_space<semaphore_mem>>) src(%arg3 : memref<64x4xf32, #tpu.memory_space<any>>) dst(%run_scoped3A_3 : memref<64x4xf32, #tpu.memory_space<vmem>>)
        tpu.yield
      }) : () -> ()
      "tpu.region"() ({
        %run_scoped3A_128 = tpu.sem_alloc : memref<!tpu.dma_semaphore, #tpu.memory_space<semaphore_mem>>
        tpu.enqueue_dma source(%arg4 : memref<64x4xf32, #tpu.memory_space<any>>) target(%run_scoped3A_4 : memref<64x4xf32, #tpu.memory_space<vmem>>) target_semaphore(%run_scoped3A_128 : memref<!tpu.dma_semaphore, #tpu.memory_space<semaphore_mem>>)
        tpu.wait_dma2 semaphore(%run_scoped3A_128 : memref<!tpu.dma_semaphore, #tpu.memory_space<semaphore_mem>>) src(%arg4 : memref<64x4xf32, #tpu.memory_space<any>>) dst(%run_scoped3A_4 : memref<64x4xf32, #tpu.memory_space<vmem>>)
        tpu.yield
      }) : () -> ()
      "tpu.trace_start"() <{level = 10 : i32, message = "ep_initialize_0"}> : () -> ()
      %rem3A = arith.constant 0 : i32
      %rem3A_34 = arith.constant 2 : i32
      %rem3A_35 = arith.remui %rem3A, %rem3A_34 : i32
      %dma_start3A = tpu.memref_slice %run_scoped3A_1[%rem3A_35] : memref<2x!tpu.dma_semaphore, #tpu.memory_space<semaphore_mem>> -> memref<1x!tpu.dma_semaphore, #tpu.memory_space<semaphore_mem>>
      %dma_start3A_36 = tpu.memref_squeeze %dma_start3A : memref<1x!tpu.dma_semaphore, #tpu.memory_space<semaphore_mem>> -> memref<!tpu.dma_semaphore, #tpu.memory_space<semaphore_mem>>
      %dma_start3A_37 = arith.constant 0 : i32
      %dma_start3A_38 = arith.constant 0 : i32
      %dma_start3A_39 = arith.constant 0 : i32
      %dma_start3A_40 = tpu.memref_slice %run_scoped3A[%rem3A_35, %dma_start3A_37, %dma_start3A_38, %dma_start3A_39] : memref<2x8x16x512xf32, #tpu.memory_space<vmem>> -> memref<1x8x16x512xf32, #tpu.memory_space<vmem>>
      %dma_start3A_41 = tpu.memref_squeeze %dma_start3A_40 : memref<1x8x16x512xf32, #tpu.memory_space<vmem>> -> memref<8x16x512xf32, #tpu.memory_space<vmem>>
      %dma_start3A_42 = arith.constant 0 : i32
      %dma_start3A_43 = arith.constant 0 : i32
      %dma_start3A_44 = tpu.memref_slice %arg1[%dma_start3A_42, %mul3A_0, %dma_start3A_43] : memref<200x32x512xf32, #tpu.memory_space<any>> -> memref<200x16x512xf32, #tpu.memory_space<any>>
      %dma_start3A_45 = arith.constant 0 : i32
      %dma_start3A_46 = arith.constant 0 : i32
      %dma_start3A_47 = arith.constant 0 : i32
      %dma_start3A_48 = tpu.memref_slice %dma_start3A_44[%dma_start3A_45, %dma_start3A_46, %dma_start3A_47] : memref<200x16x512xf32, #tpu.memory_space<any>> -> memref<8x16x512xf32, #tpu.memory_space<any>>
      tpu.enqueue_dma source(%dma_start3A_48 : memref<8x16x512xf32, #tpu.memory_space<any>>) target(%dma_start3A_41 : memref<8x16x512xf32, #tpu.memory_space<vmem>>) target_semaphore(%dma_start3A_36 : memref<!tpu.dma_semaphore, #tpu.memory_space<semaphore_mem>>)
      %add3A_49 = arith.constant 0 : i32
      %add3A_50 = arith.constant 1 : i32
      %add3A_51 = arith.addi %add3A_49, %add3A_50 : i32
      %select_n3A_52 = arith.constant true
      %select_n3A_53 = arith.constant 0 : i32
      %select_n3A_54 = arith.select %select_n3A_52, %add3A_51, %select_n3A_53 : i32
      "tpu.trace_stop"() : () -> ()
      %scan3A = arith.constant 0 : i32
      %scan3A_55 = arith.constant 0 : i32
      %scan3A_56 = arith.constant 0 : i32
      %scan3A_57 = arith.constant 0 : i32
      %scan3A_58 = arith.constant 0 : i32
      %scan3A_59 = arith.constant 0 : i32
      %scan3A_60 = arith.constant 0 : i32
      %scan3A_61 = arith.constant 0 : i32
      %scan3A_62 = arith.constant 0 : i32
      %scan3A_63 = arith.constant 0 : i32
      %scan3A_64 = arith.constant 0 : i32
      %scan3A_65 = arith.constant 25 : i32
      %scan3A_66 = arith.addi %scan3A_64, %scan3A_65 : i32
      %scan3A_67 = arith.constant 1 : i32
      %scan3A_68:8 = scf.for %scan3A_128 = %scan3A_64 to %scan3A_66 step %scan3A_67 iter_args(%scan3A_129 = %select_n3A_54, %scan3A_130 = %scan3A_57, %scan3A_131 = %scan3A_58, %scan3A_132 = %scan3A_59, %scan3A_133 = %scan3A_60, %scan3A_134 = %scan3A_61, %scan3A_135 = %scan3A_62, %scan3A_136 = %scan3A_63) -> (i32, i32, i32, i32, i32, i32, i32, i32)  : i32 {
        %eq3A_137 = arith.constant 0 : i32
        %eq3A_138 = arith.cmpi eq, %scan3A_128, %eq3A_137 : i32
        %eq3A_139 = arith.constant 24 : i32
        %eq3A_140 = arith.cmpi eq, %scan3A_128, %eq3A_139 : i32
        %add3A_141 = arith.constant 0 : i32
        %add3A_142 = arith.addi %scan3A_136, %add3A_141 : i32
        %sub3A_143 = arith.constant 1 : i32
        %sub3A_144 = arith.subi %scan3A_136, %sub3A_143 : i32
        %select_n3A_145 = arith.constant true
        %select_n3A_146 = arith.select %select_n3A_145, %sub3A_144, %scan3A_136 : i32
        %eq3A_147 = arith.constant -1 : i32
        %eq3A_148 = arith.cmpi eq, %select_n3A_146, %eq3A_147 : i32
        %select_n3A_149 = arith.constant 24 : i32
        %select_n3A_150 = arith.select %eq3A_148, %select_n3A_149, %select_n3A_146 : i32
        %add3A_151 = arith.constant 0 : i32
        %add3A_152 = arith.addi %select_n3A_150, %add3A_151 : i32
        %add3A_153 = arith.constant 1 : i32
        %add3A_154 = arith.addi %scan3A_136, %add3A_153 : i32
        %select_n3A_155 = arith.constant true
        %select_n3A_156 = arith.select %select_n3A_155, %add3A_154, %scan3A_136 : i32
        %eq3A_157 = arith.constant 25 : i32
        %eq3A_158 = arith.cmpi eq, %select_n3A_156, %eq3A_157 : i32
        %select_n3A_159 = arith.constant 0 : i32
        %select_n3A_160 = arith.select %eq3A_158, %select_n3A_159, %select_n3A_156 : i32
        %add3A_161 = arith.constant 0 : i32
        %add3A_162 = arith.addi %select_n3A_160, %add3A_161 : i32
        %add3A_163 = arith.constant 1 : i32
        %add3A_164 = arith.addi %select_n3A_160, %add3A_163 : i32
        %select_n3A_165 = arith.constant true
        %select_n3A_166 = arith.select %select_n3A_165, %add3A_164, %select_n3A_160 : i32
        %eq3A_167 = arith.constant 25 : i32
        %eq3A_168 = arith.cmpi eq, %select_n3A_166, %eq3A_167 : i32
        %select_n3A_169 = arith.constant 0 : i32
        %select_n3A_170 = arith.select %eq3A_168, %select_n3A_169, %select_n3A_166 : i32
        %add3A_171 = arith.constant 0 : i32
        %add3A_172 = arith.addi %select_n3A_170, %add3A_171 : i32
        %ne3A = arith.cmpi ne, %add3A_142, %add3A_162 : i32
        %or3A = arith.constant false
        %or3A_173 = arith.ori %or3A, %ne3A : i1
        %or3A_174 = arith.constant false
        %or3A_175 = arith.ori %or3A_173, %or3A_174 : i1
        %or3A_176 = arith.constant false
        %or3A_177 = arith.ori %or3A_175, %or3A_176 : i1
        %ge3A = arith.constant 24 : i32
        %ge3A_178 = arith.cmpi sge, %scan3A_128, %ge3A : i32
        %not3A = arith.constant true
        %not3A_179 = arith.xori %ge3A_178, %not3A : i1
        %and3A = arith.andi %or3A_177, %not3A_179 : i1
        %convert_element_type3A = arith.extui %and3A : i1 to i32
        %cond3A = arith.constant 0 : i32
        %cond3A_180 = arith.cmpi ne, %convert_element_type3A, %cond3A : i32
        scf.if %cond3A_180 {
          "tpu.trace_start"() <{level = 10 : i32, message = "ep_copy_in"}> : () -> ()
          %rem3A_1657 = arith.constant 2 : i32
          %rem3A_1658 = arith.remui %scan3A_129, %rem3A_1657 : i32
          %mul3A_1659 = arith.constant 8 : i32
          %mul3A_1660 = arith.muli %mul3A_1659, %add3A_162 : i32
          %dma_start3A_1661 = tpu.memref_slice %run_scoped3A_1[%rem3A_1658] : memref<2x!tpu.dma_semaphore, #tpu.memory_space<semaphore_mem>> -> memref<1x!tpu.dma_semaphore, #tpu.memory_space<semaphore_mem>>
          %dma_start3A_1662 = tpu.memref_squeeze %dma_start3A_1661 : memref<1x!tpu.dma_semaphore, #tpu.memory_space<semaphore_mem>> -> memref<!tpu.dma_semaphore, #tpu.memory_space<semaphore_mem>>
          %dma_start3A_1663 = arith.constant 0 : i32
          %dma_start3A_1664 = arith.constant 0 : i32
          %dma_start3A_1665 = arith.constant 0 : i32
          %dma_start3A_1666 = tpu.memref_slice %run_scoped3A[%rem3A_1658, %dma_start3A_1663, %dma_start3A_1664, %dma_start3A_1665] : memref<2x8x16x512xf32, #tpu.memory_space<vmem>> -> memref<1x8x16x512xf32, #tpu.memory_space<vmem>>
          %dma_start3A_1667 = tpu.memref_squeeze %dma_start3A_1666 : memref<1x8x16x512xf32, #tpu.memory_space<vmem>> -> memref<8x16x512xf32, #tpu.memory_space<vmem>>
          %dma_start3A_1668 = arith.constant 0 : i32
          %dma_start3A_1669 = arith.constant 0 : i32
          %dma_start3A_1670 = tpu.memref_slice %arg1[%dma_start3A_1668, %mul3A_0, %dma_start3A_1669] : memref<200x32x512xf32, #tpu.memory_space<any>> -> memref<200x16x512xf32, #tpu.memory_space<any>>
          %dma_start3A_1671 = arith.constant 0 : i32
          %dma_start3A_1672 = arith.constant 0 : i32
          %dma_start3A_1673 = tpu.memref_slice %dma_start3A_1670[%mul3A_1660, %dma_start3A_1671, %dma_start3A_1672] : memref<200x16x512xf32, #tpu.memory_space<any>> -> memref<8x16x512xf32, #tpu.memory_space<any>>
          tpu.enqueue_dma source(%dma_start3A_1673 : memref<8x16x512xf32, #tpu.memory_space<any>>) target(%dma_start3A_1667 : memref<8x16x512xf32, #tpu.memory_space<vmem>>) target_semaphore(%dma_start3A_1662 : memref<!tpu.dma_semaphore, #tpu.memory_space<semaphore_mem>>)
          "tpu.trace_stop"() : () -> ()
        } else {
        }
        %and3A_181 = arith.constant true
        %and3A_182 = arith.andi %and3A, %and3A_181 : i1
        %add3A_183 = arith.constant 1 : i32
        %add3A_184 = arith.addi %scan3A_129, %add3A_183 : i32
        %select_n3A_185 = arith.select %and3A_182, %add3A_184, %scan3A_129 : i32
        %ne3A_186 = arith.cmpi ne, %add3A_142, %add3A_162 : i32
        %or3A_187 = arith.constant false
        %or3A_188 = arith.ori %or3A_187, %ne3A_186 : i1
        %or3A_189 = arith.constant false
        %or3A_190 = arith.ori %or3A_188, %or3A_189 : i1
        %or3A_191 = arith.constant false
        %or3A_192 = arith.ori %or3A_190, %or3A_191 : i1
        %or3A_193 = arith.constant false
        %or3A_194 = arith.ori %or3A_192, %or3A_193 : i1
        %ge3A_195 = arith.constant 24 : i32
        %ge3A_196 = arith.cmpi sge, %scan3A_128, %ge3A_195 : i32
        %not3A_197 = arith.constant true
        %not3A_198 = arith.xori %ge3A_196, %not3A_197 : i1
        %and3A_199 = arith.andi %or3A_194, %not3A_198 : i1
        %ne3A_200 = arith.cmpi ne, %add3A_142, %add3A_152 : i32
        %or3A_201 = arith.constant false
        %or3A_202 = arith.ori %or3A_201, %ne3A_200 : i1
        %or3A_203 = arith.constant false
        %or3A_204 = arith.ori %or3A_202, %or3A_203 : i1
        %or3A_205 = arith.constant false
        %or3A_206 = arith.ori %or3A_204, %or3A_205 : i1
        %or3A_207 = arith.ori %or3A_206, %eq3A_138 : i1
        %convert_element_type3A_208 = arith.extui %or3A_207 : i1 to i32
        %cond3A_209 = arith.constant 0 : i32
        %cond3A_210 = arith.cmpi ne, %convert_element_type3A_208, %cond3A_209 : i32
        scf.if %cond3A_210 {
          "tpu.trace_start"() <{level = 10 : i32, message = "ep_wait_in"}> : () -> ()
          %mul3A_1657 = arith.constant 8 : i32
          %mul3A_1658 = arith.muli %mul3A_1657, %add3A_142 : i32
          %rem3A_1659 = arith.constant 2 : i32
          %rem3A_1660 = arith.remui %scan3A_130, %rem3A_1659 : i32
          %dma_wait3A_1661 = tpu.memref_slice %run_scoped3A_1[%rem3A_1660] : memref<2x!tpu.dma_semaphore, #tpu.memory_space<semaphore_mem>> -> memref<1x!tpu.dma_semaphore, #tpu.memory_space<semaphore_mem>>
          %dma_wait3A_1662 = tpu.memref_squeeze %dma_wait3A_1661 : memref<1x!tpu.dma_semaphore, #tpu.memory_space<semaphore_mem>> -> memref<!tpu.dma_semaphore, #tpu.memory_space<semaphore_mem>>
          %dma_wait3A_1663 = arith.constant 0 : i32
          %dma_wait3A_1664 = arith.constant 0 : i32
          %dma_wait3A_1665 = arith.constant 0 : i32
          %dma_wait3A_1666 = tpu.memref_slice %run_scoped3A[%rem3A_1660, %dma_wait3A_1663, %dma_wait3A_1664, %dma_wait3A_1665] : memref<2x8x16x512xf32, #tpu.memory_space<vmem>> -> memref<1x8x16x512xf32, #tpu.memory_space<vmem>>
          %dma_wait3A_1667 = tpu.memref_squeeze %dma_wait3A_1666 : memref<1x8x16x512xf32, #tpu.memory_space<vmem>> -> memref<8x16x512xf32, #tpu.memory_space<vmem>>
          %dma_wait3A_1668 = arith.constant 0 : i32
          %dma_wait3A_1669 = arith.constant 0 : i32
          %dma_wait3A_1670 = tpu.memref_slice %arg1[%dma_wait3A_1668, %mul3A_0, %dma_wait3A_1669] : memref<200x32x512xf32, #tpu.memory_space<any>> -> memref<200x16x512xf32, #tpu.memory_space<any>>
          %dma_wait3A_1671 = arith.constant 0 : i32
          %dma_wait3A_1672 = arith.constant 0 : i32
          %dma_wait3A_1673 = tpu.memref_slice %dma_wait3A_1670[%mul3A_1658, %dma_wait3A_1671, %dma_wait3A_1672] : memref<200x16x512xf32, #tpu.memory_space<any>> -> memref<8x16x512xf32, #tpu.memory_space<any>>
          tpu.wait_dma2 semaphore(%dma_wait3A_1662 : memref<!tpu.dma_semaphore, #tpu.memory_space<semaphore_mem>>) src(%dma_wait3A_1673 : memref<8x16x512xf32, #tpu.memory_space<any>>) dst(%dma_wait3A_1667 : memref<8x16x512xf32, #tpu.memory_space<vmem>>)
          "tpu.trace_stop"() : () -> ()
        } else {
        }
        %ne3A_211 = arith.cmpi ne, %add3A_142, %add3A_152 : i32
        %or3A_212 = arith.constant false
        %or3A_213 = arith.ori %or3A_212, %ne3A_211 : i1
        %or3A_214 = arith.constant false
        %or3A_215 = arith.ori %or3A_213, %or3A_214 : i1
        %or3A_216 = arith.constant false
        %or3A_217 = arith.ori %or3A_215, %or3A_216 : i1
        %or3A_218 = arith.constant false
        %or3A_219 = arith.ori %or3A_217, %or3A_218 : i1
        %or3A_220 = arith.ori %or3A_219, %eq3A_138 : i1
        %convert_element_type3A_221 = arith.extui %or3A_220 : i1 to i32
        %cond3A_222 = arith.constant 0 : i32
        %cond3A_223 = arith.cmpi ne, %convert_element_type3A_221, %cond3A_222 : i32
        scf.if %cond3A_223 {
        } else {
        }
        %rem3A_224 = arith.constant 2 : i32
        %rem3A_225 = arith.remui %scan3A_130, %rem3A_224 : i32
        %rem3A_226 = arith.constant 2 : i32
        %rem3A_227 = arith.remui %scan3A_134, %rem3A_226 : i32
        "tpu.trace_start"() <{level = 10 : i32, message = "ep_run_kernel"}> : () -> ()
        %get3A = arith.constant 0 : index
        %get3A_228 = arith.constant 0 : index
        %get3A_229 = vector.load %run_scoped3A_3[%get3A, %get3A_228] : memref<64x4xf32, #tpu.memory_space<vmem>>, vector<64x4xf32>
        %get3A_230 = arith.constant 0 : index
        %get3A_231 = arith.constant 0 : index
        %get3A_232 = vector.load %run_scoped3A_4[%get3A_230, %get3A_231] : memref<64x4xf32, #tpu.memory_space<vmem>>, vector<64x4xf32>
        %add3A_233 = arith.addf %get3A_229, %get3A_232 : vector<64x4xf32>
        %mul3A_234 = arith.constant 8.000000e+00 : f32
        %mul3A_235 = vector.broadcast %mul3A_234 : f32 to vector<64x4xf32>
        %mul3A_236 = arith.mulf %add3A_233, %mul3A_235 : vector<64x4xf32>
        %slice3A = vector.extract_strided_slice %mul3A_236 {offsets = [0, 0], sizes = [64, 1], strides = [1, 1]} : vector<64x4xf32> to vector<64x1xf32>
        %reshape3A = vector.shape_cast %slice3A : vector<64x1xf32> to vector<64x1x1xf32>
        %slice3A_237 = vector.extract_strided_slice %mul3A_236 {offsets = [0, 1], sizes = [64, 1], strides = [1, 1]} : vector<64x4xf32> to vector<64x1xf32>
        %reshape3A_238 = vector.shape_cast %slice3A_237 : vector<64x1xf32> to vector<64x1x1xf32>
        %slice3A_239 = vector.extract_strided_slice %mul3A_236 {offsets = [0, 2], sizes = [64, 1], strides = [1, 1]} : vector<64x4xf32> to vector<64x1xf32>
        %reshape3A_240 = vector.shape_cast %slice3A_239 : vector<64x1xf32> to vector<64x1x1xf32>
        %slice3A_241 = vector.extract_strided_slice %mul3A_236 {offsets = [0, 3], sizes = [64, 1], strides = [1, 1]} : vector<64x4xf32> to vector<64x1xf32>
        %reshape3A_242 = vector.shape_cast %slice3A_241 : vector<64x1xf32> to vector<64x1x1xf32>
        %get3A_243 = arith.index_cast %rem3A_225 : i32 to index
        %get3A_244 = arith.constant 0 : index
        %get3A_245 = arith.constant 0 : index
        %get3A_246 = arith.constant 0 : index
        %get3A_247 = vector.load %run_scoped3A[%get3A_243, %get3A_244, %get3A_245, %get3A_246] : memref<2x8x16x512xf32, #tpu.memory_space<vmem>>, vector<1x8x16x512xf32>
        %get3A_248 = vector.shape_cast %get3A_247 : vector<1x8x16x512xf32> to vector<8x16x512xf32>
        %reshape3A_249 = vector.shape_cast %get3A_248 : vector<8x16x512xf32> to vector<128x512xf32>
        %get3A_250 = arith.constant 0 : index
        %get3A_251 = arith.constant 0 : index
        %get3A_252 = vector.load %run_scoped3A_2[%get3A_250, %get3A_251] : memref<512x512xf32, #tpu.memory_space<vmem>>, vector<512x512xf32>
        %dot_general3A = arith.constant dense<0.000000e+00> : vector<128x512xf32>
        %dot_general3A_253 = tpu.matmul %reshape3A_249, %get3A_252, %dot_general3A {dimension_numbers = #tpu.dot_dimension_numbers<[1], [0], [0], [1], [0, 0, 1, 1], [], []>, transpose_lhs_hint = false} : vector<128x512xf32>, vector<512x512xf32>, vector<128x512xf32> -> vector<128x512xf32>
        %slice3A_254 = vector.extract_strided_slice %dot_general3A_253 {offsets = [0, 0], sizes = [128, 128], strides = [1, 1]} : vector<128x512xf32> to vector<128x128xf32>
        %reshape3A_255 = vector.shape_cast %slice3A_254 : vector<128x128xf32> to vector<8x16x128xf32>
        %slice3A_256 = vector.extract_strided_slice %dot_general3A_253 {offsets = [0, 128], sizes = [128, 128], strides = [1, 1]} : vector<128x512xf32> to vector<128x128xf32>
        %reshape3A_257 = vector.shape_cast %slice3A_256 : vector<128x128xf32> to vector<8x16x128xf32>
        %slice3A_258 = vector.extract_strided_slice %dot_general3A_253 {offsets = [0, 256], sizes = [128, 128], strides = [1, 1]} : vector<128x512xf32> to vector<128x128xf32>
        %reshape3A_259 = vector.shape_cast %slice3A_258 : vector<128x128xf32> to vector<8x16x128xf32>
        %slice3A_260 = vector.extract_strided_slice %dot_general3A_253 {offsets = [0, 384], sizes = [128, 128], strides = [1, 1]} : vector<128x512xf32> to vector<128x128xf32>
        %reshape3A_261 = vector.shape_cast %slice3A_260 : vector<128x128xf32> to vector<8x16x128xf32>
        %max3A = arith.maximumf %reshape3A_255, %reshape3A_257 : vector<8x16x128xf32>
        %max3A_262 = arith.maximumf %reshape3A_259, %reshape3A_261 : vector<8x16x128xf32>
        %max3A_263 = arith.maximumf %max3A, %max3A_262 : vector<8x16x128xf32>
        %sub3A_264 = arith.subf %reshape3A_255, %max3A_263 : vector<8x16x128xf32>
        %exp3A = math.exp %sub3A_264 : vector<8x16x128xf32>
        %sub3A_265 = arith.subf %reshape3A_257, %max3A_263 : vector<8x16x128xf32>
        %exp3A_266 = math.exp %sub3A_265 : vector<8x16x128xf32>
        %sub3A_267 = arith.subf %reshape3A_259, %max3A_263 : vector<8x16x128xf32>
        %exp3A_268 = math.exp %sub3A_267 : vector<8x16x128xf32>
        %sub3A_269 = arith.subf %reshape3A_261, %max3A_263 : vector<8x16x128xf32>
        %exp3A_270 = math.exp %sub3A_269 : vector<8x16x128xf32>
        %add3A_271 = arith.addf %exp3A, %exp3A_266 : vector<8x16x128xf32>
        %add3A_272 = arith.addf %add3A_271, %exp3A_268 : vector<8x16x128xf32>
        %add3A_273 = arith.addf %add3A_272, %exp3A_270 : vector<8x16x128xf32>
        %div3A = arith.constant 1.000000e+00 : f32
        %div3A_274 = vector.broadcast %div3A : f32 to vector<8x16x128xf32>
        %div3A_275 = arith.divf %div3A_274, %add3A_273 : vector<8x16x128xf32>
        %mul3A_276 = arith.mulf %exp3A, %div3A_275 : vector<8x16x128xf32>
        %mul3A_277 = arith.mulf %exp3A_266, %div3A_275 : vector<8x16x128xf32>
        %mul3A_278 = arith.mulf %exp3A_268, %div3A_275 : vector<8x16x128xf32>
        %mul3A_279 = arith.mulf %exp3A_270, %div3A_275 : vector<8x16x128xf32>
        %slice3A_280 = vector.extract_strided_slice %mul3A_276 {offsets = [0, 0, 0], sizes = [1, 4, 128], strides = [1, 1, 1]} : vector<8x16x128xf32> to vector<1x4x128xf32>
        %squeeze3A = vector.shape_cast %slice3A_280 : vector<1x4x128xf32> to vector<4x128xf32>
        %broadcast_in_dim3A = vector.shape_cast %squeeze3A : vector<4x128xf32> to vector<1x4x128xf32>
        %mul3A_281 = vector.broadcast %reshape3A : vector<64x1x1xf32> to vector<64x4x128xf32>
        %mul3A_282 = vector.broadcast %broadcast_in_dim3A : vector<1x4x128xf32> to vector<64x4x128xf32>
        %mul3A_283 = arith.mulf %mul3A_281, %mul3A_282 : vector<64x4x128xf32>
        %slice3A_284 = vector.extract_strided_slice %mul3A_277 {offsets = [0, 0, 0], sizes = [1, 4, 128], strides = [1, 1, 1]} : vector<8x16x128xf32> to vector<1x4x128xf32>
        %squeeze3A_285 = vector.shape_cast %slice3A_284 : vector<1x4x128xf32> to vector<4x128xf32>
        %broadcast_in_dim3A_286 = vector.shape_cast %squeeze3A_285 : vector<4x128xf32> to vector<1x4x128xf32>
        %mul3A_287 = vector.broadcast %reshape3A_238 : vector<64x1x1xf32> to vector<64x4x128xf32>
        %mul3A_288 = vector.broadcast %broadcast_in_dim3A_286 : vector<1x4x128xf32> to vector<64x4x128xf32>
        %mul3A_289 = arith.mulf %mul3A_287, %mul3A_288 : vector<64x4x128xf32>
        %add3A_290 = arith.addf %mul3A_283, %mul3A_289 : vector<64x4x128xf32>
        %slice3A_291 = vector.extract_strided_slice %mul3A_278 {offsets = [0, 0, 0], sizes = [1, 4, 128], strides = [1, 1, 1]} : vector<8x16x128xf32> to vector<1x4x128xf32>
        %squeeze3A_292 = vector.shape_cast %slice3A_291 : vector<1x4x128xf32> to vector<4x128xf32>
        %broadcast_in_dim3A_293 = vector.shape_cast %squeeze3A_292 : vector<4x128xf32> to vector<1x4x128xf32>
        %mul3A_294 = vector.broadcast %reshape3A_240 : vector<64x1x1xf32> to vector<64x4x128xf32>
        %mul3A_295 = vector.broadcast %broadcast_in_dim3A_293 : vector<1x4x128xf32> to vector<64x4x128xf32>
        %mul3A_296 = arith.mulf %mul3A_294, %mul3A_295 : vector<64x4x128xf32>
        %add3A_297 = arith.addf %add3A_290, %mul3A_296 : vector<64x4x128xf32>
        %slice3A_298 = vector.extract_strided_slice %mul3A_279 {offsets = [0, 0, 0], sizes = [1, 4, 128], strides = [1, 1, 1]} : vector<8x16x128xf32> to vector<1x4x128xf32>
        %squeeze3A_299 = vector.shape_cast %slice3A_298 : vector<1x4x128xf32> to vector<4x128xf32>
        %broadcast_in_dim3A_300 = vector.shape_cast %squeeze3A_299 : vector<4x128xf32> to vector<1x4x128xf32>
        %mul3A_301 = vector.broadcast %reshape3A_242 : vector<64x1x1xf32> to vector<64x4x128xf32>
        %mul3A_302 = vector.broadcast %broadcast_in_dim3A_300 : vector<1x4x128xf32> to vector<64x4x128xf32>
        %mul3A_303 = arith.mulf %mul3A_301, %mul3A_302 : vector<64x4x128xf32>
        %add3A_304 = arith.addf %add3A_297, %mul3A_303 : vector<64x4x128xf32>
        %swap3A = arith.constant 0 : i32
        %swap3A_305 = arith.constant 0 : i32
        %swap3A_306 = arith.constant 0 : i32
        %swap3A_307 = arith.constant 0 : i32
        %swap3A_308 = tpu.memref_slice %run_scoped3A_5[%rem3A_227, %swap3A, %swap3A_305, %swap3A_306, %swap3A_307] : memref<2x8x64x16x128xf32, #tpu.memory_space<vmem>> -> memref<1x8x64x16x128xf32, #tpu.memory_space<vmem>>
        %swap3A_309 = tpu.memref_squeeze %swap3A_308 : memref<1x8x64x16x128xf32, #tpu.memory_space<vmem>> -> memref<8x64x16x128xf32, #tpu.memory_space<vmem>>
        %swap3A_310 = arith.constant 0 : index
        %swap3A_311 = arith.constant 0 : index
        %swap3A_312 = arith.constant 0 : index
        %swap3A_313 = arith.constant 0 : index
        %swap3A_314 = vector.load %swap3A_309[%swap3A_310, %swap3A_311, %swap3A_312, %swap3A_313] : memref<8x64x16x128xf32, #tpu.memory_space<vmem>>, vector<1x64x4x128xf32>
        %swap3A_315 = vector.shape_cast %swap3A_314 : vector<1x64x4x128xf32> to vector<64x4x128xf32>
        %swap3A_316 = vector.shape_cast %add3A_304 : vector<64x4x128xf32> to vector<1x64x4x128xf32>
        tpu.vector_store %swap3A_309[%swap3A_310, %swap3A_311, %swap3A_312, %swap3A_313], %swap3A_316 {strides = array<i32>} : memref<8x64x16x128xf32, #tpu.memory_space<vmem>>, vector<1x64x4x128xf32>,
        %slice3A_317 = vector.extract_strided_slice %mul3A_276 {offsets = [0, 4, 0], sizes = [1, 4, 128], strides = [1, 1, 1]} : vector<8x16x128xf32> to vector<1x4x128xf32>
        %squeeze3A_318 = vector.shape_cast %slice3A_317 : vector<1x4x128xf32> to vector<4x128xf32>
        %broadcast_in_dim3A_319 = vector.shape_cast %squeeze3A_318 : vector<4x128xf32> to vector<1x4x128xf32>
        %mul3A_320 = vector.broadcast %reshape3A : vector<64x1x1xf32> to vector<64x4x128xf32>
        %mul3A_321 = vector.broadcast %broadcast_in_dim3A_319 : vector<1x4x128xf32> to vector<64x4x128xf32>
        %mul3A_322 = arith.mulf %mul3A_320, %mul3A_321 : vector<64x4x128xf32>
        %slice3A_323 = vector.extract_strided_slice %mul3A_277 {offsets = [0, 4, 0], sizes = [1, 4, 128], strides = [1, 1, 1]} : vector<8x16x128xf32> to vector<1x4x128xf32>
        %squeeze3A_324 = vector.shape_cast %slice3A_323 : vector<1x4x128xf32> to vector<4x128xf32>
        %broadcast_in_dim3A_325 = vector.shape_cast %squeeze3A_324 : vector<4x128xf32> to vector<1x4x128xf32>
        %mul3A_326 = vector.broadcast %reshape3A_238 : vector<64x1x1xf32> to vector<64x4x128xf32>
        %mul3A_327 = vector.broadcast %broadcast_in_dim3A_325 : vector<1x4x128xf32> to vector<64x4x128xf32>
        %mul3A_328 = arith.mulf %mul3A_326, %mul3A_327 : vector<64x4x128xf32>
        %add3A_329 = arith.addf %mul3A_322, %mul3A_328 : vector<64x4x128xf32>
        %slice3A_330 = vector.extract_strided_slice %mul3A_278 {offsets = [0, 4, 0], sizes = [1, 4, 128], strides = [1, 1, 1]} : vector<8x16x128xf32> to vector<1x4x128xf32>
        %squeeze3A_331 = vector.shape_cast %slice3A_330 : vector<1x4x128xf32> to vector<4x128xf32>
        %broadcast_in_dim3A_332 = vector.shape_cast %squeeze3A_331 : vector<4x128xf32> to vector<1x4x128xf32>
        %mul3A_333 = vector.broadcast %reshape3A_240 : vector<64x1x1xf32> to vector<64x4x128xf32>
        %mul3A_334 = vector.broadcast %broadcast_in_dim3A_332 : vector<1x4x128xf32> to vector<64x4x128xf32>
        %mul3A_335 = arith.mulf %mul3A_333, %mul3A_334 : vector<64x4x128xf32>
        %add3A_336 = arith.addf %add3A_329, %mul3A_335 : vector<64x4x128xf32>
        %slice3A_337 = vector.extract_strided_slice %mul3A_279 {offsets = [0, 4, 0], sizes = [1, 4, 128], strides = [1, 1, 1]} : vector<8x16x128xf32> to vector<1x4x128xf32>
        %squeeze3A_338 = vector.shape_cast %slice3A_337 : vector<1x4x128xf32> to vector<4x128xf32>
        %broadcast_in_dim3A_339 = vector.shape_cast %squeeze3A_338 : vector<4x128xf32> to vector<1x4x128xf32>
        %mul3A_340 = vector.broadcast %reshape3A_242 : vector<64x1x1xf32> to vector<64x4x128xf32>
        %mul3A_341 = vector.broadcast %broadcast_in_dim3A_339 : vector<1x4x128xf32> to vector<64x4x128xf32>
        %mul3A_342 = arith.mulf %mul3A_340, %mul3A_341 : vector<64x4x128xf32>
        %add3A_343 = arith.addf %add3A_336, %mul3A_342 : vector<64x4x128xf32>
        %swap3A_344 = arith.constant 0 : i32
        %swap3A_345 = arith.constant 0 : i32
        %swap3A_346 = arith.constant 0 : i32
        %swap3A_347 = arith.constant 0 : i32
        %swap3A_348 = tpu.memref_slice %run_scoped3A_5[%rem3A_227, %swap3A_344, %swap3A_345, %swap3A_346, %swap3A_347] : memref<2x8x64x16x128xf32, #tpu.memory_space<vmem>> -> memref<1x8x64x16x128xf32, #tpu.memory_space<vmem>>
        %swap3A_349 = tpu.memref_squeeze %swap3A_348 : memref<1x8x64x16x128xf32, #tpu.memory_space<vmem>> -> memref<8x64x16x128xf32, #tpu.memory_space<vmem>>
        %swap3A_350 = arith.constant 0 : index
        %swap3A_351 = arith.constant 0 : index
        %swap3A_352 = arith.constant 4 : index
        %swap3A_353 = arith.constant 0 : index
        %swap3A_354 = vector.load %swap3A_349[%swap3A_350, %swap3A_351, %swap3A_352, %swap3A_353] : memref<8x64x16x128xf32, #tpu.memory_space<vmem>>, vector<1x64x4x128xf32>
        %swap3A_355 = vector.shape_cast %swap3A_354 : vector<1x64x4x128xf32> to vector<64x4x128xf32>
        %swap3A_356 = vector.shape_cast %add3A_343 : vector<64x4x128xf32> to vector<1x64x4x128xf32>
        tpu.vector_store %swap3A_349[%swap3A_350, %swap3A_351, %swap3A_352, %swap3A_353], %swap3A_356 {strides = array<i32>} : memref<8x64x16x128xf32, #tpu.memory_space<vmem>>, vector<1x64x4x128xf32>,
        %slice3A_357 = vector.extract_strided_slice %mul3A_276 {offsets = [0, 8, 0], sizes = [1, 4, 128], strides = [1, 1, 1]} : vector<8x16x128xf32> to vector<1x4x128xf32>
        %squeeze3A_358 = vector.shape_cast %slice3A_357 : vector<1x4x128xf32> to vector<4x128xf32>
        %broadcast_in_dim3A_359 = vector.shape_cast %squeeze3A_358 : vector<4x128xf32> to vector<1x4x128xf32>
        %mul3A_360 = vector.broadcast %reshape3A : vector<64x1x1xf32> to vector<64x4x128xf32>
        %mul3A_361 = vector.broadcast %broadcast_in_dim3A_359 : vector<1x4x128xf32> to vector<64x4x128xf32>
        %mul3A_362 = arith.mulf %mul3A_360, %mul3A_361 : vector<64x4x128xf32>
        %slice3A_363 = vector.extract_strided_slice %mul3A_277 {offsets = [0, 8, 0], sizes = [1, 4, 128], strides = [1, 1, 1]} : vector<8x16x128xf32> to vector<1x4x128xf32>
        %squeeze3A_364 = vector.shape_cast %slice3A_363 : vector<1x4x128xf32> to vector<4x128xf32>
        %broadcast_in_dim3A_365 = vector.shape_cast %squeeze3A_364 : vector<4x128xf32> to vector<1x4x128xf32>
        %mul3A_366 = vector.broadcast %reshape3A_238 : vector<64x1x1xf32> to vector<64x4x128xf32>
        %mul3A_367 = vector.broadcast %broadcast_in_dim3A_365 : vector<1x4x128xf32> to vector<64x4x128xf32>
        %mul3A_368 = arith.mulf %mul3A_366, %mul3A_367 : vector<64x4x128xf32>
        %add3A_369 = arith.addf %mul3A_362, %mul3A_368 : vector<64x4x128xf32>
        %slice3A_370 = vector.extract_strided_slice %mul3A_278 {offsets = [0, 8, 0], sizes = [1, 4, 128], strides = [1, 1, 1]} : vector<8x16x128xf32> to vector<1x4x128xf32>
        %squeeze3A_371 = vector.shape_cast %slice3A_370 : vector<1x4x128xf32> to vector<4x128xf32>
        %broadcast_in_dim3A_372 = vector.shape_cast %squeeze3A_371 : vector<4x128xf32> to vector<1x4x128xf32>
        %mul3A_373 = vector.broadcast %reshape3A_240 : vector<64x1x1xf32> to vector<64x4x128xf32>
        %mul3A_374 = vector.broadcast %broadcast_in_dim3A_372 : vector<1x4x128xf32> to vector<64x4x128xf32>
        %mul3A_375 = arith.mulf %mul3A_373, %mul3A_374 : vector<64x4x128xf32>
        %add3A_376 = arith.addf %add3A_369, %mul3A_375 : vector<64x4x128xf32>
        %slice3A_377 = vector.extract_strided_slice %mul3A_279 {offsets = [0, 8, 0], sizes = [1, 4, 128], strides = [1, 1, 1]} : vector<8x16x128xf32> to vector<1x4x128xf32>
        %squeeze3A_378 = vector.shape_cast %slice3A_377 : vector<1x4x128xf32> to vector<4x128xf32>
        %broadcast_in_dim3A_379 = vector.shape_cast %squeeze3A_378 : vector<4x128xf32> to vector<1x4x128xf32>
        %mul3A_380 = vector.broadcast %reshape3A_242 : vector<64x1x1xf32> to vector<64x4x128xf32>
        %mul3A_381 = vector.broadcast %broadcast_in_dim3A_379 : vector<1x4x128xf32> to vector<64x4x128xf32>
        %mul3A_382 = arith.mulf %mul3A_380, %mul3A_381 : vector<64x4x128xf32>
        %add3A_383 = arith.addf %add3A_376, %mul3A_382 : vector<64x4x128xf32>
        %swap3A_384 = arith.constant 0 : i32
        %swap3A_385 = arith.constant 0 : i32
        %swap3A_386 = arith.constant 0 : i32
        %swap3A_387 = arith.constant 0 : i32
        %swap3A_388 = tpu.memref_slice %run_scoped3A_5[%rem3A_227, %swap3A_384, %swap3A_385, %swap3A_386, %swap3A_387] : memref<2x8x64x16x128xf32, #tpu.memory_space<vmem>> -> memref<1x8x64x16x128xf32, #tpu.memory_space<vmem>>
        %swap3A_389 = tpu.memref_squeeze %swap3A_388 : memref<1x8x64x16x128xf32, #tpu.memory_space<vmem>> -> memref<8x64x16x128xf32, #tpu.memory_space<vmem>>
        %swap3A_390 = arith.constant 0 : index
        %swap3A_391 = arith.constant 0 : index
        %swap3A_392 = arith.constant 8 : index
        %swap3A_393 = arith.constant 0 : index
        %swap3A_394 = vector.load %swap3A_389[%swap3A_390, %swap3A_391, %swap3A_392, %swap3A_393] : memref<8x64x16x128xf32, #tpu.memory_space<vmem>>, vector<1x64x4x128xf32>
        %swap3A_395 = vector.shape_cast %swap3A_394 : vector<1x64x4x128xf32> to vector<64x4x128xf32>
        %swap3A_396 = vector.shape_cast %add3A_383 : vector<64x4x128xf32> to vector<1x64x4x128xf32>
        tpu.vector_store %swap3A_389[%swap3A_390, %swap3A_391, %swap3A_392, %swap3A_393], %swap3A_396 {strides = array<i32>} : memref<8x64x16x128xf32, #tpu.memory_space<vmem>>, vector<1x64x4x128xf32>,
        %slice3A_397 = vector.extract_strided_slice %mul3A_276 {offsets = [0, 12, 0], sizes = [1, 4, 128], strides = [1, 1, 1]} : vector<8x16x128xf32> to vector<1x4x128xf32>
        %squeeze3A_398 = vector.shape_cast %slice3A_397 : vector<1x4x128xf32> to vector<4x128xf32>
        %broadcast_in_dim3A_399 = vector.shape_cast %squeeze3A_398 : vector<4x128xf32> to vector<1x4x128xf32>
        %mul3A_400 = vector.broadcast %reshape3A : vector<64x1x1xf32> to vector<64x4x128xf32>
        %mul3A_401 = vector.broadcast %broadcast_in_dim3A_399 : vector<1x4x128xf32> to vector<64x4x128xf32>
        %mul3A_402 = arith.mulf %mul3A_400, %mul3A_401 : vector<64x4x128xf32>
        %slice3A_403 = vector.extract_strided_slice %mul3A_277 {offsets = [0, 12, 0], sizes = [1, 4, 128], strides = [1, 1, 1]} : vector<8x16x128xf32> to vector<1x4x128xf32>
        %squeeze3A_404 = vector.shape_cast %slice3A_403 : vector<1x4x128xf32> to vector<4x128xf32>
        %broadcast_in_dim3A_405 = vector.shape_cast %squeeze3A_404 : vector<4x128xf32> to vector<1x4x128xf32>
        %mul3A_406 = vector.broadcast %reshape3A_238 : vector<64x1x1xf32> to vector<64x4x128xf32>
        %mul3A_407 = vector.broadcast %broadcast_in_dim3A_405 : vector<1x4x128xf32> to vector<64x4x128xf32>
        %mul3A_408 = arith.mulf %mul3A_406, %mul3A_407 : vector<64x4x128xf32>
        %add3A_409 = arith.addf %mul3A_402, %mul3A_408 : vector<64x4x128xf32>
        %slice3A_410 = vector.extract_strided_slice %mul3A_278 {offsets = [0, 12, 0], sizes = [1, 4, 128], strides = [1, 1, 1]} : vector<8x16x128xf32> to vector<1x4x128xf32>
        %squeeze3A_411 = vector.shape_cast %slice3A_410 : vector<1x4x128xf32> to vector<4x128xf32>
        %broadcast_in_dim3A_412 = vector.shape_cast %squeeze3A_411 : vector<4x128xf32> to vector<1x4x128xf32>
        %mul3A_413 = vector.broadcast %reshape3A_240 : vector<64x1x1xf32> to vector<64x4x128xf32>
        %mul3A_414 = vector.broadcast %broadcast_in_dim3A_412 : vector<1x4x128xf32> to vector<64x4x128xf32>
        %mul3A_415 = arith.mulf %mul3A_413, %mul3A_414 : vector<64x4x128xf32>
        %add3A_416 = arith.addf %add3A_409, %mul3A_415 : vector<64x4x128xf32>
        %slice3A_417 = vector.extract_strided_slice %mul3A_279 {offsets = [0, 12, 0], sizes = [1, 4, 128], strides = [1, 1, 1]} : vector<8x16x128xf32> to vector<1x4x128xf32>
        %squeeze3A_418 = vector.shape_cast %slice3A_417 : vector<1x4x128xf32> to vector<4x128xf32>
        %broadcast_in_dim3A_419 = vector.shape_cast %squeeze3A_418 : vector<4x128xf32> to vector<1x4x128xf32>
        %mul3A_420 = vector.broadcast %reshape3A_242 : vector<64x1x1xf32> to vector<64x4x128xf32>
        %mul3A_421 = vector.broadcast %broadcast_in_dim3A_419 : vector<1x4x128xf32> to vector<64x4x128xf32>
        %mul3A_422 = arith.mulf %mul3A_420, %mul3A_421 : vector<64x4x128xf32>
        %add3A_423 = arith.addf %add3A_416, %mul3A_422 : vector<64x4x128xf32>
        %swap3A_424 = arith.constant 0 : i32
        %swap3A_425 = arith.constant 0 : i32
        %swap3A_426 = arith.constant 0 : i32
        %swap3A_427 = arith.constant 0 : i32
        %swap3A_428 = tpu.memref_slice %run_scoped3A_5[%rem3A_227, %swap3A_424, %swap3A_425, %swap3A_426, %swap3A_427] : memref<2x8x64x16x128xf32, #tpu.memory_space<vmem>> -> memref<1x8x64x16x128xf32, #tpu.memory_space<vmem>>
        %swap3A_429 = tpu.memref_squeeze %swap3A_428 : memref<1x8x64x16x128xf32, #tpu.memory_space<vmem>> -> memref<8x64x16x128xf32, #tpu.memory_space<vmem>>
        %swap3A_430 = arith.constant 0 : index
        %swap3A_431 = arith.constant 0 : index
        %swap3A_432 = arith.constant 12 : index
        %swap3A_433 = arith.constant 0 : index
        %swap3A_434 = vector.load %swap3A_429[%swap3A_430, %swap3A_431, %swap3A_432, %swap3A_433] : memref<8x64x16x128xf32, #tpu.memory_space<vmem>>, vector<1x64x4x128xf32>
        %swap3A_435 = vector.shape_cast %swap3A_434 : vector<1x64x4x128xf32> to vector<64x4x128xf32>
        %swap3A_436 = vector.shape_cast %add3A_423 : vector<64x4x128xf32> to vector<1x64x4x128xf32>
        tpu.vector_store %swap3A_429[%swap3A_430, %swap3A_431, %swap3A_432, %swap3A_433], %swap3A_436 {strides = array<i32>} : memref<8x64x16x128xf32, #tpu.memory_space<vmem>>, vector<1x64x4x128xf32>,
        %slice3A_437 = vector.extract_strided_slice %mul3A_276 {offsets = [1, 0, 0], sizes = [1, 4, 128], strides = [1, 1, 1]} : vector<8x16x128xf32> to vector<1x4x128xf32>
        %squeeze3A_438 = vector.shape_cast %slice3A_437 : vector<1x4x128xf32> to vector<4x128xf32>
        %broadcast_in_dim3A_439 = vector.shape_cast %squeeze3A_438 : vector<4x128xf32> to vector<1x4x128xf32>
        %mul3A_440 = vector.broadcast %reshape3A : vector<64x1x1xf32> to vector<64x4x128xf32>
        %mul3A_441 = vector.broadcast %broadcast_in_dim3A_439 : vector<1x4x128xf32> to vector<64x4x128xf32>
        %mul3A_442 = arith.mulf %mul3A_440, %mul3A_441 : vector<64x4x128xf32>
        %slice3A_443 = vector.extract_strided_slice %mul3A_277 {offsets = [1, 0, 0], sizes = [1, 4, 128], strides = [1, 1, 1]} : vector<8x16x128xf32> to vector<1x4x128xf32>
        %squeeze3A_444 = vector.shape_cast %slice3A_443 : vector<1x4x128xf32> to vector<4x128xf32>
        %broadcast_in_dim3A_445 = vector.shape_cast %squeeze3A_444 : vector<4x128xf32> to vector<1x4x128xf32>
        %mul3A_446 = vector.broadcast %reshape3A_238 : vector<64x1x1xf32> to vector<64x4x128xf32>
        %mul3A_447 = vector.broadcast %broadcast_in_dim3A_445 : vector<1x4x128xf32> to vector<64x4x128xf32>
        %mul3A_448 = arith.mulf %mul3A_446, %mul3A_447 : vector<64x4x128xf32>
        %add3A_449 = arith.addf %mul3A_442, %mul3A_448 : vector<64x4x128xf32>
        %slice3A_450 = vector.extract_strided_slice %mul3A_278 {offsets = [1, 0, 0], sizes = [1, 4, 128], strides = [1, 1, 1]} : vector<8x16x128xf32> to vector<1x4x128xf32>
        %squeeze3A_451 = vector.shape_cast %slice3A_450 : vector<1x4x128xf32> to vector<4x128xf32>
        %broadcast_in_dim3A_452 = vector.shape_cast %squeeze3A_451 : vector<4x128xf32> to vector<1x4x128xf32>
        %mul3A_453 = vector.broadcast %reshape3A_240 : vector<64x1x1xf32> to vector<64x4x128xf32>
        %mul3A_454 = vector.broadcast %broadcast_in_dim3A_452 : vector<1x4x128xf32> to vector<64x4x128xf32>
        %mul3A_455 = arith.mulf %mul3A_453, %mul3A_454 : vector<64x4x128xf32>
        %add3A_456 = arith.addf %add3A_449, %mul3A_455 : vector<64x4x128xf32>
        %slice3A_457 = vector.extract_strided_slice %mul3A_279 {offsets = [1, 0, 0], sizes = [1, 4, 128], strides = [1, 1, 1]} : vector<8x16x128xf32> to vector<1x4x128xf32>
        %squeeze3A_458 = vector.shape_cast %slice3A_457 : vector<1x4x128xf32> to vector<4x128xf32>
        %broadcast_in_dim3A_459 = vector.shape_cast %squeeze3A_458 : vector<4x128xf32> to vector<1x4x128xf32>
        %mul3A_460 = vector.broadcast %reshape3A_242 : vector<64x1x1xf32> to vector<64x4x128xf32>
        %mul3A_461 = vector.broadcast %broadcast_in_dim3A_459 : vector<1x4x128xf32> to vector<64x4x128xf32>
        %mul3A_462 = arith.mulf %mul3A_460, %mul3A_461 : vector<64x4x128xf32>
        %add3A_463 = arith.addf %add3A_456, %mul3A_462 : vector<64x4x128xf32>
        %swap3A_464 = arith.constant 0 : i32
        %swap3A_465 = arith.constant 0 : i32
        %swap3A_466 = arith.constant 0 : i32
        %swap3A_467 = arith.constant 0 : i32
        %swap3A_468 = tpu.memref_slice %run_scoped3A_5[%rem3A_227, %swap3A_464, %swap3A_465, %swap3A_466, %swap3A_467] : memref<2x8x64x16x128xf32, #tpu.memory_space<vmem>> -> memref<1x8x64x16x128xf32, #tpu.memory_space<vmem>>
        %swap3A_469 = tpu.memref_squeeze %swap3A_468 : memref<1x8x64x16x128xf32, #tpu.memory_space<vmem>> -> memref<8x64x16x128xf32, #tpu.memory_space<vmem>>
        %swap3A_470 = arith.constant 1 : index
        %swap3A_471 = arith.constant 0 : index
        %swap3A_472 = arith.constant 0 : index
        %swap3A_473 = arith.constant 0 : index
        %swap3A_474 = vector.load %swap3A_469[%swap3A_470, %swap3A_471, %swap3A_472, %swap3A_473] : memref<8x64x16x128xf32, #tpu.memory_space<vmem>>, vector<1x64x4x128xf32>
        %swap3A_475 = vector.shape_cast %swap3A_474 : vector<1x64x4x128xf32> to vector<64x4x128xf32>
        %swap3A_476 = vector.shape_cast %add3A_463 : vector<64x4x128xf32> to vector<1x64x4x128xf32>
        tpu.vector_store %swap3A_469[%swap3A_470, %swap3A_471, %swap3A_472, %swap3A_473], %swap3A_476 {strides = array<i32>} : memref<8x64x16x128xf32, #tpu.memory_space<vmem>>, vector<1x64x4x128xf32>,
        %slice3A_477 = vector.extract_strided_slice %mul3A_276 {offsets = [1, 4, 0], sizes = [1, 4, 128], strides = [1, 1, 1]} : vector<8x16x128xf32> to vector<1x4x128xf32>
        %squeeze3A_478 = vector.shape_cast %slice3A_477 : vector<1x4x128xf32> to vector<4x128xf32>
        %broadcast_in_dim3A_479 = vector.shape_cast %squeeze3A_478 : vector<4x128xf32> to vector<1x4x128xf32>
        %mul3A_480 = vector.broadcast %reshape3A : vector<64x1x1xf32> to vector<64x4x128xf32>
        %mul3A_481 = vector.broadcast %broadcast_in_dim3A_479 : vector<1x4x128xf32> to vector<64x4x128xf32>
        %mul3A_482 = arith.mulf %mul3A_480, %mul3A_481 : vector<64x4x128xf32>
        %slice3A_483 = vector.extract_strided_slice %mul3A_277 {offsets = [1, 4, 0], sizes = [1, 4, 128], strides = [1, 1, 1]} : vector<8x16x128xf32> to vector<1x4x128xf32>
        %squeeze3A_484 = vector.shape_cast %slice3A_483 : vector<1x4x128xf32> to vector<4x128xf32>
        %broadcast_in_dim3A_485 = vector.shape_cast %squeeze3A_484 : vector<4x128xf32> to vector<1x4x128xf32>
        %mul3A_486 = vector.broadcast %reshape3A_238 : vector<64x1x1xf32> to vector<64x4x128xf32>
        %mul3A_487 = vector.broadcast %broadcast_in_dim3A_485 : vector<1x4x128xf32> to vector<64x4x128xf32>
        %mul3A_488 = arith.mulf %mul3A_486, %mul3A_487 : vector<64x4x128xf32>
        %add3A_489 = arith.addf %mul3A_482, %mul3A_488 : vector<64x4x128xf32>
        %slice3A_490 = vector.extract_strided_slice %mul3A_278 {offsets = [1, 4, 0], sizes = [1, 4, 128], strides = [1, 1, 1]} : vector<8x16x128xf32> to vector<1x4x128xf32>
        %squeeze3A_491 = vector.shape_cast %slice3A_490 : vector<1x4x128xf32> to vector<4x128xf32>
        %broadcast_in_dim3A_492 = vector.shape_cast %squeeze3A_491 : vector<4x128xf32> to vector<1x4x128xf32>
        %mul3A_493 = vector.broadcast %reshape3A_240 : vector<64x1x1xf32> to vector<64x4x128xf32>
        %mul3A_494 = vector.broadcast %broadcast_in_dim3A_492 : vector<1x4x128xf32> to vector<64x4x128xf32>
        %mul3A_495 = arith.mulf %mul3A_493, %mul3A_494 : vector<64x4x128xf32>
        %add3A_496 = arith.addf %add3A_489, %mul3A_495 : vector<64x4x128xf32>
        %slice3A_497 = vector.extract_strided_slice %mul3A_279 {offsets = [1, 4, 0], sizes = [1, 4, 128], strides = [1, 1, 1]} : vector<8x16x128xf32> to vector<1x4x128xf32>
        %squeeze3A_498 = vector.shape_cast %slice3A_497 : vector<1x4x128xf32> to vector<4x128xf32>
        %broadcast_in_dim3A_499 = vector.shape_cast %squeeze3A_498 : vector<4x128xf32> to vector<1x4x128xf32>
        %mul3A_500 = vector.broadcast %reshape3A_242 : vector<64x1x1xf32> to vector<64x4x128xf32>
        %mul3A_501 = vector.broadcast %broadcast_in_dim3A_499 : vector<1x4x128xf32> to vector<64x4x128xf32>
        %mul3A_502 = arith.mulf %mul3A_500, %mul3A_501 : vector<64x4x128xf32>
        %add3A_503 = arith.addf %add3A_496, %mul3A_502 : vector<64x4x128xf32>
        %swap3A_504 = arith.constant 0 : i32
        %swap3A_505 = arith.constant 0 : i32
        %swap3A_506 = arith.constant 0 : i32
        %swap3A_507 = arith.constant 0 : i32
        %swap3A_508 = tpu.memref_slice %run_scoped3A_5[%rem3A_227, %swap3A_504, %swap3A_505, %swap3A_506, %swap3A_507] : memref<2x8x64x16x128xf32, #tpu.memory_space<vmem>> -> memref<1x8x64x16x128xf32, #tpu.memory_space<vmem>>
        %swap3A_509 = tpu.memref_squeeze %swap3A_508 : memref<1x8x64x16x128xf32, #tpu.memory_space<vmem>> -> memref<8x64x16x128xf32, #tpu.memory_space<vmem>>
        %swap3A_510 = arith.constant 1 : index
        %swap3A_511 = arith.constant 0 : index
        %swap3A_512 = arith.constant 4 : index
        %swap3A_513 = arith.constant 0 : index
        %swap3A_514 = vector.load %swap3A_509[%swap3A_510, %swap3A_511, %swap3A_512, %swap3A_513] : memref<8x64x16x128xf32, #tpu.memory_space<vmem>>, vector<1x64x4x128xf32>
        %swap3A_515 = vector.shape_cast %swap3A_514 : vector<1x64x4x128xf32> to vector<64x4x128xf32>
        %swap3A_516 = vector.shape_cast %add3A_503 : vector<64x4x128xf32> to vector<1x64x4x128xf32>
        tpu.vector_store %swap3A_509[%swap3A_510, %swap3A_511, %swap3A_512, %swap3A_513], %swap3A_516 {strides = array<i32>} : memref<8x64x16x128xf32, #tpu.memory_space<vmem>>, vector<1x64x4x128xf32>,
        %slice3A_517 = vector.extract_strided_slice %mul3A_276 {offsets = [1, 8, 0], sizes = [1, 4, 128], strides = [1, 1, 1]} : vector<8x16x128xf32> to vector<1x4x128xf32>
        %squeeze3A_518 = vector.shape_cast %slice3A_517 : vector<1x4x128xf32> to vector<4x128xf32>
        %broadcast_in_dim3A_519 = vector.shape_cast %squeeze3A_518 : vector<4x128xf32> to vector<1x4x128xf32>
        %mul3A_520 = vector.broadcast %reshape3A : vector<64x1x1xf32> to vector<64x4x128xf32>
        %mul3A_521 = vector.broadcast %broadcast_in_dim3A_519 : vector<1x4x128xf32> to vector<64x4x128xf32>
        %mul3A_522 = arith.mulf %mul3A_520, %mul3A_521 : vector<64x4x128xf32>
        %slice3A_523 = vector.extract_strided_slice %mul3A_277 {offsets = [1, 8, 0], sizes = [1, 4, 128], strides = [1, 1, 1]} : vector<8x16x128xf32> to vector<1x4x128xf32>
        %squeeze3A_524 = vector.shape_cast %slice3A_523 : vector<1x4x128xf32> to vector<4x128xf32>
        %broadcast_in_dim3A_525 = vector.shape_cast %squeeze3A_524 : vector<4x128xf32> to vector<1x4x128xf32>
        %mul3A_526 = vector.broadcast %reshape3A_238 : vector<64x1x1xf32> to vector<64x4x128xf32>
        %mul3A_527 = vector.broadcast %broadcast_in_dim3A_525 : vector<1x4x128xf32> to vector<64x4x128xf32>
        %mul3A_528 = arith.mulf %mul3A_526, %mul3A_527 : vector<64x4x128xf32>
        %add3A_529 = arith.addf %mul3A_522, %mul3A_528 : vector<64x4x128xf32>
        %slice3A_530 = vector.extract_strided_slice %mul3A_278 {offsets = [1, 8, 0], sizes = [1, 4, 128], strides = [1, 1, 1]} : vector<8x16x128xf32> to vector<1x4x128xf32>
        %squeeze3A_531 = vector.shape_cast %slice3A_530 : vector<1x4x128xf32> to vector<4x128xf32>
        %broadcast_in_dim3A_532 = vector.shape_cast %squeeze3A_531 : vector<4x128xf32> to vector<1x4x128xf32>
        %mul3A_533 = vector.broadcast %reshape3A_240 : vector<64x1x1xf32> to vector<64x4x128xf32>
        %mul3A_534 = vector.broadcast %broadcast_in_dim3A_532 : vector<1x4x128xf32> to vector<64x4x128xf32>
        %mul3A_535 = arith.mulf %mul3A_533, %mul3A_534 : vector<64x4x128xf32>
        %add3A_536 = arith.addf %add3A_529, %mul3A_535 : vector<64x4x128xf32>
        %slice3A_537 = vector.extract_strided_slice %mul3A_279 {offsets = [1, 8, 0], sizes = [1, 4, 128], strides = [1, 1, 1]} : vector<8x16x128xf32> to vector<1x4x128xf32>
        %squeeze3A_538 = vector.shape_cast %slice3A_537 : vector<1x4x128xf32> to vector<4x128xf32>
        %broadcast_in_dim3A_539 = vector.shape_cast %squeeze3A_538 : vector<4x128xf32> to vector<1x4x128xf32>
        %mul3A_540 = vector.broadcast %reshape3A_242 : vector<64x1x1xf32> to vector<64x4x128xf32>
        %mul3A_541 = vector.broadcast %broadcast_in_dim3A_539 : vector<1x4x128xf32> to vector<64x4x128xf32>
        %mul3A_542 = arith.mulf %mul3A_540, %mul3A_541 : vector<64x4x128xf32>
        %add3A_543 = arith.addf %add3A_536, %mul3A_542 : vector<64x4x128xf32>
        %swap3A_544 = arith.constant 0 : i32
        %swap3A_545 = arith.constant 0 : i32
        %swap3A_546 = arith.constant 0 : i32
        %swap3A_547 = arith.constant 0 : i32
        %swap3A_548 = tpu.memref_slice %run_scoped3A_5[%rem3A_227, %swap3A_544, %swap3A_545, %swap3A_546, %swap3A_547] : memref<2x8x64x16x128xf32, #tpu.memory_space<vmem>> -> memref<1x8x64x16x128xf32, #tpu.memory_space<vmem>>
        %swap3A_549 = tpu.memref_squeeze %swap3A_548 : memref<1x8x64x16x128xf32, #tpu.memory_space<vmem>> -> memref<8x64x16x128xf32, #tpu.memory_space<vmem>>
        %swap3A_550 = arith.constant 1 : index
        %swap3A_551 = arith.constant 0 : index
        %swap3A_552 = arith.constant 8 : index
        %swap3A_553 = arith.constant 0 : index
        %swap3A_554 = vector.load %swap3A_549[%swap3A_550, %swap3A_551, %swap3A_552, %swap3A_553] : memref<8x64x16x128xf32, #tpu.memory_space<vmem>>, vector<1x64x4x128xf32>
        %swap3A_555 = vector.shape_cast %swap3A_554 : vector<1x64x4x128xf32> to vector<64x4x128xf32>
        %swap3A_556 = vector.shape_cast %add3A_543 : vector<64x4x128xf32> to vector<1x64x4x128xf32>
        tpu.vector_store %swap3A_549[%swap3A_550, %swap3A_551, %swap3A_552, %swap3A_553], %swap3A_556 {strides = array<i32>} : memref<8x64x16x128xf32, #tpu.memory_space<vmem>>, vector<1x64x4x128xf32>,
        %slice3A_557 = vector.extract_strided_slice %mul3A_276 {offsets = [1, 12, 0], sizes = [1, 4, 128], strides = [1, 1, 1]} : vector<8x16x128xf32> to vector<1x4x128xf32>
        %squeeze3A_558 = vector.shape_cast %slice3A_557 : vector<1x4x128xf32> to vector<4x128xf32>
        %broadcast_in_dim3A_559 = vector.shape_cast %squeeze3A_558 : vector<4x128xf32> to vector<1x4x128xf32>
        %mul3A_560 = vector.broadcast %reshape3A : vector<64x1x1xf32> to vector<64x4x128xf32>
        %mul3A_561 = vector.broadcast %broadcast_in_dim3A_559 : vector<1x4x128xf32> to vector<64x4x128xf32>
        %mul3A_562 = arith.mulf %mul3A_560, %mul3A_561 : vector<64x4x128xf32>
        %slice3A_563 = vector.extract_strided_slice %mul3A_277 {offsets = [1, 12, 0], sizes = [1, 4, 128], strides = [1, 1, 1]} : vector<8x16x128xf32> to vector<1x4x128xf32>
        %squeeze3A_564 = vector.shape_cast %slice3A_563 : vector<1x4x128xf32> to vector<4x128xf32>
        %broadcast_in_dim3A_565 = vector.shape_cast %squeeze3A_564 : vector<4x128xf32> to vector<1x4x128xf32>
        %mul3A_566 = vector.broadcast %reshape3A_238 : vector<64x1x1xf32> to vector<64x4x128xf32>
        %mul3A_567 = vector.broadcast %broadcast_in_dim3A_565 : vector<1x4x128xf32> to vector<64x4x128xf32>
        %mul3A_568 = arith.mulf %mul3A_566, %mul3A_567 : vector<64x4x128xf32>
        %add3A_569 = arith.addf %mul3A_562, %mul3A_568 : vector<64x4x128xf32>
        %slice3A_570 = vector.extract_strided_slice %mul3A_278 {offsets = [1, 12, 0], sizes = [1, 4, 128], strides = [1, 1, 1]} : vector<8x16x128xf32> to vector<1x4x128xf32>
        %squeeze3A_571 = vector.shape_cast %slice3A_570 : vector<1x4x128xf32> to vector<4x128xf32>
        %broadcast_in_dim3A_572 = vector.shape_cast %squeeze3A_571 : vector<4x128xf32> to vector<1x4x128xf32>
        %mul3A_573 = vector.broadcast %reshape3A_240 : vector<64x1x1xf32> to vector<64x4x128xf32>
        %mul3A_574 = vector.broadcast %broadcast_in_dim3A_572 : vector<1x4x128xf32> to vector<64x4x128xf32>
        %mul3A_575 = arith.mulf %mul3A_573, %mul3A_574 : vector<64x4x128xf32>
        %add3A_576 = arith.addf %add3A_569, %mul3A_575 : vector<64x4x128xf32>
        %slice3A_577 = vector.extract_strided_slice %mul3A_279 {offsets = [1, 12, 0], sizes = [1, 4, 128], strides = [1, 1, 1]} : vector<8x16x128xf32> to vector<1x4x128xf32>
        %squeeze3A_578 = vector.shape_cast %slice3A_577 : vector<1x4x128xf32> to vector<4x128xf32>
        %broadcast_in_dim3A_579 = vector.shape_cast %squeeze3A_578 : vector<4x128xf32> to vector<1x4x128xf32>
        %mul3A_580 = vector.broadcast %reshape3A_242 : vector<64x1x1xf32> to vector<64x4x128xf32>
        %mul3A_581 = vector.broadcast %broadcast_in_dim3A_579 : vector<1x4x128xf32> to vector<64x4x128xf32>
        %mul3A_582 = arith.mulf %mul3A_580, %mul3A_581 : vector<64x4x128xf32>
        %add3A_583 = arith.addf %add3A_576, %mul3A_582 : vector<64x4x128xf32>
        %swap3A_584 = arith.constant 0 : i32
        %swap3A_585 = arith.constant 0 : i32
        %swap3A_586 = arith.constant 0 : i32
        %swap3A_587 = arith.constant 0 : i32
        %swap3A_588 = tpu.memref_slice %run_scoped3A_5[%rem3A_227, %swap3A_584, %swap3A_585, %swap3A_586, %swap3A_587] : memref<2x8x64x16x128xf32, #tpu.memory_space<vmem>> -> memref<1x8x64x16x128xf32, #tpu.memory_space<vmem>>
        %swap3A_589 = tpu.memref_squeeze %swap3A_588 : memref<1x8x64x16x128xf32, #tpu.memory_space<vmem>> -> memref<8x64x16x128xf32, #tpu.memory_space<vmem>>
        %swap3A_590 = arith.constant 1 : index
        %swap3A_591 = arith.constant 0 : index
        %swap3A_592 = arith.constant 12 : index
        %swap3A_593 = arith.constant 0 : index
        %swap3A_594 = vector.load %swap3A_589[%swap3A_590, %swap3A_591, %swap3A_592, %swap3A_593] : memref<8x64x16x128xf32, #tpu.memory_space<vmem>>, vector<1x64x4x128xf32>
        %swap3A_595 = vector.shape_cast %swap3A_594 : vector<1x64x4x128xf32> to vector<64x4x128xf32>
        %swap3A_596 = vector.shape_cast %add3A_583 : vector<64x4x128xf32> to vector<1x64x4x128xf32>
        tpu.vector_store %swap3A_589[%swap3A_590, %swap3A_591, %swap3A_592, %swap3A_593], %swap3A_596 {strides = array<i32>} : memref<8x64x16x128xf32, #tpu.memory_space<vmem>>, vector<1x64x4x128xf32>,
        %slice3A_597 = vector.extract_strided_slice %mul3A_276 {offsets = [2, 0, 0], sizes = [1, 4, 128], strides = [1, 1, 1]} : vector<8x16x128xf32> to vector<1x4x128xf32>
        %squeeze3A_598 = vector.shape_cast %slice3A_597 : vector<1x4x128xf32> to vector<4x128xf32>
        %broadcast_in_dim3A_599 = vector.shape_cast %squeeze3A_598 : vector<4x128xf32> to vector<1x4x128xf32>
        %mul3A_600 = vector.broadcast %reshape3A : vector<64x1x1xf32> to vector<64x4x128xf32>
        %mul3A_601 = vector.broadcast %broadcast_in_dim3A_599 : vector<1x4x128xf32> to vector<64x4x128xf32>
        %mul3A_602 = arith.mulf %mul3A_600, %mul3A_601 : vector<64x4x128xf32>
        %slice3A_603 = vector.extract_strided_slice %mul3A_277 {offsets = [2, 0, 0], sizes = [1, 4, 128], strides = [1, 1, 1]} : vector<8x16x128xf32> to vector<1x4x128xf32>
        %squeeze3A_604 = vector.shape_cast %slice3A_603 : vector<1x4x128xf32> to vector<4x128xf32>
        %broadcast_in_dim3A_605 = vector.shape_cast %squeeze3A_604 : vector<4x128xf32> to vector<1x4x128xf32>
        %mul3A_606 = vector.broadcast %reshape3A_238 : vector<64x1x1xf32> to vector<64x4x128xf32>
        %mul3A_607 = vector.broadcast %broadcast_in_dim3A_605 : vector<1x4x128xf32> to vector<64x4x128xf32>
        %mul3A_608 = arith.mulf %mul3A_606, %mul3A_607 : vector<64x4x128xf32>
        %add3A_609 = arith.addf %mul3A_602, %mul3A_608 : vector<64x4x128xf32>
        %slice3A_610 = vector.extract_strided_slice %mul3A_278 {offsets = [2, 0, 0], sizes = [1, 4, 128], strides = [1, 1, 1]} : vector<8x16x128xf32> to vector<1x4x128xf32>
        %squeeze3A_611 = vector.shape_cast %slice3A_610 : vector<1x4x128xf32> to vector<4x128xf32>
        %broadcast_in_dim3A_612 = vector.shape_cast %squeeze3A_611 : vector<4x128xf32> to vector<1x4x128xf32>
        %mul3A_613 = vector.broadcast %reshape3A_240 : vector<64x1x1xf32> to vector<64x4x128xf32>
        %mul3A_614 = vector.broadcast %broadcast_in_dim3A_612 : vector<1x4x128xf32> to vector<64x4x128xf32>
        %mul3A_615 = arith.mulf %mul3A_613, %mul3A_614 : vector<64x4x128xf32>
        %add3A_616 = arith.addf %add3A_609, %mul3A_615 : vector<64x4x128xf32>
        %slice3A_617 = vector.extract_strided_slice %mul3A_279 {offsets = [2, 0, 0], sizes = [1, 4, 128], strides = [1, 1, 1]} : vector<8x16x128xf32> to vector<1x4x128xf32>
        %squeeze3A_618 = vector.shape_cast %slice3A_617 : vector<1x4x128xf32> to vector<4x128xf32>
        %broadcast_in_dim3A_619 = vector.shape_cast %squeeze3A_618 : vector<4x128xf32> to vector<1x4x128xf32>
        %mul3A_620 = vector.broadcast %reshape3A_242 : vector<64x1x1xf32> to vector<64x4x128xf32>
        %mul3A_621 = vector.broadcast %broadcast_in_dim3A_619 : vector<1x4x128xf32> to vector<64x4x128xf32>
        %mul3A_622 = arith.mulf %mul3A_620, %mul3A_621 : vector<64x4x128xf32>
        %add3A_623 = arith.addf %add3A_616, %mul3A_622 : vector<64x4x128xf32>
        %swap3A_624 = arith.constant 0 : i32
        %swap3A_625 = arith.constant 0 : i32
        %swap3A_626 = arith.constant 0 : i32
        %swap3A_627 = arith.constant 0 : i32
        %swap3A_628 = tpu.memref_slice %run_scoped3A_5[%rem3A_227, %swap3A_624, %swap3A_625, %swap3A_626, %swap3A_627] : memref<2x8x64x16x128xf32, #tpu.memory_space<vmem>> -> memref<1x8x64x16x128xf32, #tpu.memory_space<vmem>>
        %swap3A_629 = tpu.memref_squeeze %swap3A_628 : memref<1x8x64x16x128xf32, #tpu.memory_space<vmem>> -> memref<8x64x16x128xf32, #tpu.memory_space<vmem>>
        %swap3A_630 = arith.constant 2 : index
        %swap3A_631 = arith.constant 0 : index
        %swap3A_632 = arith.constant 0 : index
        %swap3A_633 = arith.constant 0 : index
        %swap3A_634 = vector.load %swap3A_629[%swap3A_630, %swap3A_631, %swap3A_632, %swap3A_633] : memref<8x64x16x128xf32, #tpu.memory_space<vmem>>, vector<1x64x4x128xf32>
        %swap3A_635 = vector.shape_cast %swap3A_634 : vector<1x64x4x128xf32> to vector<64x4x128xf32>
        %swap3A_636 = vector.shape_cast %add3A_623 : vector<64x4x128xf32> to vector<1x64x4x128xf32>
        tpu.vector_store %swap3A_629[%swap3A_630, %swap3A_631, %swap3A_632, %swap3A_633], %swap3A_636 {strides = array<i32>} : memref<8x64x16x128xf32, #tpu.memory_space<vmem>>, vector<1x64x4x128xf32>,
        %slice3A_637 = vector.extract_strided_slice %mul3A_276 {offsets = [2, 4, 0], sizes = [1, 4, 128], strides = [1, 1, 1]} : vector<8x16x128xf32> to vector<1x4x128xf32>
        %squeeze3A_638 = vector.shape_cast %slice3A_637 : vector<1x4x128xf32> to vector<4x128xf32>
        %broadcast_in_dim3A_639 = vector.shape_cast %squeeze3A_638 : vector<4x128xf32> to vector<1x4x128xf32>
        %mul3A_640 = vector.broadcast %reshape3A : vector<64x1x1xf32> to vector<64x4x128xf32>
        %mul3A_641 = vector.broadcast %broadcast_in_dim3A_639 : vector<1x4x128xf32> to vector<64x4x128xf32>
        %mul3A_642 = arith.mulf %mul3A_640, %mul3A_641 : vector<64x4x128xf32>
        %slice3A_643 = vector.extract_strided_slice %mul3A_277 {offsets = [2, 4, 0], sizes = [1, 4, 128], strides = [1, 1, 1]} : vector<8x16x128xf32> to vector<1x4x128xf32>
        %squeeze3A_644 = vector.shape_cast %slice3A_643 : vector<1x4x128xf32> to vector<4x128xf32>
        %broadcast_in_dim3A_645 = vector.shape_cast %squeeze3A_644 : vector<4x128xf32> to vector<1x4x128xf32>
        %mul3A_646 = vector.broadcast %reshape3A_238 : vector<64x1x1xf32> to vector<64x4x128xf32>
        %mul3A_647 = vector.broadcast %broadcast_in_dim3A_645 : vector<1x4x128xf32> to vector<64x4x128xf32>
        %mul3A_648 = arith.mulf %mul3A_646, %mul3A_647 : vector<64x4x128xf32>
        %add3A_649 = arith.addf %mul3A_642, %mul3A_648 : vector<64x4x128xf32>
        %slice3A_650 = vector.extract_strided_slice %mul3A_278 {offsets = [2, 4, 0], sizes = [1, 4, 128], strides = [1, 1, 1]} : vector<8x16x128xf32> to vector<1x4x128xf32>
        %squeeze3A_651 = vector.shape_cast %slice3A_650 : vector<1x4x128xf32> to vector<4x128xf32>
        %broadcast_in_dim3A_652 = vector.shape_cast %squeeze3A_651 : vector<4x128xf32> to vector<1x4x128xf32>
        %mul3A_653 = vector.broadcast %reshape3A_240 : vector<64x1x1xf32> to vector<64x4x128xf32>
        %mul3A_654 = vector.broadcast %broadcast_in_dim3A_652 : vector<1x4x128xf32> to vector<64x4x128xf32>
        %mul3A_655 = arith.mulf %mul3A_653, %mul3A_654 : vector<64x4x128xf32>
        %add3A_656 = arith.addf %add3A_649, %mul3A_655 : vector<64x4x128xf32>
        %slice3A_657 = vector.extract_strided_slice %mul3A_279 {offsets = [2, 4, 0], sizes = [1, 4, 128], strides = [1, 1, 1]} : vector<8x16x128xf32> to vector<1x4x128xf32>
        %squeeze3A_658 = vector.shape_cast %slice3A_657 : vector<1x4x128xf32> to vector<4x128xf32>
        %broadcast_in_dim3A_659 = vector.shape_cast %squeeze3A_658 : vector<4x128xf32> to vector<1x4x128xf32>
        %mul3A_660 = vector.broadcast %reshape3A_242 : vector<64x1x1xf32> to vector<64x4x128xf32>
        %mul3A_661 = vector.broadcast %broadcast_in_dim3A_659 : vector<1x4x128xf32> to vector<64x4x128xf32>
        %mul3A_662 = arith.mulf %mul3A_660, %mul3A_661 : vector<64x4x128xf32>
        %add3A_663 = arith.addf %add3A_656, %mul3A_662 : vector<64x4x128xf32>
        %swap3A_664 = arith.constant 0 : i32
        %swap3A_665 = arith.constant 0 : i32
        %swap3A_666 = arith.constant 0 : i32
        %swap3A_667 = arith.constant 0 : i32
        %swap3A_668 = tpu.memref_slice %run_scoped3A_5[%rem3A_227, %swap3A_664, %swap3A_665, %swap3A_666, %swap3A_667] : memref<2x8x64x16x128xf32, #tpu.memory_space<vmem>> -> memref<1x8x64x16x128xf32, #tpu.memory_space<vmem>>
        %swap3A_669 = tpu.memref_squeeze %swap3A_668 : memref<1x8x64x16x128xf32, #tpu.memory_space<vmem>> -> memref<8x64x16x128xf32, #tpu.memory_space<vmem>>
        %swap3A_670 = arith.constant 2 : index
        %swap3A_671 = arith.constant 0 : index
        %swap3A_672 = arith.constant 4 : index
        %swap3A_673 = arith.constant 0 : index
        %swap3A_674 = vector.load %swap3A_669[%swap3A_670, %swap3A_671, %swap3A_672, %swap3A_673] : memref<8x64x16x128xf32, #tpu.memory_space<vmem>>, vector<1x64x4x128xf32>
        %swap3A_675 = vector.shape_cast %swap3A_674 : vector<1x64x4x128xf32> to vector<64x4x128xf32>
        %swap3A_676 = vector.shape_cast %add3A_663 : vector<64x4x128xf32> to vector<1x64x4x128xf32>
        tpu.vector_store %swap3A_669[%swap3A_670, %swap3A_671, %swap3A_672, %swap3A_673], %swap3A_676 {strides = array<i32>} : memref<8x64x16x128xf32, #tpu.memory_space<vmem>>, vector<1x64x4x128xf32>,
        %slice3A_677 = vector.extract_strided_slice %mul3A_276 {offsets = [2, 8, 0], sizes = [1, 4, 128], strides = [1, 1, 1]} : vector<8x16x128xf32> to vector<1x4x128xf32>
        %squeeze3A_678 = vector.shape_cast %slice3A_677 : vector<1x4x128xf32> to vector<4x128xf32>
        %broadcast_in_dim3A_679 = vector.shape_cast %squeeze3A_678 : vector<4x128xf32> to vector<1x4x128xf32>
        %mul3A_680 = vector.broadcast %reshape3A : vector<64x1x1xf32> to vector<64x4x128xf32>
        %mul3A_681 = vector.broadcast %broadcast_in_dim3A_679 : vector<1x4x128xf32> to vector<64x4x128xf32>
        %mul3A_682 = arith.mulf %mul3A_680, %mul3A_681 : vector<64x4x128xf32>
        %slice3A_683 = vector.extract_strided_slice %mul3A_277 {offsets = [2, 8, 0], sizes = [1, 4, 128], strides = [1, 1, 1]} : vector<8x16x128xf32> to vector<1x4x128xf32>
        %squeeze3A_684 = vector.shape_cast %slice3A_683 : vector<1x4x128xf32> to vector<4x128xf32>
        %broadcast_in_dim3A_685 = vector.shape_cast %squeeze3A_684 : vector<4x128xf32> to vector<1x4x128xf32>
        %mul3A_686 = vector.broadcast %reshape3A_238 : vector<64x1x1xf32> to vector<64x4x128xf32>
        %mul3A_687 = vector.broadcast %broadcast_in_dim3A_685 : vector<1x4x128xf32> to vector<64x4x128xf32>
        %mul3A_688 = arith.mulf %mul3A_686, %mul3A_687 : vector<64x4x128xf32>
        %add3A_689 = arith.addf %mul3A_682, %mul3A_688 : vector<64x4x128xf32>
        %slice3A_690 = vector.extract_strided_slice %mul3A_278 {offsets = [2, 8, 0], sizes = [1, 4, 128], strides = [1, 1, 1]} : vector<8x16x128xf32> to vector<1x4x128xf32>
        %squeeze3A_691 = vector.shape_cast %slice3A_690 : vector<1x4x128xf32> to vector<4x128xf32>
        %broadcast_in_dim3A_692 = vector.shape_cast %squeeze3A_691 : vector<4x128xf32> to vector<1x4x128xf32>
        %mul3A_693 = vector.broadcast %reshape3A_240 : vector<64x1x1xf32> to vector<64x4x128xf32>
        %mul3A_694 = vector.broadcast %broadcast_in_dim3A_692 : vector<1x4x128xf32> to vector<64x4x128xf32>
        %mul3A_695 = arith.mulf %mul3A_693, %mul3A_694 : vector<64x4x128xf32>
        %add3A_696 = arith.addf %add3A_689, %mul3A_695 : vector<64x4x128xf32>
        %slice3A_697 = vector.extract_strided_slice %mul3A_279 {offsets = [2, 8, 0], sizes = [1, 4, 128], strides = [1, 1, 1]} : vector<8x16x128xf32> to vector<1x4x128xf32>
        %squeeze3A_698 = vector.shape_cast %slice3A_697 : vector<1x4x128xf32> to vector<4x128xf32>
        %broadcast_in_dim3A_699 = vector.shape_cast %squeeze3A_698 : vector<4x128xf32> to vector<1x4x128xf32>
        %mul3A_700 = vector.broadcast %reshape3A_242 : vector<64x1x1xf32> to vector<64x4x128xf32>
        %mul3A_701 = vector.broadcast %broadcast_in_dim3A_699 : vector<1x4x128xf32> to vector<64x4x128xf32>
        %mul3A_702 = arith.mulf %mul3A_700, %mul3A_701 : vector<64x4x128xf32>
        %add3A_703 = arith.addf %add3A_696, %mul3A_702 : vector<64x4x128xf32>
        %swap3A_704 = arith.constant 0 : i32
        %swap3A_705 = arith.constant 0 : i32
        %swap3A_706 = arith.constant 0 : i32
        %swap3A_707 = arith.constant 0 : i32
        %swap3A_708 = tpu.memref_slice %run_scoped3A_5[%rem3A_227, %swap3A_704, %swap3A_705, %swap3A_706, %swap3A_707] : memref<2x8x64x16x128xf32, #tpu.memory_space<vmem>> -> memref<1x8x64x16x128xf32, #tpu.memory_space<vmem>>
        %swap3A_709 = tpu.memref_squeeze %swap3A_708 : memref<1x8x64x16x128xf32, #tpu.memory_space<vmem>> -> memref<8x64x16x128xf32, #tpu.memory_space<vmem>>
        %swap3A_710 = arith.constant 2 : index
        %swap3A_711 = arith.constant 0 : index
        %swap3A_712 = arith.constant 8 : index
        %swap3A_713 = arith.constant 0 : index
        %swap3A_714 = vector.load %swap3A_709[%swap3A_710, %swap3A_711, %swap3A_712, %swap3A_713] : memref<8x64x16x128xf32, #tpu.memory_space<vmem>>, vector<1x64x4x128xf32>
        %swap3A_715 = vector.shape_cast %swap3A_714 : vector<1x64x4x128xf32> to vector<64x4x128xf32>
        %swap3A_716 = vector.shape_cast %add3A_703 : vector<64x4x128xf32> to vector<1x64x4x128xf32>
        tpu.vector_store %swap3A_709[%swap3A_710, %swap3A_711, %swap3A_712, %swap3A_713], %swap3A_716 {strides = array<i32>} : memref<8x64x16x128xf32, #tpu.memory_space<vmem>>, vector<1x64x4x128xf32>,
        %slice3A_717 = vector.extract_strided_slice %mul3A_276 {offsets = [2, 12, 0], sizes = [1, 4, 128], strides = [1, 1, 1]} : vector<8x16x128xf32> to vector<1x4x128xf32>
        %squeeze3A_718 = vector.shape_cast %slice3A_717 : vector<1x4x128xf32> to vector<4x128xf32>
        %broadcast_in_dim3A_719 = vector.shape_cast %squeeze3A_718 : vector<4x128xf32> to vector<1x4x128xf32>
        %mul3A_720 = vector.broadcast %reshape3A : vector<64x1x1xf32> to vector<64x4x128xf32>
        %mul3A_721 = vector.broadcast %broadcast_in_dim3A_719 : vector<1x4x128xf32> to vector<64x4x128xf32>
        %mul3A_722 = arith.mulf %mul3A_720, %mul3A_721 : vector<64x4x128xf32>
        %slice3A_723 = vector.extract_strided_slice %mul3A_277 {offsets = [2, 12, 0], sizes = [1, 4, 128], strides = [1, 1, 1]} : vector<8x16x128xf32> to vector<1x4x128xf32>
        %squeeze3A_724 = vector.shape_cast %slice3A_723 : vector<1x4x128xf32> to vector<4x128xf32>
        %broadcast_in_dim3A_725 = vector.shape_cast %squeeze3A_724 : vector<4x128xf32> to vector<1x4x128xf32>
        %mul3A_726 = vector.broadcast %reshape3A_238 : vector<64x1x1xf32> to vector<64x4x128xf32>
        %mul3A_727 = vector.broadcast %broadcast_in_dim3A_725 : vector<1x4x128xf32> to vector<64x4x128xf32>
        %mul3A_728 = arith.mulf %mul3A_726, %mul3A_727 : vector<64x4x128xf32>
        %add3A_729 = arith.addf %mul3A_722, %mul3A_728 : vector<64x4x128xf32>
        %slice3A_730 = vector.extract_strided_slice %mul3A_278 {offsets = [2, 12, 0], sizes = [1, 4, 128], strides = [1, 1, 1]} : vector<8x16x128xf32> to vector<1x4x128xf32>
        %squeeze3A_731 = vector.shape_cast %slice3A_730 : vector<1x4x128xf32> to vector<4x128xf32>
        %broadcast_in_dim3A_732 = vector.shape_cast %squeeze3A_731 : vector<4x128xf32> to vector<1x4x128xf32>
        %mul3A_733 = vector.broadcast %reshape3A_240 : vector<64x1x1xf32> to vector<64x4x128xf32>
        %mul3A_734 = vector.broadcast %broadcast_in_dim3A_732 : vector<1x4x128xf32> to vector<64x4x128xf32>
        %mul3A_735 = arith.mulf %mul3A_733, %mul3A_734 : vector<64x4x128xf32>
        %add3A_736 = arith.addf %add3A_729, %mul3A_735 : vector<64x4x128xf32>
        %slice3A_737 = vector.extract_strided_slice %mul3A_279 {offsets = [2, 12, 0], sizes = [1, 4, 128], strides = [1, 1, 1]} : vector<8x16x128xf32> to vector<1x4x128xf32>
        %squeeze3A_738 = vector.shape_cast %slice3A_737 : vector<1x4x128xf32> to vector<4x128xf32>
        %broadcast_in_dim3A_739 = vector.shape_cast %squeeze3A_738 : vector<4x128xf32> to vector<1x4x128xf32>
        %mul3A_740 = vector.broadcast %reshape3A_242 : vector<64x1x1xf32> to vector<64x4x128xf32>
        %mul3A_741 = vector.broadcast %broadcast_in_dim3A_739 : vector<1x4x128xf32> to vector<64x4x128xf32>
        %mul3A_742 = arith.mulf %mul3A_740, %mul3A_741 : vector<64x4x128xf32>
        %add3A_743 = arith.addf %add3A_736, %mul3A_742 : vector<64x4x128xf32>
        %swap3A_744 = arith.constant 0 : i32
        %swap3A_745 = arith.constant 0 : i32
        %swap3A_746 = arith.constant 0 : i32
        %swap3A_747 = arith.constant 0 : i32
        %swap3A_748 = tpu.memref_slice %run_scoped3A_5[%rem3A_227, %swap3A_744, %swap3A_745, %swap3A_746, %swap3A_747] : memref<2x8x64x16x128xf32, #tpu.memory_space<vmem>> -> memref<1x8x64x16x128xf32, #tpu.memory_space<vmem>>
        %swap3A_749 = tpu.memref_squeeze %swap3A_748 : memref<1x8x64x16x128xf32, #tpu.memory_space<vmem>> -> memref<8x64x16x128xf32, #tpu.memory_space<vmem>>
        %swap3A_750 = arith.constant 2 : index
        %swap3A_751 = arith.constant 0 : index
        %swap3A_752 = arith.constant 12 : index
        %swap3A_753 = arith.constant 0 : index
        %swap3A_754 = vector.load %swap3A_749[%swap3A_750, %swap3A_751, %swap3A_752, %swap3A_753] : memref<8x64x16x128xf32, #tpu.memory_space<vmem>>, vector<1x64x4x128xf32>
        %swap3A_755 = vector.shape_cast %swap3A_754 : vector<1x64x4x128xf32> to vector<64x4x128xf32>
        %swap3A_756 = vector.shape_cast %add3A_743 : vector<64x4x128xf32> to vector<1x64x4x128xf32>
        tpu.vector_store %swap3A_749[%swap3A_750, %swap3A_751, %swap3A_752, %swap3A_753], %swap3A_756 {strides = array<i32>} : memref<8x64x16x128xf32, #tpu.memory_space<vmem>>, vector<1x64x4x128xf32>,
        %slice3A_757 = vector.extract_strided_slice %mul3A_276 {offsets = [3, 0, 0], sizes = [1, 4, 128], strides = [1, 1, 1]} : vector<8x16x128xf32> to vector<1x4x128xf32>
        %squeeze3A_758 = vector.shape_cast %slice3A_757 : vector<1x4x128xf32> to vector<4x128xf32>
        %broadcast_in_dim3A_759 = vector.shape_cast %squeeze3A_758 : vector<4x128xf32> to vector<1x4x128xf32>
        %mul3A_760 = vector.broadcast %reshape3A : vector<64x1x1xf32> to vector<64x4x128xf32>
        %mul3A_761 = vector.broadcast %broadcast_in_dim3A_759 : vector<1x4x128xf32> to vector<64x4x128xf32>
        %mul3A_762 = arith.mulf %mul3A_760, %mul3A_761 : vector<64x4x128xf32>
        %slice3A_763 = vector.extract_strided_slice %mul3A_277 {offsets = [3, 0, 0], sizes = [1, 4, 128], strides = [1, 1, 1]} : vector<8x16x128xf32> to vector<1x4x128xf32>
        %squeeze3A_764 = vector.shape_cast %slice3A_763 : vector<1x4x128xf32> to vector<4x128xf32>
        %broadcast_in_dim3A_765 = vector.shape_cast %squeeze3A_764 : vector<4x128xf32> to vector<1x4x128xf32>
        %mul3A_766 = vector.broadcast %reshape3A_238 : vector<64x1x1xf32> to vector<64x4x128xf32>
        %mul3A_767 = vector.broadcast %broadcast_in_dim3A_765 : vector<1x4x128xf32> to vector<64x4x128xf32>
        %mul3A_768 = arith.mulf %mul3A_766, %mul3A_767 : vector<64x4x128xf32>
        %add3A_769 = arith.addf %mul3A_762, %mul3A_768 : vector<64x4x128xf32>
        %slice3A_770 = vector.extract_strided_slice %mul3A_278 {offsets = [3, 0, 0], sizes = [1, 4, 128], strides = [1, 1, 1]} : vector<8x16x128xf32> to vector<1x4x128xf32>
        %squeeze3A_771 = vector.shape_cast %slice3A_770 : vector<1x4x128xf32> to vector<4x128xf32>
        %broadcast_in_dim3A_772 = vector.shape_cast %squeeze3A_771 : vector<4x128xf32> to vector<1x4x128xf32>
        %mul3A_773 = vector.broadcast %reshape3A_240 : vector<64x1x1xf32> to vector<64x4x128xf32>
        %mul3A_774 = vector.broadcast %broadcast_in_dim3A_772 : vector<1x4x128xf32> to vector<64x4x128xf32>
        %mul3A_775 = arith.mulf %mul3A_773, %mul3A_774 : vector<64x4x128xf32>
        %add3A_776 = arith.addf %add3A_769, %mul3A_775 : vector<64x4x128xf32>
        %slice3A_777 = vector.extract_strided_slice %mul3A_279 {offsets = [3, 0, 0], sizes = [1, 4, 128], strides = [1, 1, 1]} : vector<8x16x128xf32> to vector<1x4x128xf32>
        %squeeze3A_778 = vector.shape_cast %slice3A_777 : vector<1x4x128xf32> to vector<4x128xf32>
        %broadcast_in_dim3A_779 = vector.shape_cast %squeeze3A_778 : vector<4x128xf32> to vector<1x4x128xf32>
        %mul3A_780 = vector.broadcast %reshape3A_242 : vector<64x1x1xf32> to vector<64x4x128xf32>
        %mul3A_781 = vector.broadcast %broadcast_in_dim3A_779 : vector<1x4x128xf32> to vector<64x4x128xf32>
        %mul3A_782 = arith.mulf %mul3A_780, %mul3A_781 : vector<64x4x128xf32>
        %add3A_783 = arith.addf %add3A_776, %mul3A_782 : vector<64x4x128xf32>
        %swap3A_784 = arith.constant 0 : i32
        %swap3A_785 = arith.constant 0 : i32
        %swap3A_786 = arith.constant 0 : i32
        %swap3A_787 = arith.constant 0 : i32
        %swap3A_788 = tpu.memref_slice %run_scoped3A_5[%rem3A_227, %swap3A_784, %swap3A_785, %swap3A_786, %swap3A_787] : memref<2x8x64x16x128xf32, #tpu.memory_space<vmem>> -> memref<1x8x64x16x128xf32, #tpu.memory_space<vmem>>
        %swap3A_789 = tpu.memref_squeeze %swap3A_788 : memref<1x8x64x16x128xf32, #tpu.memory_space<vmem>> -> memref<8x64x16x128xf32, #tpu.memory_space<vmem>>
        %swap3A_790 = arith.constant 3 : index
        %swap3A_791 = arith.constant 0 : index
        %swap3A_792 = arith.constant 0 : index
        %swap3A_793 = arith.constant 0 : index
        %swap3A_794 = vector.load %swap3A_789[%swap3A_790, %swap3A_791, %swap3A_792, %swap3A_793] : memref<8x64x16x128xf32, #tpu.memory_space<vmem>>, vector<1x64x4x128xf32>
        %swap3A_795 = vector.shape_cast %swap3A_794 : vector<1x64x4x128xf32> to vector<64x4x128xf32>
        %swap3A_796 = vector.shape_cast %add3A_783 : vector<64x4x128xf32> to vector<1x64x4x128xf32>
        tpu.vector_store %swap3A_789[%swap3A_790, %swap3A_791, %swap3A_792, %swap3A_793], %swap3A_796 {strides = array<i32>} : memref<8x64x16x128xf32, #tpu.memory_space<vmem>>, vector<1x64x4x128xf32>,
        %slice3A_797 = vector.extract_strided_slice %mul3A_276 {offsets = [3, 4, 0], sizes = [1, 4, 128], strides = [1, 1, 1]} : vector<8x16x128xf32> to vector<1x4x128xf32>
        %squeeze3A_798 = vector.shape_cast %slice3A_797 : vector<1x4x128xf32> to vector<4x128xf32>
        %broadcast_in_dim3A_799 = vector.shape_cast %squeeze3A_798 : vector<4x128xf32> to vector<1x4x128xf32>
        %mul3A_800 = vector.broadcast %reshape3A : vector<64x1x1xf32> to vector<64x4x128xf32>
        %mul3A_801 = vector.broadcast %broadcast_in_dim3A_799 : vector<1x4x128xf32> to vector<64x4x128xf32>
        %mul3A_802 = arith.mulf %mul3A_800, %mul3A_801 : vector<64x4x128xf32>
        %slice3A_803 = vector.extract_strided_slice %mul3A_277 {offsets = [3, 4, 0], sizes = [1, 4, 128], strides = [1, 1, 1]} : vector<8x16x128xf32> to vector<1x4x128xf32>
        %squeeze3A_804 = vector.shape_cast %slice3A_803 : vector<1x4x128xf32> to vector<4x128xf32>
        %broadcast_in_dim3A_805 = vector.shape_cast %squeeze3A_804 : vector<4x128xf32> to vector<1x4x128xf32>
        %mul3A_806 = vector.broadcast %reshape3A_238 : vector<64x1x1xf32> to vector<64x4x128xf32>
        %mul3A_807 = vector.broadcast %broadcast_in_dim3A_805 : vector<1x4x128xf32> to vector<64x4x128xf32>
        %mul3A_808 = arith.mulf %mul3A_806, %mul3A_807 : vector<64x4x128xf32>
        %add3A_809 = arith.addf %mul3A_802, %mul3A_808 : vector<64x4x128xf32>
        %slice3A_810 = vector.extract_strided_slice %mul3A_278 {offsets = [3, 4, 0], sizes = [1, 4, 128], strides = [1, 1, 1]} : vector<8x16x128xf32> to vector<1x4x128xf32>
        %squeeze3A_811 = vector.shape_cast %slice3A_810 : vector<1x4x128xf32> to vector<4x128xf32>
        %broadcast_in_dim3A_812 = vector.shape_cast %squeeze3A_811 : vector<4x128xf32> to vector<1x4x128xf32>
        %mul3A_813 = vector.broadcast %reshape3A_240 : vector<64x1x1xf32> to vector<64x4x128xf32>
        %mul3A_814 = vector.broadcast %broadcast_in_dim3A_812 : vector<1x4x128xf32> to vector<64x4x128xf32>
        %mul3A_815 = arith.mulf %mul3A_813, %mul3A_814 : vector<64x4x128xf32>
        %add3A_816 = arith.addf %add3A_809, %mul3A_815 : vector<64x4x128xf32>
        %slice3A_817 = vector.extract_strided_slice %mul3A_279 {offsets = [3, 4, 0], sizes = [1, 4, 128], strides = [1, 1, 1]} : vector<8x16x128xf32> to vector<1x4x128xf32>
        %squeeze3A_818 = vector.shape_cast %slice3A_817 : vector<1x4x128xf32> to vector<4x128xf32>
        %broadcast_in_dim3A_819 = vector.shape_cast %squeeze3A_818 : vector<4x128xf32> to vector<1x4x128xf32>
        %mul3A_820 = vector.broadcast %reshape3A_242 : vector<64x1x1xf32> to vector<64x4x128xf32>
        %mul3A_821 = vector.broadcast %broadcast_in_dim3A_819 : vector<1x4x128xf32> to vector<64x4x128xf32>
        %mul3A_822 = arith.mulf %mul3A_820, %mul3A_821 : vector<64x4x128xf32>
        %add3A_823 = arith.addf %add3A_816, %mul3A_822 : vector<64x4x128xf32>
        %swap3A_824 = arith.constant 0 : i32
        %swap3A_825 = arith.constant 0 : i32
        %swap3A_826 = arith.constant 0 : i32
        %swap3A_827 = arith.constant 0 : i32
        %swap3A_828 = tpu.memref_slice %run_scoped3A_5[%rem3A_227, %swap3A_824, %swap3A_825, %swap3A_826, %swap3A_827] : memref<2x8x64x16x128xf32, #tpu.memory_space<vmem>> -> memref<1x8x64x16x128xf32, #tpu.memory_space<vmem>>
        %swap3A_829 = tpu.memref_squeeze %swap3A_828 : memref<1x8x64x16x128xf32, #tpu.memory_space<vmem>> -> memref<8x64x16x128xf32, #tpu.memory_space<vmem>>
        %swap3A_830 = arith.constant 3 : index
        %swap3A_831 = arith.constant 0 : index
        %swap3A_832 = arith.constant 4 : index
        %swap3A_833 = arith.constant 0 : index
        %swap3A_834 = vector.load %swap3A_829[%swap3A_830, %swap3A_831, %swap3A_832, %swap3A_833] : memref<8x64x16x128xf32, #tpu.memory_space<vmem>>, vector<1x64x4x128xf32>
        %swap3A_835 = vector.shape_cast %swap3A_834 : vector<1x64x4x128xf32> to vector<64x4x128xf32>
        %swap3A_836 = vector.shape_cast %add3A_823 : vector<64x4x128xf32> to vector<1x64x4x128xf32>
        tpu.vector_store %swap3A_829[%swap3A_830, %swap3A_831, %swap3A_832, %swap3A_833], %swap3A_836 {strides = array<i32>} : memref<8x64x16x128xf32, #tpu.memory_space<vmem>>, vector<1x64x4x128xf32>,
        %slice3A_837 = vector.extract_strided_slice %mul3A_276 {offsets = [3, 8, 0], sizes = [1, 4, 128], strides = [1, 1, 1]} : vector<8x16x128xf32> to vector<1x4x128xf32>
        %squeeze3A_838 = vector.shape_cast %slice3A_837 : vector<1x4x128xf32> to vector<4x128xf32>
        %broadcast_in_dim3A_839 = vector.shape_cast %squeeze3A_838 : vector<4x128xf32> to vector<1x4x128xf32>
        %mul3A_840 = vector.broadcast %reshape3A : vector<64x1x1xf32> to vector<64x4x128xf32>
        %mul3A_841 = vector.broadcast %broadcast_in_dim3A_839 : vector<1x4x128xf32> to vector<64x4x128xf32>
        %mul3A_842 = arith.mulf %mul3A_840, %mul3A_841 : vector<64x4x128xf32>
        %slice3A_843 = vector.extract_strided_slice %mul3A_277 {offsets = [3, 8, 0], sizes = [1, 4, 128], strides = [1, 1, 1]} : vector<8x16x128xf32> to vector<1x4x128xf32>
        %squeeze3A_844 = vector.shape_cast %slice3A_843 : vector<1x4x128xf32> to vector<4x128xf32>
        %broadcast_in_dim3A_845 = vector.shape_cast %squeeze3A_844 : vector<4x128xf32> to vector<1x4x128xf32>
        %mul3A_846 = vector.broadcast %reshape3A_238 : vector<64x1x1xf32> to vector<64x4x128xf32>
        %mul3A_847 = vector.broadcast %broadcast_in_dim3A_845 : vector<1x4x128xf32> to vector<64x4x128xf32>
        %mul3A_848 = arith.mulf %mul3A_846, %mul3A_847 : vector<64x4x128xf32>
        %add3A_849 = arith.addf %mul3A_842, %mul3A_848 : vector<64x4x128xf32>
        %slice3A_850 = vector.extract_strided_slice %mul3A_278 {offsets = [3, 8, 0], sizes = [1, 4, 128], strides = [1, 1, 1]} : vector<8x16x128xf32> to vector<1x4x128xf32>
        %squeeze3A_851 = vector.shape_cast %slice3A_850 : vector<1x4x128xf32> to vector<4x128xf32>
        %broadcast_in_dim3A_852 = vector.shape_cast %squeeze3A_851 : vector<4x128xf32> to vector<1x4x128xf32>
        %mul3A_853 = vector.broadcast %reshape3A_240 : vector<64x1x1xf32> to vector<64x4x128xf32>
        %mul3A_854 = vector.broadcast %broadcast_in_dim3A_852 : vector<1x4x128xf32> to vector<64x4x128xf32>
        %mul3A_855 = arith.mulf %mul3A_853, %mul3A_854 : vector<64x4x128xf32>
        %add3A_856 = arith.addf %add3A_849, %mul3A_855 : vector<64x4x128xf32>
        %slice3A_857 = vector.extract_strided_slice %mul3A_279 {offsets = [3, 8, 0], sizes = [1, 4, 128], strides = [1, 1, 1]} : vector<8x16x128xf32> to vector<1x4x128xf32>
        %squeeze3A_858 = vector.shape_cast %slice3A_857 : vector<1x4x128xf32> to vector<4x128xf32>
        %broadcast_in_dim3A_859 = vector.shape_cast %squeeze3A_858 : vector<4x128xf32> to vector<1x4x128xf32>
        %mul3A_860 = vector.broadcast %reshape3A_242 : vector<64x1x1xf32> to vector<64x4x128xf32>
        %mul3A_861 = vector.broadcast %broadcast_in_dim3A_859 : vector<1x4x128xf32> to vector<64x4x128xf32>
        %mul3A_862 = arith.mulf %mul3A_860, %mul3A_861 : vector<64x4x128xf32>
        %add3A_863 = arith.addf %add3A_856, %mul3A_862 : vector<64x4x128xf32>
        %swap3A_864 = arith.constant 0 : i32
        %swap3A_865 = arith.constant 0 : i32
        %swap3A_866 = arith.constant 0 : i32
        %swap3A_867 = arith.constant 0 : i32
        %swap3A_868 = tpu.memref_slice %run_scoped3A_5[%rem3A_227, %swap3A_864, %swap3A_865, %swap3A_866, %swap3A_867] : memref<2x8x64x16x128xf32, #tpu.memory_space<vmem>> -> memref<1x8x64x16x128xf32, #tpu.memory_space<vmem>>
        %swap3A_869 = tpu.memref_squeeze %swap3A_868 : memref<1x8x64x16x128xf32, #tpu.memory_space<vmem>> -> memref<8x64x16x128xf32, #tpu.memory_space<vmem>>
        %swap3A_870 = arith.constant 3 : index
        %swap3A_871 = arith.constant 0 : index
        %swap3A_872 = arith.constant 8 : index
        %swap3A_873 = arith.constant 0 : index
        %swap3A_874 = vector.load %swap3A_869[%swap3A_870, %swap3A_871, %swap3A_872, %swap3A_873] : memref<8x64x16x128xf32, #tpu.memory_space<vmem>>, vector<1x64x4x128xf32>
        %swap3A_875 = vector.shape_cast %swap3A_874 : vector<1x64x4x128xf32> to vector<64x4x128xf32>
        %swap3A_876 = vector.shape_cast %add3A_863 : vector<64x4x128xf32> to vector<1x64x4x128xf32>
        tpu.vector_store %swap3A_869[%swap3A_870, %swap3A_871, %swap3A_872, %swap3A_873], %swap3A_876 {strides = array<i32>} : memref<8x64x16x128xf32, #tpu.memory_space<vmem>>, vector<1x64x4x128xf32>,
        %slice3A_877 = vector.extract_strided_slice %mul3A_276 {offsets = [3, 12, 0], sizes = [1, 4, 128], strides = [1, 1, 1]} : vector<8x16x128xf32> to vector<1x4x128xf32>
        %squeeze3A_878 = vector.shape_cast %slice3A_877 : vector<1x4x128xf32> to vector<4x128xf32>
        %broadcast_in_dim3A_879 = vector.shape_cast %squeeze3A_878 : vector<4x128xf32> to vector<1x4x128xf32>
        %mul3A_880 = vector.broadcast %reshape3A : vector<64x1x1xf32> to vector<64x4x128xf32>
        %mul3A_881 = vector.broadcast %broadcast_in_dim3A_879 : vector<1x4x128xf32> to vector<64x4x128xf32>
        %mul3A_882 = arith.mulf %mul3A_880, %mul3A_881 : vector<64x4x128xf32>
        %slice3A_883 = vector.extract_strided_slice %mul3A_277 {offsets = [3, 12, 0], sizes = [1, 4, 128], strides = [1, 1, 1]} : vector<8x16x128xf32> to vector<1x4x128xf32>
        %squeeze3A_884 = vector.shape_cast %slice3A_883 : vector<1x4x128xf32> to vector<4x128xf32>
        %broadcast_in_dim3A_885 = vector.shape_cast %squeeze3A_884 : vector<4x128xf32> to vector<1x4x128xf32>
        %mul3A_886 = vector.broadcast %reshape3A_238 : vector<64x1x1xf32> to vector<64x4x128xf32>
        %mul3A_887 = vector.broadcast %broadcast_in_dim3A_885 : vector<1x4x128xf32> to vector<64x4x128xf32>
        %mul3A_888 = arith.mulf %mul3A_886, %mul3A_887 : vector<64x4x128xf32>
        %add3A_889 = arith.addf %mul3A_882, %mul3A_888 : vector<64x4x128xf32>
        %slice3A_890 = vector.extract_strided_slice %mul3A_278 {offsets = [3, 12, 0], sizes = [1, 4, 128], strides = [1, 1, 1]} : vector<8x16x128xf32> to vector<1x4x128xf32>
        %squeeze3A_891 = vector.shape_cast %slice3A_890 : vector<1x4x128xf32> to vector<4x128xf32>
        %broadcast_in_dim3A_892 = vector.shape_cast %squeeze3A_891 : vector<4x128xf32> to vector<1x4x128xf32>
        %mul3A_893 = vector.broadcast %reshape3A_240 : vector<64x1x1xf32> to vector<64x4x128xf32>
        %mul3A_894 = vector.broadcast %broadcast_in_dim3A_892 : vector<1x4x128xf32> to vector<64x4x128xf32>
        %mul3A_895 = arith.mulf %mul3A_893, %mul3A_894 : vector<64x4x128xf32>
        %add3A_896 = arith.addf %add3A_889, %mul3A_895 : vector<64x4x128xf32>
        %slice3A_897 = vector.extract_strided_slice %mul3A_279 {offsets = [3, 12, 0], sizes = [1, 4, 128], strides = [1, 1, 1]} : vector<8x16x128xf32> to vector<1x4x128xf32>
        %squeeze3A_898 = vector.shape_cast %slice3A_897 : vector<1x4x128xf32> to vector<4x128xf32>
        %broadcast_in_dim3A_899 = vector.shape_cast %squeeze3A_898 : vector<4x128xf32> to vector<1x4x128xf32>
        %mul3A_900 = vector.broadcast %reshape3A_242 : vector<64x1x1xf32> to vector<64x4x128xf32>
        %mul3A_901 = vector.broadcast %broadcast_in_dim3A_899 : vector<1x4x128xf32> to vector<64x4x128xf32>
        %mul3A_902 = arith.mulf %mul3A_900, %mul3A_901 : vector<64x4x128xf32>
        %add3A_903 = arith.addf %add3A_896, %mul3A_902 : vector<64x4x128xf32>
        %swap3A_904 = arith.constant 0 : i32
        %swap3A_905 = arith.constant 0 : i32
        %swap3A_906 = arith.constant 0 : i32
        %swap3A_907 = arith.constant 0 : i32
        %swap3A_908 = tpu.memref_slice %run_scoped3A_5[%rem3A_227, %swap3A_904, %swap3A_905, %swap3A_906, %swap3A_907] : memref<2x8x64x16x128xf32, #tpu.memory_space<vmem>> -> memref<1x8x64x16x128xf32, #tpu.memory_space<vmem>>
        %swap3A_909 = tpu.memref_squeeze %swap3A_908 : memref<1x8x64x16x128xf32, #tpu.memory_space<vmem>> -> memref<8x64x16x128xf32, #tpu.memory_space<vmem>>
        %swap3A_910 = arith.constant 3 : index
        %swap3A_911 = arith.constant 0 : index
        %swap3A_912 = arith.constant 12 : index
        %swap3A_913 = arith.constant 0 : index
        %swap3A_914 = vector.load %swap3A_909[%swap3A_910, %swap3A_911, %swap3A_912, %swap3A_913] : memref<8x64x16x128xf32, #tpu.memory_space<vmem>>, vector<1x64x4x128xf32>
        %swap3A_915 = vector.shape_cast %swap3A_914 : vector<1x64x4x128xf32> to vector<64x4x128xf32>
        %swap3A_916 = vector.shape_cast %add3A_903 : vector<64x4x128xf32> to vector<1x64x4x128xf32>
        tpu.vector_store %swap3A_909[%swap3A_910, %swap3A_911, %swap3A_912, %swap3A_913], %swap3A_916 {strides = array<i32>} : memref<8x64x16x128xf32, #tpu.memory_space<vmem>>, vector<1x64x4x128xf32>,
        %slice3A_917 = vector.extract_strided_slice %mul3A_276 {offsets = [4, 0, 0], sizes = [1, 4, 128], strides = [1, 1, 1]} : vector<8x16x128xf32> to vector<1x4x128xf32>
        %squeeze3A_918 = vector.shape_cast %slice3A_917 : vector<1x4x128xf32> to vector<4x128xf32>
        %broadcast_in_dim3A_919 = vector.shape_cast %squeeze3A_918 : vector<4x128xf32> to vector<1x4x128xf32>
        %mul3A_920 = vector.broadcast %reshape3A : vector<64x1x1xf32> to vector<64x4x128xf32>
        %mul3A_921 = vector.broadcast %broadcast_in_dim3A_919 : vector<1x4x128xf32> to vector<64x4x128xf32>
        %mul3A_922 = arith.mulf %mul3A_920, %mul3A_921 : vector<64x4x128xf32>
        %slice3A_923 = vector.extract_strided_slice %mul3A_277 {offsets = [4, 0, 0], sizes = [1, 4, 128], strides = [1, 1, 1]} : vector<8x16x128xf32> to vector<1x4x128xf32>
        %squeeze3A_924 = vector.shape_cast %slice3A_923 : vector<1x4x128xf32> to vector<4x128xf32>
        %broadcast_in_dim3A_925 = vector.shape_cast %squeeze3A_924 : vector<4x128xf32> to vector<1x4x128xf32>
        %mul3A_926 = vector.broadcast %reshape3A_238 : vector<64x1x1xf32> to vector<64x4x128xf32>
        %mul3A_927 = vector.broadcast %broadcast_in_dim3A_925 : vector<1x4x128xf32> to vector<64x4x128xf32>
        %mul3A_928 = arith.mulf %mul3A_926, %mul3A_927 : vector<64x4x128xf32>
        %add3A_929 = arith.addf %mul3A_922, %mul3A_928 : vector<64x4x128xf32>
        %slice3A_930 = vector.extract_strided_slice %mul3A_278 {offsets = [4, 0, 0], sizes = [1, 4, 128], strides = [1, 1, 1]} : vector<8x16x128xf32> to vector<1x4x128xf32>
        %squeeze3A_931 = vector.shape_cast %slice3A_930 : vector<1x4x128xf32> to vector<4x128xf32>
        %broadcast_in_dim3A_932 = vector.shape_cast %squeeze3A_931 : vector<4x128xf32> to vector<1x4x128xf32>
        %mul3A_933 = vector.broadcast %reshape3A_240 : vector<64x1x1xf32> to vector<64x4x128xf32>
        %mul3A_934 = vector.broadcast %broadcast_in_dim3A_932 : vector<1x4x128xf32> to vector<64x4x128xf32>
        %mul3A_935 = arith.mulf %mul3A_933, %mul3A_934 : vector<64x4x128xf32>
        %add3A_936 = arith.addf %add3A_929, %mul3A_935 : vector<64x4x128xf32>
        %slice3A_937 = vector.extract_strided_slice %mul3A_279 {offsets = [4, 0, 0], sizes = [1, 4, 128], strides = [1, 1, 1]} : vector<8x16x128xf32> to vector<1x4x128xf32>
        %squeeze3A_938 = vector.shape_cast %slice3A_937 : vector<1x4x128xf32> to vector<4x128xf32>
        %broadcast_in_dim3A_939 = vector.shape_cast %squeeze3A_938 : vector<4x128xf32> to vector<1x4x128xf32>
        %mul3A_940 = vector.broadcast %reshape3A_242 : vector<64x1x1xf32> to vector<64x4x128xf32>
        %mul3A_941 = vector.broadcast %broadcast_in_dim3A_939 : vector<1x4x128xf32> to vector<64x4x128xf32>
        %mul3A_942 = arith.mulf %mul3A_940, %mul3A_941 : vector<64x4x128xf32>
        %add3A_943 = arith.addf %add3A_936, %mul3A_942 : vector<64x4x128xf32>
        %swap3A_944 = arith.constant 0 : i32
        %swap3A_945 = arith.constant 0 : i32
        %swap3A_946 = arith.constant 0 : i32
        %swap3A_947 = arith.constant 0 : i32
        %swap3A_948 = tpu.memref_slice %run_scoped3A_5[%rem3A_227, %swap3A_944, %swap3A_945, %swap3A_946, %swap3A_947] : memref<2x8x64x16x128xf32, #tpu.memory_space<vmem>> -> memref<1x8x64x16x128xf32, #tpu.memory_space<vmem>>
        %swap3A_949 = tpu.memref_squeeze %swap3A_948 : memref<1x8x64x16x128xf32, #tpu.memory_space<vmem>> -> memref<8x64x16x128xf32, #tpu.memory_space<vmem>>
        %swap3A_950 = arith.constant 4 : index
        %swap3A_951 = arith.constant 0 : index
        %swap3A_952 = arith.constant 0 : index
        %swap3A_953 = arith.constant 0 : index
        %swap3A_954 = vector.load %swap3A_949[%swap3A_950, %swap3A_951, %swap3A_952, %swap3A_953] : memref<8x64x16x128xf32, #tpu.memory_space<vmem>>, vector<1x64x4x128xf32>
        %swap3A_955 = vector.shape_cast %swap3A_954 : vector<1x64x4x128xf32> to vector<64x4x128xf32>
        %swap3A_956 = vector.shape_cast %add3A_943 : vector<64x4x128xf32> to vector<1x64x4x128xf32>
        tpu.vector_store %swap3A_949[%swap3A_950, %swap3A_951, %swap3A_952, %swap3A_953], %swap3A_956 {strides = array<i32>} : memref<8x64x16x128xf32, #tpu.memory_space<vmem>>, vector<1x64x4x128xf32>,
        %slice3A_957 = vector.extract_strided_slice %mul3A_276 {offsets = [4, 4, 0], sizes = [1, 4, 128], strides = [1, 1, 1]} : vector<8x16x128xf32> to vector<1x4x128xf32>
        %squeeze3A_958 = vector.shape_cast %slice3A_957 : vector<1x4x128xf32> to vector<4x128xf32>
        %broadcast_in_dim3A_959 = vector.shape_cast %squeeze3A_958 : vector<4x128xf32> to vector<1x4x128xf32>
        %mul3A_960 = vector.broadcast %reshape3A : vector<64x1x1xf32> to vector<64x4x128xf32>
        %mul3A_961 = vector.broadcast %broadcast_in_dim3A_959 : vector<1x4x128xf32> to vector<64x4x128xf32>
        %mul3A_962 = arith.mulf %mul3A_960, %mul3A_961 : vector<64x4x128xf32>
        %slice3A_963 = vector.extract_strided_slice %mul3A_277 {offsets = [4, 4, 0], sizes = [1, 4, 128], strides = [1, 1, 1]} : vector<8x16x128xf32> to vector<1x4x128xf32>
        %squeeze3A_964 = vector.shape_cast %slice3A_963 : vector<1x4x128xf32> to vector<4x128xf32>
        %broadcast_in_dim3A_965 = vector.shape_cast %squeeze3A_964 : vector<4x128xf32> to vector<1x4x128xf32>
        %mul3A_966 = vector.broadcast %reshape3A_238 : vector<64x1x1xf32> to vector<64x4x128xf32>
        %mul3A_967 = vector.broadcast %broadcast_in_dim3A_965 : vector<1x4x128xf32> to vector<64x4x128xf32>
        %mul3A_968 = arith.mulf %mul3A_966, %mul3A_967 : vector<64x4x128xf32>
        %add3A_969 = arith.addf %mul3A_962, %mul3A_968 : vector<64x4x128xf32>
        %slice3A_970 = vector.extract_strided_slice %mul3A_278 {offsets = [4, 4, 0], sizes = [1, 4, 128], strides = [1, 1, 1]} : vector<8x16x128xf32> to vector<1x4x128xf32>
        %squeeze3A_971 = vector.shape_cast %slice3A_970 : vector<1x4x128xf32> to vector<4x128xf32>
        %broadcast_in_dim3A_972 = vector.shape_cast %squeeze3A_971 : vector<4x128xf32> to vector<1x4x128xf32>
        %mul3A_973 = vector.broadcast %reshape3A_240 : vector<64x1x1xf32> to vector<64x4x128xf32>
        %mul3A_974 = vector.broadcast %broadcast_in_dim3A_972 : vector<1x4x128xf32> to vector<64x4x128xf32>
        %mul3A_975 = arith.mulf %mul3A_973, %mul3A_974 : vector<64x4x128xf32>
        %add3A_976 = arith.addf %add3A_969, %mul3A_975 : vector<64x4x128xf32>
        %slice3A_977 = vector.extract_strided_slice %mul3A_279 {offsets = [4, 4, 0], sizes = [1, 4, 128], strides = [1, 1, 1]} : vector<8x16x128xf32> to vector<1x4x128xf32>
        %squeeze3A_978 = vector.shape_cast %slice3A_977 : vector<1x4x128xf32> to vector<4x128xf32>
        %broadcast_in_dim3A_979 = vector.shape_cast %squeeze3A_978 : vector<4x128xf32> to vector<1x4x128xf32>
        %mul3A_980 = vector.broadcast %reshape3A_242 : vector<64x1x1xf32> to vector<64x4x128xf32>
        %mul3A_981 = vector.broadcast %broadcast_in_dim3A_979 : vector<1x4x128xf32> to vector<64x4x128xf32>
        %mul3A_982 = arith.mulf %mul3A_980, %mul3A_981 : vector<64x4x128xf32>
        %add3A_983 = arith.addf %add3A_976, %mul3A_982 : vector<64x4x128xf32>
        %swap3A_984 = arith.constant 0 : i32
        %swap3A_985 = arith.constant 0 : i32
        %swap3A_986 = arith.constant 0 : i32
        %swap3A_987 = arith.constant 0 : i32
        %swap3A_988 = tpu.memref_slice %run_scoped3A_5[%rem3A_227, %swap3A_984, %swap3A_985, %swap3A_986, %swap3A_987] : memref<2x8x64x16x128xf32, #tpu.memory_space<vmem>> -> memref<1x8x64x16x128xf32, #tpu.memory_space<vmem>>
        %swap3A_989 = tpu.memref_squeeze %swap3A_988 : memref<1x8x64x16x128xf32, #tpu.memory_space<vmem>> -> memref<8x64x16x128xf32, #tpu.memory_space<vmem>>
        %swap3A_990 = arith.constant 4 : index
        %swap3A_991 = arith.constant 0 : index
        %swap3A_992 = arith.constant 4 : index
        %swap3A_993 = arith.constant 0 : index
        %swap3A_994 = vector.load %swap3A_989[%swap3A_990, %swap3A_991, %swap3A_992, %swap3A_993] : memref<8x64x16x128xf32, #tpu.memory_space<vmem>>, vector<1x64x4x128xf32>
        %swap3A_995 = vector.shape_cast %swap3A_994 : vector<1x64x4x128xf32> to vector<64x4x128xf32>
        %swap3A_996 = vector.shape_cast %add3A_983 : vector<64x4x128xf32> to vector<1x64x4x128xf32>
        tpu.vector_store %swap3A_989[%swap3A_990, %swap3A_991, %swap3A_992, %swap3A_993], %swap3A_996 {strides = array<i32>} : memref<8x64x16x128xf32, #tpu.memory_space<vmem>>, vector<1x64x4x128xf32>,
        %slice3A_997 = vector.extract_strided_slice %mul3A_276 {offsets = [4, 8, 0], sizes = [1, 4, 128], strides = [1, 1, 1]} : vector<8x16x128xf32> to vector<1x4x128xf32>
        %squeeze3A_998 = vector.shape_cast %slice3A_997 : vector<1x4x128xf32> to vector<4x128xf32>
        %broadcast_in_dim3A_999 = vector.shape_cast %squeeze3A_998 : vector<4x128xf32> to vector<1x4x128xf32>
        %mul3A_1000 = vector.broadcast %reshape3A : vector<64x1x1xf32> to vector<64x4x128xf32>
        %mul3A_1001 = vector.broadcast %broadcast_in_dim3A_999 : vector<1x4x128xf32> to vector<64x4x128xf32>
        %mul3A_1002 = arith.mulf %mul3A_1000, %mul3A_1001 : vector<64x4x128xf32>
        %slice3A_1003 = vector.extract_strided_slice %mul3A_277 {offsets = [4, 8, 0], sizes = [1, 4, 128], strides = [1, 1, 1]} : vector<8x16x128xf32> to vector<1x4x128xf32>
        %squeeze3A_1004 = vector.shape_cast %slice3A_1003 : vector<1x4x128xf32> to vector<4x128xf32>
        %broadcast_in_dim3A_1005 = vector.shape_cast %squeeze3A_1004 : vector<4x128xf32> to vector<1x4x128xf32>
        %mul3A_1006 = vector.broadcast %reshape3A_238 : vector<64x1x1xf32> to vector<64x4x128xf32>
        %mul3A_1007 = vector.broadcast %broadcast_in_dim3A_1005 : vector<1x4x128xf32> to vector<64x4x128xf32>
        %mul3A_1008 = arith.mulf %mul3A_1006, %mul3A_1007 : vector<64x4x128xf32>
        %add3A_1009 = arith.addf %mul3A_1002, %mul3A_1008 : vector<64x4x128xf32>
        %slice3A_1010 = vector.extract_strided_slice %mul3A_278 {offsets = [4, 8, 0], sizes = [1, 4, 128], strides = [1, 1, 1]} : vector<8x16x128xf32> to vector<1x4x128xf32>
        %squeeze3A_1011 = vector.shape_cast %slice3A_1010 : vector<1x4x128xf32> to vector<4x128xf32>
        %broadcast_in_dim3A_1012 = vector.shape_cast %squeeze3A_1011 : vector<4x128xf32> to vector<1x4x128xf32>
        %mul3A_1013 = vector.broadcast %reshape3A_240 : vector<64x1x1xf32> to vector<64x4x128xf32>
        %mul3A_1014 = vector.broadcast %broadcast_in_dim3A_1012 : vector<1x4x128xf32> to vector<64x4x128xf32>
        %mul3A_1015 = arith.mulf %mul3A_1013, %mul3A_1014 : vector<64x4x128xf32>
        %add3A_1016 = arith.addf %add3A_1009, %mul3A_1015 : vector<64x4x128xf32>
        %slice3A_1017 = vector.extract_strided_slice %mul3A_279 {offsets = [4, 8, 0], sizes = [1, 4, 128], strides = [1, 1, 1]} : vector<8x16x128xf32> to vector<1x4x128xf32>
        %squeeze3A_1018 = vector.shape_cast %slice3A_1017 : vector<1x4x128xf32> to vector<4x128xf32>
        %broadcast_in_dim3A_1019 = vector.shape_cast %squeeze3A_1018 : vector<4x128xf32> to vector<1x4x128xf32>
        %mul3A_1020 = vector.broadcast %reshape3A_242 : vector<64x1x1xf32> to vector<64x4x128xf32>
        %mul3A_1021 = vector.broadcast %broadcast_in_dim3A_1019 : vector<1x4x128xf32> to vector<64x4x128xf32>
        %mul3A_1022 = arith.mulf %mul3A_1020, %mul3A_1021 : vector<64x4x128xf32>
        %add3A_1023 = arith.addf %add3A_1016, %mul3A_1022 : vector<64x4x128xf32>
        %swap3A_1024 = arith.constant 0 : i32
        %swap3A_1025 = arith.constant 0 : i32
        %swap3A_1026 = arith.constant 0 : i32
        %swap3A_1027 = arith.constant 0 : i32
        %swap3A_1028 = tpu.memref_slice %run_scoped3A_5[%rem3A_227, %swap3A_1024, %swap3A_1025, %swap3A_1026, %swap3A_1027] : memref<2x8x64x16x128xf32, #tpu.memory_space<vmem>> -> memref<1x8x64x16x128xf32, #tpu.memory_space<vmem>>
        %swap3A_1029 = tpu.memref_squeeze %swap3A_1028 : memref<1x8x64x16x128xf32, #tpu.memory_space<vmem>> -> memref<8x64x16x128xf32, #tpu.memory_space<vmem>>
        %swap3A_1030 = arith.constant 4 : index
        %swap3A_1031 = arith.constant 0 : index
        %swap3A_1032 = arith.constant 8 : index
        %swap3A_1033 = arith.constant 0 : index
        %swap3A_1034 = vector.load %swap3A_1029[%swap3A_1030, %swap3A_1031, %swap3A_1032, %swap3A_1033] : memref<8x64x16x128xf32, #tpu.memory_space<vmem>>, vector<1x64x4x128xf32>
        %swap3A_1035 = vector.shape_cast %swap3A_1034 : vector<1x64x4x128xf32> to vector<64x4x128xf32>
        %swap3A_1036 = vector.shape_cast %add3A_1023 : vector<64x4x128xf32> to vector<1x64x4x128xf32>
        tpu.vector_store %swap3A_1029[%swap3A_1030, %swap3A_1031, %swap3A_1032, %swap3A_1033], %swap3A_1036 {strides = array<i32>} : memref<8x64x16x128xf32, #tpu.memory_space<vmem>>, vector<1x64x4x128xf32>,
        %slice3A_1037 = vector.extract_strided_slice %mul3A_276 {offsets = [4, 12, 0], sizes = [1, 4, 128], strides = [1, 1, 1]} : vector<8x16x128xf32> to vector<1x4x128xf32>
        %squeeze3A_1038 = vector.shape_cast %slice3A_1037 : vector<1x4x128xf32> to vector<4x128xf32>
        %broadcast_in_dim3A_1039 = vector.shape_cast %squeeze3A_1038 : vector<4x128xf32> to vector<1x4x128xf32>
        %mul3A_1040 = vector.broadcast %reshape3A : vector<64x1x1xf32> to vector<64x4x128xf32>
        %mul3A_1041 = vector.broadcast %broadcast_in_dim3A_1039 : vector<1x4x128xf32> to vector<64x4x128xf32>
        %mul3A_1042 = arith.mulf %mul3A_1040, %mul3A_1041 : vector<64x4x128xf32>
        %slice3A_1043 = vector.extract_strided_slice %mul3A_277 {offsets = [4, 12, 0], sizes = [1, 4, 128], strides = [1, 1, 1]} : vector<8x16x128xf32> to vector<1x4x128xf32>
        %squeeze3A_1044 = vector.shape_cast %slice3A_1043 : vector<1x4x128xf32> to vector<4x128xf32>
        %broadcast_in_dim3A_1045 = vector.shape_cast %squeeze3A_1044 : vector<4x128xf32> to vector<1x4x128xf32>
        %mul3A_1046 = vector.broadcast %reshape3A_238 : vector<64x1x1xf32> to vector<64x4x128xf32>
        %mul3A_1047 = vector.broadcast %broadcast_in_dim3A_1045 : vector<1x4x128xf32> to vector<64x4x128xf32>
        %mul3A_1048 = arith.mulf %mul3A_1046, %mul3A_1047 : vector<64x4x128xf32>
        %add3A_1049 = arith.addf %mul3A_1042, %mul3A_1048 : vector<64x4x128xf32>
        %slice3A_1050 = vector.extract_strided_slice %mul3A_278 {offsets = [4, 12, 0], sizes = [1, 4, 128], strides = [1, 1, 1]} : vector<8x16x128xf32> to vector<1x4x128xf32>
        %squeeze3A_1051 = vector.shape_cast %slice3A_1050 : vector<1x4x128xf32> to vector<4x128xf32>
        %broadcast_in_dim3A_1052 = vector.shape_cast %squeeze3A_1051 : vector<4x128xf32> to vector<1x4x128xf32>
        %mul3A_1053 = vector.broadcast %reshape3A_240 : vector<64x1x1xf32> to vector<64x4x128xf32>
        %mul3A_1054 = vector.broadcast %broadcast_in_dim3A_1052 : vector<1x4x128xf32> to vector<64x4x128xf32>
        %mul3A_1055 = arith.mulf %mul3A_1053, %mul3A_1054 : vector<64x4x128xf32>
        %add3A_1056 = arith.addf %add3A_1049, %mul3A_1055 : vector<64x4x128xf32>
        %slice3A_1057 = vector.extract_strided_slice %mul3A_279 {offsets = [4, 12, 0], sizes = [1, 4, 128], strides = [1, 1, 1]} : vector<8x16x128xf32> to vector<1x4x128xf32>
        %squeeze3A_1058 = vector.shape_cast %slice3A_1057 : vector<1x4x128xf32> to vector<4x128xf32>
        %broadcast_in_dim3A_1059 = vector.shape_cast %squeeze3A_1058 : vector<4x128xf32> to vector<1x4x128xf32>
        %mul3A_1060 = vector.broadcast %reshape3A_242 : vector<64x1x1xf32> to vector<64x4x128xf32>
        %mul3A_1061 = vector.broadcast %broadcast_in_dim3A_1059 : vector<1x4x128xf32> to vector<64x4x128xf32>
        %mul3A_1062 = arith.mulf %mul3A_1060, %mul3A_1061 : vector<64x4x128xf32>
        %add3A_1063 = arith.addf %add3A_1056, %mul3A_1062 : vector<64x4x128xf32>
        %swap3A_1064 = arith.constant 0 : i32
        %swap3A_1065 = arith.constant 0 : i32
        %swap3A_1066 = arith.constant 0 : i32
        %swap3A_1067 = arith.constant 0 : i32
        %swap3A_1068 = tpu.memref_slice %run_scoped3A_5[%rem3A_227, %swap3A_1064, %swap3A_1065, %swap3A_1066, %swap3A_1067] : memref<2x8x64x16x128xf32, #tpu.memory_space<vmem>> -> memref<1x8x64x16x128xf32, #tpu.memory_space<vmem>>
        %swap3A_1069 = tpu.memref_squeeze %swap3A_1068 : memref<1x8x64x16x128xf32, #tpu.memory_space<vmem>> -> memref<8x64x16x128xf32, #tpu.memory_space<vmem>>
        %swap3A_1070 = arith.constant 4 : index
        %swap3A_1071 = arith.constant 0 : index
        %swap3A_1072 = arith.constant 12 : index
        %swap3A_1073 = arith.constant 0 : index
        %swap3A_1074 = vector.load %swap3A_1069[%swap3A_1070, %swap3A_1071, %swap3A_1072, %swap3A_1073] : memref<8x64x16x128xf32, #tpu.memory_space<vmem>>, vector<1x64x4x128xf32>
        %swap3A_1075 = vector.shape_cast %swap3A_1074 : vector<1x64x4x128xf32> to vector<64x4x128xf32>
        %swap3A_1076 = vector.shape_cast %add3A_1063 : vector<64x4x128xf32> to vector<1x64x4x128xf32>
        tpu.vector_store %swap3A_1069[%swap3A_1070, %swap3A_1071, %swap3A_1072, %swap3A_1073], %swap3A_1076 {strides = array<i32>} : memref<8x64x16x128xf32, #tpu.memory_space<vmem>>, vector<1x64x4x128xf32>,
        %slice3A_1077 = vector.extract_strided_slice %mul3A_276 {offsets = [5, 0, 0], sizes = [1, 4, 128], strides = [1, 1, 1]} : vector<8x16x128xf32> to vector<1x4x128xf32>
        %squeeze3A_1078 = vector.shape_cast %slice3A_1077 : vector<1x4x128xf32> to vector<4x128xf32>
        %broadcast_in_dim3A_1079 = vector.shape_cast %squeeze3A_1078 : vector<4x128xf32> to vector<1x4x128xf32>
        %mul3A_1080 = vector.broadcast %reshape3A : vector<64x1x1xf32> to vector<64x4x128xf32>
        %mul3A_1081 = vector.broadcast %broadcast_in_dim3A_1079 : vector<1x4x128xf32> to vector<64x4x128xf32>
        %mul3A_1082 = arith.mulf %mul3A_1080, %mul3A_1081 : vector<64x4x128xf32>
        %slice3A_1083 = vector.extract_strided_slice %mul3A_277 {offsets = [5, 0, 0], sizes = [1, 4, 128], strides = [1, 1, 1]} : vector<8x16x128xf32> to vector<1x4x128xf32>
        %squeeze3A_1084 = vector.shape_cast %slice3A_1083 : vector<1x4x128xf32> to vector<4x128xf32>
        %broadcast_in_dim3A_1085 = vector.shape_cast %squeeze3A_1084 : vector<4x128xf32> to vector<1x4x128xf32>
        %mul3A_1086 = vector.broadcast %reshape3A_238 : vector<64x1x1xf32> to vector<64x4x128xf32>
        %mul3A_1087 = vector.broadcast %broadcast_in_dim3A_1085 : vector<1x4x128xf32> to vector<64x4x128xf32>
        %mul3A_1088 = arith.mulf %mul3A_1086, %mul3A_1087 : vector<64x4x128xf32>
        %add3A_1089 = arith.addf %mul3A_1082, %mul3A_1088 : vector<64x4x128xf32>
        %slice3A_1090 = vector.extract_strided_slice %mul3A_278 {offsets = [5, 0, 0], sizes = [1, 4, 128], strides = [1, 1, 1]} : vector<8x16x128xf32> to vector<1x4x128xf32>
        %squeeze3A_1091 = vector.shape_cast %slice3A_1090 : vector<1x4x128xf32> to vector<4x128xf32>
        %broadcast_in_dim3A_1092 = vector.shape_cast %squeeze3A_1091 : vector<4x128xf32> to vector<1x4x128xf32>
        %mul3A_1093 = vector.broadcast %reshape3A_240 : vector<64x1x1xf32> to vector<64x4x128xf32>
        %mul3A_1094 = vector.broadcast %broadcast_in_dim3A_1092 : vector<1x4x128xf32> to vector<64x4x128xf32>
        %mul3A_1095 = arith.mulf %mul3A_1093, %mul3A_1094 : vector<64x4x128xf32>
        %add3A_1096 = arith.addf %add3A_1089, %mul3A_1095 : vector<64x4x128xf32>
        %slice3A_1097 = vector.extract_strided_slice %mul3A_279 {offsets = [5, 0, 0], sizes = [1, 4, 128], strides = [1, 1, 1]} : vector<8x16x128xf32> to vector<1x4x128xf32>
        %squeeze3A_1098 = vector.shape_cast %slice3A_1097 : vector<1x4x128xf32> to vector<4x128xf32>
        %broadcast_in_dim3A_1099 = vector.shape_cast %squeeze3A_1098 : vector<4x128xf32> to vector<1x4x128xf32>
        %mul3A_1100 = vector.broadcast %reshape3A_242 : vector<64x1x1xf32> to vector<64x4x128xf32>
        %mul3A_1101 = vector.broadcast %broadcast_in_dim3A_1099 : vector<1x4x128xf32> to vector<64x4x128xf32>
        %mul3A_1102 = arith.mulf %mul3A_1100, %mul3A_1101 : vector<64x4x128xf32>
        %add3A_1103 = arith.addf %add3A_1096, %mul3A_1102 : vector<64x4x128xf32>
        %swap3A_1104 = arith.constant 0 : i32
        %swap3A_1105 = arith.constant 0 : i32
        %swap3A_1106 = arith.constant 0 : i32
        %swap3A_1107 = arith.constant 0 : i32
        %swap3A_1108 = tpu.memref_slice %run_scoped3A_5[%rem3A_227, %swap3A_1104, %swap3A_1105, %swap3A_1106, %swap3A_1107] : memref<2x8x64x16x128xf32, #tpu.memory_space<vmem>> -> memref<1x8x64x16x128xf32, #tpu.memory_space<vmem>>
        %swap3A_1109 = tpu.memref_squeeze %swap3A_1108 : memref<1x8x64x16x128xf32, #tpu.memory_space<vmem>> -> memref<8x64x16x128xf32, #tpu.memory_space<vmem>>
        %swap3A_1110 = arith.constant 5 : index
        %swap3A_1111 = arith.constant 0 : index
        %swap3A_1112 = arith.constant 0 : index
        %swap3A_1113 = arith.constant 0 : index
        %swap3A_1114 = vector.load %swap3A_1109[%swap3A_1110, %swap3A_1111, %swap3A_1112, %swap3A_1113] : memref<8x64x16x128xf32, #tpu.memory_space<vmem>>, vector<1x64x4x128xf32>
        %swap3A_1115 = vector.shape_cast %swap3A_1114 : vector<1x64x4x128xf32> to vector<64x4x128xf32>
        %swap3A_1116 = vector.shape_cast %add3A_1103 : vector<64x4x128xf32> to vector<1x64x4x128xf32>
        tpu.vector_store %swap3A_1109[%swap3A_1110, %swap3A_1111, %swap3A_1112, %swap3A_1113], %swap3A_1116 {strides = array<i32>} : memref<8x64x16x128xf32, #tpu.memory_space<vmem>>, vector<1x64x4x128xf32>,
        %slice3A_1117 = vector.extract_strided_slice %mul3A_276 {offsets = [5, 4, 0], sizes = [1, 4, 128], strides = [1, 1, 1]} : vector<8x16x128xf32> to vector<1x4x128xf32>
        %squeeze3A_1118 = vector.shape_cast %slice3A_1117 : vector<1x4x128xf32> to vector<4x128xf32>
        %broadcast_in_dim3A_1119 = vector.shape_cast %squeeze3A_1118 : vector<4x128xf32> to vector<1x4x128xf32>
        %mul3A_1120 = vector.broadcast %reshape3A : vector<64x1x1xf32> to vector<64x4x128xf32>
        %mul3A_1121 = vector.broadcast %broadcast_in_dim3A_1119 : vector<1x4x128xf32> to vector<64x4x128xf32>
        %mul3A_1122 = arith.mulf %mul3A_1120, %mul3A_1121 : vector<64x4x128xf32>
        %slice3A_1123 = vector.extract_strided_slice %mul3A_277 {offsets = [5, 4, 0], sizes = [1, 4, 128], strides = [1, 1, 1]} : vector<8x16x128xf32> to vector<1x4x128xf32>
        %squeeze3A_1124 = vector.shape_cast %slice3A_1123 : vector<1x4x128xf32> to vector<4x128xf32>
        %broadcast_in_dim3A_1125 = vector.shape_cast %squeeze3A_1124 : vector<4x128xf32> to vector<1x4x128xf32>
        %mul3A_1126 = vector.broadcast %reshape3A_238 : vector<64x1x1xf32> to vector<64x4x128xf32>
        %mul3A_1127 = vector.broadcast %broadcast_in_dim3A_1125 : vector<1x4x128xf32> to vector<64x4x128xf32>
        %mul3A_1128 = arith.mulf %mul3A_1126, %mul3A_1127 : vector<64x4x128xf32>
        %add3A_1129 = arith.addf %mul3A_1122, %mul3A_1128 : vector<64x4x128xf32>
        %slice3A_1130 = vector.extract_strided_slice %mul3A_278 {offsets = [5, 4, 0], sizes = [1, 4, 128], strides = [1, 1, 1]} : vector<8x16x128xf32> to vector<1x4x128xf32>
        %squeeze3A_1131 = vector.shape_cast %slice3A_1130 : vector<1x4x128xf32> to vector<4x128xf32>
        %broadcast_in_dim3A_1132 = vector.shape_cast %squeeze3A_1131 : vector<4x128xf32> to vector<1x4x128xf32>
        %mul3A_1133 = vector.broadcast %reshape3A_240 : vector<64x1x1xf32> to vector<64x4x128xf32>
        %mul3A_1134 = vector.broadcast %broadcast_in_dim3A_1132 : vector<1x4x128xf32> to vector<64x4x128xf32>
        %mul3A_1135 = arith.mulf %mul3A_1133, %mul3A_1134 : vector<64x4x128xf32>
        %add3A_1136 = arith.addf %add3A_1129, %mul3A_1135 : vector<64x4x128xf32>
        %slice3A_1137 = vector.extract_strided_slice %mul3A_279 {offsets = [5, 4, 0], sizes = [1, 4, 128], strides = [1, 1, 1]} : vector<8x16x128xf32> to vector<1x4x128xf32>
        %squeeze3A_1138 = vector.shape_cast %slice3A_1137 : vector<1x4x128xf32> to vector<4x128xf32>
        %broadcast_in_dim3A_1139 = vector.shape_cast %squeeze3A_1138 : vector<4x128xf32> to vector<1x4x128xf32>
        %mul3A_1140 = vector.broadcast %reshape3A_242 : vector<64x1x1xf32> to vector<64x4x128xf32>
        %mul3A_1141 = vector.broadcast %broadcast_in_dim3A_1139 : vector<1x4x128xf32> to vector<64x4x128xf32>
        %mul3A_1142 = arith.mulf %mul3A_1140, %mul3A_1141 : vector<64x4x128xf32>
        %add3A_1143 = arith.addf %add3A_1136, %mul3A_1142 : vector<64x4x128xf32>
        %swap3A_1144 = arith.constant 0 : i32
        %swap3A_1145 = arith.constant 0 : i32
        %swap3A_1146 = arith.constant 0 : i32
        %swap3A_1147 = arith.constant 0 : i32
        %swap3A_1148 = tpu.memref_slice %run_scoped3A_5[%rem3A_227, %swap3A_1144, %swap3A_1145, %swap3A_1146, %swap3A_1147] : memref<2x8x64x16x128xf32, #tpu.memory_space<vmem>> -> memref<1x8x64x16x128xf32, #tpu.memory_space<vmem>>
        %swap3A_1149 = tpu.memref_squeeze %swap3A_1148 : memref<1x8x64x16x128xf32, #tpu.memory_space<vmem>> -> memref<8x64x16x128xf32, #tpu.memory_space<vmem>>
        %swap3A_1150 = arith.constant 5 : index
        %swap3A_1151 = arith.constant 0 : index
        %swap3A_1152 = arith.constant 4 : index
        %swap3A_1153 = arith.constant 0 : index
        %swap3A_1154 = vector.load %swap3A_1149[%swap3A_1150, %swap3A_1151, %swap3A_1152, %swap3A_1153] : memref<8x64x16x128xf32, #tpu.memory_space<vmem>>, vector<1x64x4x128xf32>
        %swap3A_1155 = vector.shape_cast %swap3A_1154 : vector<1x64x4x128xf32> to vector<64x4x128xf32>
        %swap3A_1156 = vector.shape_cast %add3A_1143 : vector<64x4x128xf32> to vector<1x64x4x128xf32>
        tpu.vector_store %swap3A_1149[%swap3A_1150, %swap3A_1151, %swap3A_1152, %swap3A_1153], %swap3A_1156 {strides = array<i32>} : memref<8x64x16x128xf32, #tpu.memory_space<vmem>>, vector<1x64x4x128xf32>,
        %slice3A_1157 = vector.extract_strided_slice %mul3A_276 {offsets = [5, 8, 0], sizes = [1, 4, 128], strides = [1, 1, 1]} : vector<8x16x128xf32> to vector<1x4x128xf32>
        %squeeze3A_1158 = vector.shape_cast %slice3A_1157 : vector<1x4x128xf32> to vector<4x128xf32>
        %broadcast_in_dim3A_1159 = vector.shape_cast %squeeze3A_1158 : vector<4x128xf32> to vector<1x4x128xf32>
        %mul3A_1160 = vector.broadcast %reshape3A : vector<64x1x1xf32> to vector<64x4x128xf32>
        %mul3A_1161 = vector.broadcast %broadcast_in_dim3A_1159 : vector<1x4x128xf32> to vector<64x4x128xf32>
        %mul3A_1162 = arith.mulf %mul3A_1160, %mul3A_1161 : vector<64x4x128xf32>
        %slice3A_1163 = vector.extract_strided_slice %mul3A_277 {offsets = [5, 8, 0], sizes = [1, 4, 128], strides = [1, 1, 1]} : vector<8x16x128xf32> to vector<1x4x128xf32>
        %squeeze3A_1164 = vector.shape_cast %slice3A_1163 : vector<1x4x128xf32> to vector<4x128xf32>
        %broadcast_in_dim3A_1165 = vector.shape_cast %squeeze3A_1164 : vector<4x128xf32> to vector<1x4x128xf32>
        %mul3A_1166 = vector.broadcast %reshape3A_238 : vector<64x1x1xf32> to vector<64x4x128xf32>
        %mul3A_1167 = vector.broadcast %broadcast_in_dim3A_1165 : vector<1x4x128xf32> to vector<64x4x128xf32>
        %mul3A_1168 = arith.mulf %mul3A_1166, %mul3A_1167 : vector<64x4x128xf32>
        %add3A_1169 = arith.addf %mul3A_1162, %mul3A_1168 : vector<64x4x128xf32>
        %slice3A_1170 = vector.extract_strided_slice %mul3A_278 {offsets = [5, 8, 0], sizes = [1, 4, 128], strides = [1, 1, 1]} : vector<8x16x128xf32> to vector<1x4x128xf32>
        %squeeze3A_1171 = vector.shape_cast %slice3A_1170 : vector<1x4x128xf32> to vector<4x128xf32>
        %broadcast_in_dim3A_1172 = vector.shape_cast %squeeze3A_1171 : vector<4x128xf32> to vector<1x4x128xf32>
        %mul3A_1173 = vector.broadcast %reshape3A_240 : vector<64x1x1xf32> to vector<64x4x128xf32>
        %mul3A_1174 = vector.broadcast %broadcast_in_dim3A_1172 : vector<1x4x128xf32> to vector<64x4x128xf32>
        %mul3A_1175 = arith.mulf %mul3A_1173, %mul3A_1174 : vector<64x4x128xf32>
        %add3A_1176 = arith.addf %add3A_1169, %mul3A_1175 : vector<64x4x128xf32>
        %slice3A_1177 = vector.extract_strided_slice %mul3A_279 {offsets = [5, 8, 0], sizes = [1, 4, 128], strides = [1, 1, 1]} : vector<8x16x128xf32> to vector<1x4x128xf32>
        %squeeze3A_1178 = vector.shape_cast %slice3A_1177 : vector<1x4x128xf32> to vector<4x128xf32>
        %broadcast_in_dim3A_1179 = vector.shape_cast %squeeze3A_1178 : vector<4x128xf32> to vector<1x4x128xf32>
        %mul3A_1180 = vector.broadcast %reshape3A_242 : vector<64x1x1xf32> to vector<64x4x128xf32>
        %mul3A_1181 = vector.broadcast %broadcast_in_dim3A_1179 : vector<1x4x128xf32> to vector<64x4x128xf32>
        %mul3A_1182 = arith.mulf %mul3A_1180, %mul3A_1181 : vector<64x4x128xf32>
        %add3A_1183 = arith.addf %add3A_1176, %mul3A_1182 : vector<64x4x128xf32>
        %swap3A_1184 = arith.constant 0 : i32
        %swap3A_1185 = arith.constant 0 : i32
        %swap3A_1186 = arith.constant 0 : i32
        %swap3A_1187 = arith.constant 0 : i32
        %swap3A_1188 = tpu.memref_slice %run_scoped3A_5[%rem3A_227, %swap3A_1184, %swap3A_1185, %swap3A_1186, %swap3A_1187] : memref<2x8x64x16x128xf32, #tpu.memory_space<vmem>> -> memref<1x8x64x16x128xf32, #tpu.memory_space<vmem>>
        %swap3A_1189 = tpu.memref_squeeze %swap3A_1188 : memref<1x8x64x16x128xf32, #tpu.memory_space<vmem>> -> memref<8x64x16x128xf32, #tpu.memory_space<vmem>>
        %swap3A_1190 = arith.constant 5 : index
        %swap3A_1191 = arith.constant 0 : index
        %swap3A_1192 = arith.constant 8 : index
        %swap3A_1193 = arith.constant 0 : index
        %swap3A_1194 = vector.load %swap3A_1189[%swap3A_1190, %swap3A_1191, %swap3A_1192, %swap3A_1193] : memref<8x64x16x128xf32, #tpu.memory_space<vmem>>, vector<1x64x4x128xf32>
        %swap3A_1195 = vector.shape_cast %swap3A_1194 : vector<1x64x4x128xf32> to vector<64x4x128xf32>
        %swap3A_1196 = vector.shape_cast %add3A_1183 : vector<64x4x128xf32> to vector<1x64x4x128xf32>
        tpu.vector_store %swap3A_1189[%swap3A_1190, %swap3A_1191, %swap3A_1192, %swap3A_1193], %swap3A_1196 {strides = array<i32>} : memref<8x64x16x128xf32, #tpu.memory_space<vmem>>, vector<1x64x4x128xf32>,
        %slice3A_1197 = vector.extract_strided_slice %mul3A_276 {offsets = [5, 12, 0], sizes = [1, 4, 128], strides = [1, 1, 1]} : vector<8x16x128xf32> to vector<1x4x128xf32>
        %squeeze3A_1198 = vector.shape_cast %slice3A_1197 : vector<1x4x128xf32> to vector<4x128xf32>
        %broadcast_in_dim3A_1199 = vector.shape_cast %squeeze3A_1198 : vector<4x128xf32> to vector<1x4x128xf32>
        %mul3A_1200 = vector.broadcast %reshape3A : vector<64x1x1xf32> to vector<64x4x128xf32>
        %mul3A_1201 = vector.broadcast %broadcast_in_dim3A_1199 : vector<1x4x128xf32> to vector<64x4x128xf32>
        %mul3A_1202 = arith.mulf %mul3A_1200, %mul3A_1201 : vector<64x4x128xf32>
        %slice3A_1203 = vector.extract_strided_slice %mul3A_277 {offsets = [5, 12, 0], sizes = [1, 4, 128], strides = [1, 1, 1]} : vector<8x16x128xf32> to vector<1x4x128xf32>
        %squeeze3A_1204 = vector.shape_cast %slice3A_1203 : vector<1x4x128xf32> to vector<4x128xf32>
        %broadcast_in_dim3A_1205 = vector.shape_cast %squeeze3A_1204 : vector<4x128xf32> to vector<1x4x128xf32>
        %mul3A_1206 = vector.broadcast %reshape3A_238 : vector<64x1x1xf32> to vector<64x4x128xf32>
        %mul3A_1207 = vector.broadcast %broadcast_in_dim3A_1205 : vector<1x4x128xf32> to vector<64x4x128xf32>
        %mul3A_1208 = arith.mulf %mul3A_1206, %mul3A_1207 : vector<64x4x128xf32>
        %add3A_1209 = arith.addf %mul3A_1202, %mul3A_1208 : vector<64x4x128xf32>
        %slice3A_1210 = vector.extract_strided_slice %mul3A_278 {offsets = [5, 12, 0], sizes = [1, 4, 128], strides = [1, 1, 1]} : vector<8x16x128xf32> to vector<1x4x128xf32>
        %squeeze3A_1211 = vector.shape_cast %slice3A_1210 : vector<1x4x128xf32> to vector<4x128xf32>
        %broadcast_in_dim3A_1212 = vector.shape_cast %squeeze3A_1211 : vector<4x128xf32> to vector<1x4x128xf32>
        %mul3A_1213 = vector.broadcast %reshape3A_240 : vector<64x1x1xf32> to vector<64x4x128xf32>
        %mul3A_1214 = vector.broadcast %broadcast_in_dim3A_1212 : vector<1x4x128xf32> to vector<64x4x128xf32>
        %mul3A_1215 = arith.mulf %mul3A_1213, %mul3A_1214 : vector<64x4x128xf32>
        %add3A_1216 = arith.addf %add3A_1209, %mul3A_1215 : vector<64x4x128xf32>
        %slice3A_1217 = vector.extract_strided_slice %mul3A_279 {offsets = [5, 12, 0], sizes = [1, 4, 128], strides = [1, 1, 1]} : vector<8x16x128xf32> to vector<1x4x128xf32>
        %squeeze3A_1218 = vector.shape_cast %slice3A_1217 : vector<1x4x128xf32> to vector<4x128xf32>
        %broadcast_in_dim3A_1219 = vector.shape_cast %squeeze3A_1218 : vector<4x128xf32> to vector<1x4x128xf32>
        %mul3A_1220 = vector.broadcast %reshape3A_242 : vector<64x1x1xf32> to vector<64x4x128xf32>
        %mul3A_1221 = vector.broadcast %broadcast_in_dim3A_1219 : vector<1x4x128xf32> to vector<64x4x128xf32>
        %mul3A_1222 = arith.mulf %mul3A_1220, %mul3A_1221 : vector<64x4x128xf32>
        %add3A_1223 = arith.addf %add3A_1216, %mul3A_1222 : vector<64x4x128xf32>
        %swap3A_1224 = arith.constant 0 : i32
        %swap3A_1225 = arith.constant 0 : i32
        %swap3A_1226 = arith.constant 0 : i32
        %swap3A_1227 = arith.constant 0 : i32
        %swap3A_1228 = tpu.memref_slice %run_scoped3A_5[%rem3A_227, %swap3A_1224, %swap3A_1225, %swap3A_1226, %swap3A_1227] : memref<2x8x64x16x128xf32, #tpu.memory_space<vmem>> -> memref<1x8x64x16x128xf32, #tpu.memory_space<vmem>>
        %swap3A_1229 = tpu.memref_squeeze %swap3A_1228 : memref<1x8x64x16x128xf32, #tpu.memory_space<vmem>> -> memref<8x64x16x128xf32, #tpu.memory_space<vmem>>
        %swap3A_1230 = arith.constant 5 : index
        %swap3A_1231 = arith.constant 0 : index
        %swap3A_1232 = arith.constant 12 : index
        %swap3A_1233 = arith.constant 0 : index
        %swap3A_1234 = vector.load %swap3A_1229[%swap3A_1230, %swap3A_1231, %swap3A_1232, %swap3A_1233] : memref<8x64x16x128xf32, #tpu.memory_space<vmem>>, vector<1x64x4x128xf32>
        %swap3A_1235 = vector.shape_cast %swap3A_1234 : vector<1x64x4x128xf32> to vector<64x4x128xf32>
        %swap3A_1236 = vector.shape_cast %add3A_1223 : vector<64x4x128xf32> to vector<1x64x4x128xf32>
        tpu.vector_store %swap3A_1229[%swap3A_1230, %swap3A_1231, %swap3A_1232, %swap3A_1233], %swap3A_1236 {strides = array<i32>} : memref<8x64x16x128xf32, #tpu.memory_space<vmem>>, vector<1x64x4x128xf32>,
        %slice3A_1237 = vector.extract_strided_slice %mul3A_276 {offsets = [6, 0, 0], sizes = [1, 4, 128], strides = [1, 1, 1]} : vector<8x16x128xf32> to vector<1x4x128xf32>
        %squeeze3A_1238 = vector.shape_cast %slice3A_1237 : vector<1x4x128xf32> to vector<4x128xf32>
        %broadcast_in_dim3A_1239 = vector.shape_cast %squeeze3A_1238 : vector<4x128xf32> to vector<1x4x128xf32>
        %mul3A_1240 = vector.broadcast %reshape3A : vector<64x1x1xf32> to vector<64x4x128xf32>
        %mul3A_1241 = vector.broadcast %broadcast_in_dim3A_1239 : vector<1x4x128xf32> to vector<64x4x128xf32>
        %mul3A_1242 = arith.mulf %mul3A_1240, %mul3A_1241 : vector<64x4x128xf32>
        %slice3A_1243 = vector.extract_strided_slice %mul3A_277 {offsets = [6, 0, 0], sizes = [1, 4, 128], strides = [1, 1, 1]} : vector<8x16x128xf32> to vector<1x4x128xf32>
        %squeeze3A_1244 = vector.shape_cast %slice3A_1243 : vector<1x4x128xf32> to vector<4x128xf32>
        %broadcast_in_dim3A_1245 = vector.shape_cast %squeeze3A_1244 : vector<4x128xf32> to vector<1x4x128xf32>
        %mul3A_1246 = vector.broadcast %reshape3A_238 : vector<64x1x1xf32> to vector<64x4x128xf32>
        %mul3A_1247 = vector.broadcast %broadcast_in_dim3A_1245 : vector<1x4x128xf32> to vector<64x4x128xf32>
        %mul3A_1248 = arith.mulf %mul3A_1246, %mul3A_1247 : vector<64x4x128xf32>
        %add3A_1249 = arith.addf %mul3A_1242, %mul3A_1248 : vector<64x4x128xf32>
        %slice3A_1250 = vector.extract_strided_slice %mul3A_278 {offsets = [6, 0, 0], sizes = [1, 4, 128], strides = [1, 1, 1]} : vector<8x16x128xf32> to vector<1x4x128xf32>
        %squeeze3A_1251 = vector.shape_cast %slice3A_1250 : vector<1x4x128xf32> to vector<4x128xf32>
        %broadcast_in_dim3A_1252 = vector.shape_cast %squeeze3A_1251 : vector<4x128xf32> to vector<1x4x128xf32>
        %mul3A_1253 = vector.broadcast %reshape3A_240 : vector<64x1x1xf32> to vector<64x4x128xf32>
        %mul3A_1254 = vector.broadcast %broadcast_in_dim3A_1252 : vector<1x4x128xf32> to vector<64x4x128xf32>
        %mul3A_1255 = arith.mulf %mul3A_1253, %mul3A_1254 : vector<64x4x128xf32>
        %add3A_1256 = arith.addf %add3A_1249, %mul3A_1255 : vector<64x4x128xf32>
        %slice3A_1257 = vector.extract_strided_slice %mul3A_279 {offsets = [6, 0, 0], sizes = [1, 4, 128], strides = [1, 1, 1]} : vector<8x16x128xf32> to vector<1x4x128xf32>
        %squeeze3A_1258 = vector.shape_cast %slice3A_1257 : vector<1x4x128xf32> to vector<4x128xf32>
        %broadcast_in_dim3A_1259 = vector.shape_cast %squeeze3A_1258 : vector<4x128xf32> to vector<1x4x128xf32>
        %mul3A_1260 = vector.broadcast %reshape3A_242 : vector<64x1x1xf32> to vector<64x4x128xf32>
        %mul3A_1261 = vector.broadcast %broadcast_in_dim3A_1259 : vector<1x4x128xf32> to vector<64x4x128xf32>
        %mul3A_1262 = arith.mulf %mul3A_1260, %mul3A_1261 : vector<64x4x128xf32>
        %add3A_1263 = arith.addf %add3A_1256, %mul3A_1262 : vector<64x4x128xf32>
        %swap3A_1264 = arith.constant 0 : i32
        %swap3A_1265 = arith.constant 0 : i32
        %swap3A_1266 = arith.constant 0 : i32
        %swap3A_1267 = arith.constant 0 : i32
        %swap3A_1268 = tpu.memref_slice %run_scoped3A_5[%rem3A_227, %swap3A_1264, %swap3A_1265, %swap3A_1266, %swap3A_1267] : memref<2x8x64x16x128xf32, #tpu.memory_space<vmem>> -> memref<1x8x64x16x128xf32, #tpu.memory_space<vmem>>
        %swap3A_1269 = tpu.memref_squeeze %swap3A_1268 : memref<1x8x64x16x128xf32, #tpu.memory_space<vmem>> -> memref<8x64x16x128xf32, #tpu.memory_space<vmem>>
        %swap3A_1270 = arith.constant 6 : index
        %swap3A_1271 = arith.constant 0 : index
        %swap3A_1272 = arith.constant 0 : index
        %swap3A_1273 = arith.constant 0 : index
        %swap3A_1274 = vector.load %swap3A_1269[%swap3A_1270, %swap3A_1271, %swap3A_1272, %swap3A_1273] : memref<8x64x16x128xf32, #tpu.memory_space<vmem>>, vector<1x64x4x128xf32>
        %swap3A_1275 = vector.shape_cast %swap3A_1274 : vector<1x64x4x128xf32> to vector<64x4x128xf32>
        %swap3A_1276 = vector.shape_cast %add3A_1263 : vector<64x4x128xf32> to vector<1x64x4x128xf32>
        tpu.vector_store %swap3A_1269[%swap3A_1270, %swap3A_1271, %swap3A_1272, %swap3A_1273], %swap3A_1276 {strides = array<i32>} : memref<8x64x16x128xf32, #tpu.memory_space<vmem>>, vector<1x64x4x128xf32>,
        %slice3A_1277 = vector.extract_strided_slice %mul3A_276 {offsets = [6, 4, 0], sizes = [1, 4, 128], strides = [1, 1, 1]} : vector<8x16x128xf32> to vector<1x4x128xf32>
        %squeeze3A_1278 = vector.shape_cast %slice3A_1277 : vector<1x4x128xf32> to vector<4x128xf32>
        %broadcast_in_dim3A_1279 = vector.shape_cast %squeeze3A_1278 : vector<4x128xf32> to vector<1x4x128xf32>
        %mul3A_1280 = vector.broadcast %reshape3A : vector<64x1x1xf32> to vector<64x4x128xf32>
        %mul3A_1281 = vector.broadcast %broadcast_in_dim3A_1279 : vector<1x4x128xf32> to vector<64x4x128xf32>
        %mul3A_1282 = arith.mulf %mul3A_1280, %mul3A_1281 : vector<64x4x128xf32>
        %slice3A_1283 = vector.extract_strided_slice %mul3A_277 {offsets = [6, 4, 0], sizes = [1, 4, 128], strides = [1, 1, 1]} : vector<8x16x128xf32> to vector<1x4x128xf32>
        %squeeze3A_1284 = vector.shape_cast %slice3A_1283 : vector<1x4x128xf32> to vector<4x128xf32>
        %broadcast_in_dim3A_1285 = vector.shape_cast %squeeze3A_1284 : vector<4x128xf32> to vector<1x4x128xf32>
        %mul3A_1286 = vector.broadcast %reshape3A_238 : vector<64x1x1xf32> to vector<64x4x128xf32>
        %mul3A_1287 = vector.broadcast %broadcast_in_dim3A_1285 : vector<1x4x128xf32> to vector<64x4x128xf32>
        %mul3A_1288 = arith.mulf %mul3A_1286, %mul3A_1287 : vector<64x4x128xf32>
        %add3A_1289 = arith.addf %mul3A_1282, %mul3A_1288 : vector<64x4x128xf32>
        %slice3A_1290 = vector.extract_strided_slice %mul3A_278 {offsets = [6, 4, 0], sizes = [1, 4, 128], strides = [1, 1, 1]} : vector<8x16x128xf32> to vector<1x4x128xf32>
        %squeeze3A_1291 = vector.shape_cast %slice3A_1290 : vector<1x4x128xf32> to vector<4x128xf32>
        %broadcast_in_dim3A_1292 = vector.shape_cast %squeeze3A_1291 : vector<4x128xf32> to vector<1x4x128xf32>
        %mul3A_1293 = vector.broadcast %reshape3A_240 : vector<64x1x1xf32> to vector<64x4x128xf32>
        %mul3A_1294 = vector.broadcast %broadcast_in_dim3A_1292 : vector<1x4x128xf32> to vector<64x4x128xf32>
        %mul3A_1295 = arith.mulf %mul3A_1293, %mul3A_1294 : vector<64x4x128xf32>
        %add3A_1296 = arith.addf %add3A_1289, %mul3A_1295 : vector<64x4x128xf32>
        %slice3A_1297 = vector.extract_strided_slice %mul3A_279 {offsets = [6, 4, 0], sizes = [1, 4, 128], strides = [1, 1, 1]} : vector<8x16x128xf32> to vector<1x4x128xf32>
        %squeeze3A_1298 = vector.shape_cast %slice3A_1297 : vector<1x4x128xf32> to vector<4x128xf32>
        %broadcast_in_dim3A_1299 = vector.shape_cast %squeeze3A_1298 : vector<4x128xf32> to vector<1x4x128xf32>
        %mul3A_1300 = vector.broadcast %reshape3A_242 : vector<64x1x1xf32> to vector<64x4x128xf32>
        %mul3A_1301 = vector.broadcast %broadcast_in_dim3A_1299 : vector<1x4x128xf32> to vector<64x4x128xf32>
        %mul3A_1302 = arith.mulf %mul3A_1300, %mul3A_1301 : vector<64x4x128xf32>
        %add3A_1303 = arith.addf %add3A_1296, %mul3A_1302 : vector<64x4x128xf32>
        %swap3A_1304 = arith.constant 0 : i32
        %swap3A_1305 = arith.constant 0 : i32
        %swap3A_1306 = arith.constant 0 : i32
        %swap3A_1307 = arith.constant 0 : i32
        %swap3A_1308 = tpu.memref_slice %run_scoped3A_5[%rem3A_227, %swap3A_1304, %swap3A_1305, %swap3A_1306, %swap3A_1307] : memref<2x8x64x16x128xf32, #tpu.memory_space<vmem>> -> memref<1x8x64x16x128xf32, #tpu.memory_space<vmem>>
        %swap3A_1309 = tpu.memref_squeeze %swap3A_1308 : memref<1x8x64x16x128xf32, #tpu.memory_space<vmem>> -> memref<8x64x16x128xf32, #tpu.memory_space<vmem>>
        %swap3A_1310 = arith.constant 6 : index
        %swap3A_1311 = arith.constant 0 : index
        %swap3A_1312 = arith.constant 4 : index
        %swap3A_1313 = arith.constant 0 : index
        %swap3A_1314 = vector.load %swap3A_1309[%swap3A_1310, %swap3A_1311, %swap3A_1312, %swap3A_1313] : memref<8x64x16x128xf32, #tpu.memory_space<vmem>>, vector<1x64x4x128xf32>
        %swap3A_1315 = vector.shape_cast %swap3A_1314 : vector<1x64x4x128xf32> to vector<64x4x128xf32>
        %swap3A_1316 = vector.shape_cast %add3A_1303 : vector<64x4x128xf32> to vector<1x64x4x128xf32>
        tpu.vector_store %swap3A_1309[%swap3A_1310, %swap3A_1311, %swap3A_1312, %swap3A_1313], %swap3A_1316 {strides = array<i32>} : memref<8x64x16x128xf32, #tpu.memory_space<vmem>>, vector<1x64x4x128xf32>,
        %slice3A_1317 = vector.extract_strided_slice %mul3A_276 {offsets = [6, 8, 0], sizes = [1, 4, 128], strides = [1, 1, 1]} : vector<8x16x128xf32> to vector<1x4x128xf32>
        %squeeze3A_1318 = vector.shape_cast %slice3A_1317 : vector<1x4x128xf32> to vector<4x128xf32>
        %broadcast_in_dim3A_1319 = vector.shape_cast %squeeze3A_1318 : vector<4x128xf32> to vector<1x4x128xf32>
        %mul3A_1320 = vector.broadcast %reshape3A : vector<64x1x1xf32> to vector<64x4x128xf32>
        %mul3A_1321 = vector.broadcast %broadcast_in_dim3A_1319 : vector<1x4x128xf32> to vector<64x4x128xf32>
        %mul3A_1322 = arith.mulf %mul3A_1320, %mul3A_1321 : vector<64x4x128xf32>
        %slice3A_1323 = vector.extract_strided_slice %mul3A_277 {offsets = [6, 8, 0], sizes = [1, 4, 128], strides = [1, 1, 1]} : vector<8x16x128xf32> to vector<1x4x128xf32>
        %squeeze3A_1324 = vector.shape_cast %slice3A_1323 : vector<1x4x128xf32> to vector<4x128xf32>
        %broadcast_in_dim3A_1325 = vector.shape_cast %squeeze3A_1324 : vector<4x128xf32> to vector<1x4x128xf32>
        %mul3A_1326 = vector.broadcast %reshape3A_238 : vector<64x1x1xf32> to vector<64x4x128xf32>
        %mul3A_1327 = vector.broadcast %broadcast_in_dim3A_1325 : vector<1x4x128xf32> to vector<64x4x128xf32>
        %mul3A_1328 = arith.mulf %mul3A_1326, %mul3A_1327 : vector<64x4x128xf32>
        %add3A_1329 = arith.addf %mul3A_1322, %mul3A_1328 : vector<64x4x128xf32>
        %slice3A_1330 = vector.extract_strided_slice %mul3A_278 {offsets = [6, 8, 0], sizes = [1, 4, 128], strides = [1, 1, 1]} : vector<8x16x128xf32> to vector<1x4x128xf32>
        %squeeze3A_1331 = vector.shape_cast %slice3A_1330 : vector<1x4x128xf32> to vector<4x128xf32>
        %broadcast_in_dim3A_1332 = vector.shape_cast %squeeze3A_1331 : vector<4x128xf32> to vector<1x4x128xf32>
        %mul3A_1333 = vector.broadcast %reshape3A_240 : vector<64x1x1xf32> to vector<64x4x128xf32>
        %mul3A_1334 = vector.broadcast %broadcast_in_dim3A_1332 : vector<1x4x128xf32> to vector<64x4x128xf32>
        %mul3A_1335 = arith.mulf %mul3A_1333, %mul3A_1334 : vector<64x4x128xf32>
        %add3A_1336 = arith.addf %add3A_1329, %mul3A_1335 : vector<64x4x128xf32>
        %slice3A_1337 = vector.extract_strided_slice %mul3A_279 {offsets = [6, 8, 0], sizes = [1, 4, 128], strides = [1, 1, 1]} : vector<8x16x128xf32> to vector<1x4x128xf32>
        %squeeze3A_1338 = vector.shape_cast %slice3A_1337 : vector<1x4x128xf32> to vector<4x128xf32>
        %broadcast_in_dim3A_1339 = vector.shape_cast %squeeze3A_1338 : vector<4x128xf32> to vector<1x4x128xf32>
        %mul3A_1340 = vector.broadcast %reshape3A_242 : vector<64x1x1xf32> to vector<64x4x128xf32>
        %mul3A_1341 = vector.broadcast %broadcast_in_dim3A_1339 : vector<1x4x128xf32> to vector<64x4x128xf32>
        %mul3A_1342 = arith.mulf %mul3A_1340, %mul3A_1341 : vector<64x4x128xf32>
        %add3A_1343 = arith.addf %add3A_1336, %mul3A_1342 : vector<64x4x128xf32>
        %swap3A_1344 = arith.constant 0 : i32
        %swap3A_1345 = arith.constant 0 : i32
        %swap3A_1346 = arith.constant 0 : i32
        %swap3A_1347 = arith.constant 0 : i32
        %swap3A_1348 = tpu.memref_slice %run_scoped3A_5[%rem3A_227, %swap3A_1344, %swap3A_1345, %swap3A_1346, %swap3A_1347] : memref<2x8x64x16x128xf32, #tpu.memory_space<vmem>> -> memref<1x8x64x16x128xf32, #tpu.memory_space<vmem>>
        %swap3A_1349 = tpu.memref_squeeze %swap3A_1348 : memref<1x8x64x16x128xf32, #tpu.memory_space<vmem>> -> memref<8x64x16x128xf32, #tpu.memory_space<vmem>>
        %swap3A_1350 = arith.constant 6 : index
        %swap3A_1351 = arith.constant 0 : index
        %swap3A_1352 = arith.constant 8 : index
        %swap3A_1353 = arith.constant 0 : index
        %swap3A_1354 = vector.load %swap3A_1349[%swap3A_1350, %swap3A_1351, %swap3A_1352, %swap3A_1353] : memref<8x64x16x128xf32, #tpu.memory_space<vmem>>, vector<1x64x4x128xf32>
        %swap3A_1355 = vector.shape_cast %swap3A_1354 : vector<1x64x4x128xf32> to vector<64x4x128xf32>
        %swap3A_1356 = vector.shape_cast %add3A_1343 : vector<64x4x128xf32> to vector<1x64x4x128xf32>
        tpu.vector_store %swap3A_1349[%swap3A_1350, %swap3A_1351, %swap3A_1352, %swap3A_1353], %swap3A_1356 {strides = array<i32>} : memref<8x64x16x128xf32, #tpu.memory_space<vmem>>, vector<1x64x4x128xf32>,
        %slice3A_1357 = vector.extract_strided_slice %mul3A_276 {offsets = [6, 12, 0], sizes = [1, 4, 128], strides = [1, 1, 1]} : vector<8x16x128xf32> to vector<1x4x128xf32>
        %squeeze3A_1358 = vector.shape_cast %slice3A_1357 : vector<1x4x128xf32> to vector<4x128xf32>
        %broadcast_in_dim3A_1359 = vector.shape_cast %squeeze3A_1358 : vector<4x128xf32> to vector<1x4x128xf32>
        %mul3A_1360 = vector.broadcast %reshape3A : vector<64x1x1xf32> to vector<64x4x128xf32>
        %mul3A_1361 = vector.broadcast %broadcast_in_dim3A_1359 : vector<1x4x128xf32> to vector<64x4x128xf32>
        %mul3A_1362 = arith.mulf %mul3A_1360, %mul3A_1361 : vector<64x4x128xf32>
        %slice3A_1363 = vector.extract_strided_slice %mul3A_277 {offsets = [6, 12, 0], sizes = [1, 4, 128], strides = [1, 1, 1]} : vector<8x16x128xf32> to vector<1x4x128xf32>
        %squeeze3A_1364 = vector.shape_cast %slice3A_1363 : vector<1x4x128xf32> to vector<4x128xf32>
        %broadcast_in_dim3A_1365 = vector.shape_cast %squeeze3A_1364 : vector<4x128xf32> to vector<1x4x128xf32>
        %mul3A_1366 = vector.broadcast %reshape3A_238 : vector<64x1x1xf32> to vector<64x4x128xf32>
        %mul3A_1367 = vector.broadcast %broadcast_in_dim3A_1365 : vector<1x4x128xf32> to vector<64x4x128xf32>
        %mul3A_1368 = arith.mulf %mul3A_1366, %mul3A_1367 : vector<64x4x128xf32>
        %add3A_1369 = arith.addf %mul3A_1362, %mul3A_1368 : vector<64x4x128xf32>
        %slice3A_1370 = vector.extract_strided_slice %mul3A_278 {offsets = [6, 12, 0], sizes = [1, 4, 128], strides = [1, 1, 1]} : vector<8x16x128xf32> to vector<1x4x128xf32>
        %squeeze3A_1371 = vector.shape_cast %slice3A_1370 : vector<1x4x128xf32> to vector<4x128xf32>
        %broadcast_in_dim3A_1372 = vector.shape_cast %squeeze3A_1371 : vector<4x128xf32> to vector<1x4x128xf32>
        %mul3A_1373 = vector.broadcast %reshape3A_240 : vector<64x1x1xf32> to vector<64x4x128xf32>
        %mul3A_1374 = vector.broadcast %broadcast_in_dim3A_1372 : vector<1x4x128xf32> to vector<64x4x128xf32>
        %mul3A_1375 = arith.mulf %mul3A_1373, %mul3A_1374 : vector<64x4x128xf32>
        %add3A_1376 = arith.addf %add3A_1369, %mul3A_1375 : vector<64x4x128xf32>
        %slice3A_1377 = vector.extract_strided_slice %mul3A_279 {offsets = [6, 12, 0], sizes = [1, 4, 128], strides = [1, 1, 1]} : vector<8x16x128xf32> to vector<1x4x128xf32>
        %squeeze3A_1378 = vector.shape_cast %slice3A_1377 : vector<1x4x128xf32> to vector<4x128xf32>
        %broadcast_in_dim3A_1379 = vector.shape_cast %squeeze3A_1378 : vector<4x128xf32> to vector<1x4x128xf32>
        %mul3A_1380 = vector.broadcast %reshape3A_242 : vector<64x1x1xf32> to vector<64x4x128xf32>
        %mul3A_1381 = vector.broadcast %broadcast_in_dim3A_1379 : vector<1x4x128xf32> to vector<64x4x128xf32>
        %mul3A_1382 = arith.mulf %mul3A_1380, %mul3A_1381 : vector<64x4x128xf32>
        %add3A_1383 = arith.addf %add3A_1376, %mul3A_1382 : vector<64x4x128xf32>
        %swap3A_1384 = arith.constant 0 : i32
        %swap3A_1385 = arith.constant 0 : i32
        %swap3A_1386 = arith.constant 0 : i32
        %swap3A_1387 = arith.constant 0 : i32
        %swap3A_1388 = tpu.memref_slice %run_scoped3A_5[%rem3A_227, %swap3A_1384, %swap3A_1385, %swap3A_1386, %swap3A_1387] : memref<2x8x64x16x128xf32, #tpu.memory_space<vmem>> -> memref<1x8x64x16x128xf32, #tpu.memory_space<vmem>>
        %swap3A_1389 = tpu.memref_squeeze %swap3A_1388 : memref<1x8x64x16x128xf32, #tpu.memory_space<vmem>> -> memref<8x64x16x128xf32, #tpu.memory_space<vmem>>
        %swap3A_1390 = arith.constant 6 : index
        %swap3A_1391 = arith.constant 0 : index
        %swap3A_1392 = arith.constant 12 : index
        %swap3A_1393 = arith.constant 0 : index
        %swap3A_1394 = vector.load %swap3A_1389[%swap3A_1390, %swap3A_1391, %swap3A_1392, %swap3A_1393] : memref<8x64x16x128xf32, #tpu.memory_space<vmem>>, vector<1x64x4x128xf32>
        %swap3A_1395 = vector.shape_cast %swap3A_1394 : vector<1x64x4x128xf32> to vector<64x4x128xf32>
        %swap3A_1396 = vector.shape_cast %add3A_1383 : vector<64x4x128xf32> to vector<1x64x4x128xf32>
        tpu.vector_store %swap3A_1389[%swap3A_1390, %swap3A_1391, %swap3A_1392, %swap3A_1393], %swap3A_1396 {strides = array<i32>} : memref<8x64x16x128xf32, #tpu.memory_space<vmem>>, vector<1x64x4x128xf32>,
        %slice3A_1397 = vector.extract_strided_slice %mul3A_276 {offsets = [7, 0, 0], sizes = [1, 4, 128], strides = [1, 1, 1]} : vector<8x16x128xf32> to vector<1x4x128xf32>
        %squeeze3A_1398 = vector.shape_cast %slice3A_1397 : vector<1x4x128xf32> to vector<4x128xf32>
        %broadcast_in_dim3A_1399 = vector.shape_cast %squeeze3A_1398 : vector<4x128xf32> to vector<1x4x128xf32>
        %mul3A_1400 = vector.broadcast %reshape3A : vector<64x1x1xf32> to vector<64x4x128xf32>
        %mul3A_1401 = vector.broadcast %broadcast_in_dim3A_1399 : vector<1x4x128xf32> to vector<64x4x128xf32>
        %mul3A_1402 = arith.mulf %mul3A_1400, %mul3A_1401 : vector<64x4x128xf32>
        %slice3A_1403 = vector.extract_strided_slice %mul3A_277 {offsets = [7, 0, 0], sizes = [1, 4, 128], strides = [1, 1, 1]} : vector<8x16x128xf32> to vector<1x4x128xf32>
        %squeeze3A_1404 = vector.shape_cast %slice3A_1403 : vector<1x4x128xf32> to vector<4x128xf32>
        %broadcast_in_dim3A_1405 = vector.shape_cast %squeeze3A_1404 : vector<4x128xf32> to vector<1x4x128xf32>
        %mul3A_1406 = vector.broadcast %reshape3A_238 : vector<64x1x1xf32> to vector<64x4x128xf32>
        %mul3A_1407 = vector.broadcast %broadcast_in_dim3A_1405 : vector<1x4x128xf32> to vector<64x4x128xf32>
        %mul3A_1408 = arith.mulf %mul3A_1406, %mul3A_1407 : vector<64x4x128xf32>
        %add3A_1409 = arith.addf %mul3A_1402, %mul3A_1408 : vector<64x4x128xf32>
        %slice3A_1410 = vector.extract_strided_slice %mul3A_278 {offsets = [7, 0, 0], sizes = [1, 4, 128], strides = [1, 1, 1]} : vector<8x16x128xf32> to vector<1x4x128xf32>
        %squeeze3A_1411 = vector.shape_cast %slice3A_1410 : vector<1x4x128xf32> to vector<4x128xf32>
        %broadcast_in_dim3A_1412 = vector.shape_cast %squeeze3A_1411 : vector<4x128xf32> to vector<1x4x128xf32>
        %mul3A_1413 = vector.broadcast %reshape3A_240 : vector<64x1x1xf32> to vector<64x4x128xf32>
        %mul3A_1414 = vector.broadcast %broadcast_in_dim3A_1412 : vector<1x4x128xf32> to vector<64x4x128xf32>
        %mul3A_1415 = arith.mulf %mul3A_1413, %mul3A_1414 : vector<64x4x128xf32>
        %add3A_1416 = arith.addf %add3A_1409, %mul3A_1415 : vector<64x4x128xf32>
        %slice3A_1417 = vector.extract_strided_slice %mul3A_279 {offsets = [7, 0, 0], sizes = [1, 4, 128], strides = [1, 1, 1]} : vector<8x16x128xf32> to vector<1x4x128xf32>
        %squeeze3A_1418 = vector.shape_cast %slice3A_1417 : vector<1x4x128xf32> to vector<4x128xf32>
        %broadcast_in_dim3A_1419 = vector.shape_cast %squeeze3A_1418 : vector<4x128xf32> to vector<1x4x128xf32>
        %mul3A_1420 = vector.broadcast %reshape3A_242 : vector<64x1x1xf32> to vector<64x4x128xf32>
        %mul3A_1421 = vector.broadcast %broadcast_in_dim3A_1419 : vector<1x4x128xf32> to vector<64x4x128xf32>
        %mul3A_1422 = arith.mulf %mul3A_1420, %mul3A_1421 : vector<64x4x128xf32>
        %add3A_1423 = arith.addf %add3A_1416, %mul3A_1422 : vector<64x4x128xf32>
        %swap3A_1424 = arith.constant 0 : i32
        %swap3A_1425 = arith.constant 0 : i32
        %swap3A_1426 = arith.constant 0 : i32
        %swap3A_1427 = arith.constant 0 : i32
        %swap3A_1428 = tpu.memref_slice %run_scoped3A_5[%rem3A_227, %swap3A_1424, %swap3A_1425, %swap3A_1426, %swap3A_1427] : memref<2x8x64x16x128xf32, #tpu.memory_space<vmem>> -> memref<1x8x64x16x128xf32, #tpu.memory_space<vmem>>
        %swap3A_1429 = tpu.memref_squeeze %swap3A_1428 : memref<1x8x64x16x128xf32, #tpu.memory_space<vmem>> -> memref<8x64x16x128xf32, #tpu.memory_space<vmem>>
        %swap3A_1430 = arith.constant 7 : index
        %swap3A_1431 = arith.constant 0 : index
        %swap3A_1432 = arith.constant 0 : index
        %swap3A_1433 = arith.constant 0 : index
        %swap3A_1434 = vector.load %swap3A_1429[%swap3A_1430, %swap3A_1431, %swap3A_1432, %swap3A_1433] : memref<8x64x16x128xf32, #tpu.memory_space<vmem>>, vector<1x64x4x128xf32>
        %swap3A_1435 = vector.shape_cast %swap3A_1434 : vector<1x64x4x128xf32> to vector<64x4x128xf32>
        %swap3A_1436 = vector.shape_cast %add3A_1423 : vector<64x4x128xf32> to vector<1x64x4x128xf32>
        tpu.vector_store %swap3A_1429[%swap3A_1430, %swap3A_1431, %swap3A_1432, %swap3A_1433], %swap3A_1436 {strides = array<i32>} : memref<8x64x16x128xf32, #tpu.memory_space<vmem>>, vector<1x64x4x128xf32>,
        %slice3A_1437 = vector.extract_strided_slice %mul3A_276 {offsets = [7, 4, 0], sizes = [1, 4, 128], strides = [1, 1, 1]} : vector<8x16x128xf32> to vector<1x4x128xf32>
        %squeeze3A_1438 = vector.shape_cast %slice3A_1437 : vector<1x4x128xf32> to vector<4x128xf32>
        %broadcast_in_dim3A_1439 = vector.shape_cast %squeeze3A_1438 : vector<4x128xf32> to vector<1x4x128xf32>
        %mul3A_1440 = vector.broadcast %reshape3A : vector<64x1x1xf32> to vector<64x4x128xf32>
        %mul3A_1441 = vector.broadcast %broadcast_in_dim3A_1439 : vector<1x4x128xf32> to vector<64x4x128xf32>
        %mul3A_1442 = arith.mulf %mul3A_1440, %mul3A_1441 : vector<64x4x128xf32>
        %slice3A_1443 = vector.extract_strided_slice %mul3A_277 {offsets = [7, 4, 0], sizes = [1, 4, 128], strides = [1, 1, 1]} : vector<8x16x128xf32> to vector<1x4x128xf32>
        %squeeze3A_1444 = vector.shape_cast %slice3A_1443 : vector<1x4x128xf32> to vector<4x128xf32>
        %broadcast_in_dim3A_1445 = vector.shape_cast %squeeze3A_1444 : vector<4x128xf32> to vector<1x4x128xf32>
        %mul3A_1446 = vector.broadcast %reshape3A_238 : vector<64x1x1xf32> to vector<64x4x128xf32>
        %mul3A_1447 = vector.broadcast %broadcast_in_dim3A_1445 : vector<1x4x128xf32> to vector<64x4x128xf32>
        %mul3A_1448 = arith.mulf %mul3A_1446, %mul3A_1447 : vector<64x4x128xf32>
        %add3A_1449 = arith.addf %mul3A_1442, %mul3A_1448 : vector<64x4x128xf32>
        %slice3A_1450 = vector.extract_strided_slice %mul3A_278 {offsets = [7, 4, 0], sizes = [1, 4, 128], strides = [1, 1, 1]} : vector<8x16x128xf32> to vector<1x4x128xf32>
        %squeeze3A_1451 = vector.shape_cast %slice3A_1450 : vector<1x4x128xf32> to vector<4x128xf32>
        %broadcast_in_dim3A_1452 = vector.shape_cast %squeeze3A_1451 : vector<4x128xf32> to vector<1x4x128xf32>
        %mul3A_1453 = vector.broadcast %reshape3A_240 : vector<64x1x1xf32> to vector<64x4x128xf32>
        %mul3A_1454 = vector.broadcast %broadcast_in_dim3A_1452 : vector<1x4x128xf32> to vector<64x4x128xf32>
        %mul3A_1455 = arith.mulf %mul3A_1453, %mul3A_1454 : vector<64x4x128xf32>
        %add3A_1456 = arith.addf %add3A_1449, %mul3A_1455 : vector<64x4x128xf32>
        %slice3A_1457 = vector.extract_strided_slice %mul3A_279 {offsets = [7, 4, 0], sizes = [1, 4, 128], strides = [1, 1, 1]} : vector<8x16x128xf32> to vector<1x4x128xf32>
        %squeeze3A_1458 = vector.shape_cast %slice3A_1457 : vector<1x4x128xf32> to vector<4x128xf32>
        %broadcast_in_dim3A_1459 = vector.shape_cast %squeeze3A_1458 : vector<4x128xf32> to vector<1x4x128xf32>
        %mul3A_1460 = vector.broadcast %reshape3A_242 : vector<64x1x1xf32> to vector<64x4x128xf32>
        %mul3A_1461 = vector.broadcast %broadcast_in_dim3A_1459 : vector<1x4x128xf32> to vector<64x4x128xf32>
        %mul3A_1462 = arith.mulf %mul3A_1460, %mul3A_1461 : vector<64x4x128xf32>
        %add3A_1463 = arith.addf %add3A_1456, %mul3A_1462 : vector<64x4x128xf32>
        %swap3A_1464 = arith.constant 0 : i32
        %swap3A_1465 = arith.constant 0 : i32
        %swap3A_1466 = arith.constant 0 : i32
        %swap3A_1467 = arith.constant 0 : i32
        %swap3A_1468 = tpu.memref_slice %run_scoped3A_5[%rem3A_227, %swap3A_1464, %swap3A_1465, %swap3A_1466, %swap3A_1467] : memref<2x8x64x16x128xf32, #tpu.memory_space<vmem>> -> memref<1x8x64x16x128xf32, #tpu.memory_space<vmem>>
        %swap3A_1469 = tpu.memref_squeeze %swap3A_1468 : memref<1x8x64x16x128xf32, #tpu.memory_space<vmem>> -> memref<8x64x16x128xf32, #tpu.memory_space<vmem>>
        %swap3A_1470 = arith.constant 7 : index
        %swap3A_1471 = arith.constant 0 : index
        %swap3A_1472 = arith.constant 4 : index
        %swap3A_1473 = arith.constant 0 : index
        %swap3A_1474 = vector.load %swap3A_1469[%swap3A_1470, %swap3A_1471, %swap3A_1472, %swap3A_1473] : memref<8x64x16x128xf32, #tpu.memory_space<vmem>>, vector<1x64x4x128xf32>
        %swap3A_1475 = vector.shape_cast %swap3A_1474 : vector<1x64x4x128xf32> to vector<64x4x128xf32>
        %swap3A_1476 = vector.shape_cast %add3A_1463 : vector<64x4x128xf32> to vector<1x64x4x128xf32>
        tpu.vector_store %swap3A_1469[%swap3A_1470, %swap3A_1471, %swap3A_1472, %swap3A_1473], %swap3A_1476 {strides = array<i32>} : memref<8x64x16x128xf32, #tpu.memory_space<vmem>>, vector<1x64x4x128xf32>,
        %slice3A_1477 = vector.extract_strided_slice %mul3A_276 {offsets = [7, 8, 0], sizes = [1, 4, 128], strides = [1, 1, 1]} : vector<8x16x128xf32> to vector<1x4x128xf32>
        %squeeze3A_1478 = vector.shape_cast %slice3A_1477 : vector<1x4x128xf32> to vector<4x128xf32>
        %broadcast_in_dim3A_1479 = vector.shape_cast %squeeze3A_1478 : vector<4x128xf32> to vector<1x4x128xf32>
        %mul3A_1480 = vector.broadcast %reshape3A : vector<64x1x1xf32> to vector<64x4x128xf32>
        %mul3A_1481 = vector.broadcast %broadcast_in_dim3A_1479 : vector<1x4x128xf32> to vector<64x4x128xf32>
        %mul3A_1482 = arith.mulf %mul3A_1480, %mul3A_1481 : vector<64x4x128xf32>
        %slice3A_1483 = vector.extract_strided_slice %mul3A_277 {offsets = [7, 8, 0], sizes = [1, 4, 128], strides = [1, 1, 1]} : vector<8x16x128xf32> to vector<1x4x128xf32>
        %squeeze3A_1484 = vector.shape_cast %slice3A_1483 : vector<1x4x128xf32> to vector<4x128xf32>
        %broadcast_in_dim3A_1485 = vector.shape_cast %squeeze3A_1484 : vector<4x128xf32> to vector<1x4x128xf32>
        %mul3A_1486 = vector.broadcast %reshape3A_238 : vector<64x1x1xf32> to vector<64x4x128xf32>
        %mul3A_1487 = vector.broadcast %broadcast_in_dim3A_1485 : vector<1x4x128xf32> to vector<64x4x128xf32>
        %mul3A_1488 = arith.mulf %mul3A_1486, %mul3A_1487 : vector<64x4x128xf32>
        %add3A_1489 = arith.addf %mul3A_1482, %mul3A_1488 : vector<64x4x128xf32>
        %slice3A_1490 = vector.extract_strided_slice %mul3A_278 {offsets = [7, 8, 0], sizes = [1, 4, 128], strides = [1, 1, 1]} : vector<8x16x128xf32> to vector<1x4x128xf32>
        %squeeze3A_1491 = vector.shape_cast %slice3A_1490 : vector<1x4x128xf32> to vector<4x128xf32>
        %broadcast_in_dim3A_1492 = vector.shape_cast %squeeze3A_1491 : vector<4x128xf32> to vector<1x4x128xf32>
        %mul3A_1493 = vector.broadcast %reshape3A_240 : vector<64x1x1xf32> to vector<64x4x128xf32>
        %mul3A_1494 = vector.broadcast %broadcast_in_dim3A_1492 : vector<1x4x128xf32> to vector<64x4x128xf32>
        %mul3A_1495 = arith.mulf %mul3A_1493, %mul3A_1494 : vector<64x4x128xf32>
        %add3A_1496 = arith.addf %add3A_1489, %mul3A_1495 : vector<64x4x128xf32>
        %slice3A_1497 = vector.extract_strided_slice %mul3A_279 {offsets = [7, 8, 0], sizes = [1, 4, 128], strides = [1, 1, 1]} : vector<8x16x128xf32> to vector<1x4x128xf32>
        %squeeze3A_1498 = vector.shape_cast %slice3A_1497 : vector<1x4x128xf32> to vector<4x128xf32>
        %broadcast_in_dim3A_1499 = vector.shape_cast %squeeze3A_1498 : vector<4x128xf32> to vector<1x4x128xf32>
        %mul3A_1500 = vector.broadcast %reshape3A_242 : vector<64x1x1xf32> to vector<64x4x128xf32>
        %mul3A_1501 = vector.broadcast %broadcast_in_dim3A_1499 : vector<1x4x128xf32> to vector<64x4x128xf32>
        %mul3A_1502 = arith.mulf %mul3A_1500, %mul3A_1501 : vector<64x4x128xf32>
        %add3A_1503 = arith.addf %add3A_1496, %mul3A_1502 : vector<64x4x128xf32>
        %swap3A_1504 = arith.constant 0 : i32
        %swap3A_1505 = arith.constant 0 : i32
        %swap3A_1506 = arith.constant 0 : i32
        %swap3A_1507 = arith.constant 0 : i32
        %swap3A_1508 = tpu.memref_slice %run_scoped3A_5[%rem3A_227, %swap3A_1504, %swap3A_1505, %swap3A_1506, %swap3A_1507] : memref<2x8x64x16x128xf32, #tpu.memory_space<vmem>> -> memref<1x8x64x16x128xf32, #tpu.memory_space<vmem>>
        %swap3A_1509 = tpu.memref_squeeze %swap3A_1508 : memref<1x8x64x16x128xf32, #tpu.memory_space<vmem>> -> memref<8x64x16x128xf32, #tpu.memory_space<vmem>>
        %swap3A_1510 = arith.constant 7 : index
        %swap3A_1511 = arith.constant 0 : index
        %swap3A_1512 = arith.constant 8 : index
        %swap3A_1513 = arith.constant 0 : index
        %swap3A_1514 = vector.load %swap3A_1509[%swap3A_1510, %swap3A_1511, %swap3A_1512, %swap3A_1513] : memref<8x64x16x128xf32, #tpu.memory_space<vmem>>, vector<1x64x4x128xf32>
        %swap3A_1515 = vector.shape_cast %swap3A_1514 : vector<1x64x4x128xf32> to vector<64x4x128xf32>
        %swap3A_1516 = vector.shape_cast %add3A_1503 : vector<64x4x128xf32> to vector<1x64x4x128xf32>
        tpu.vector_store %swap3A_1509[%swap3A_1510, %swap3A_1511, %swap3A_1512, %swap3A_1513], %swap3A_1516 {strides = array<i32>} : memref<8x64x16x128xf32, #tpu.memory_space<vmem>>, vector<1x64x4x128xf32>,
        %slice3A_1517 = vector.extract_strided_slice %mul3A_276 {offsets = [7, 12, 0], sizes = [1, 4, 128], strides = [1, 1, 1]} : vector<8x16x128xf32> to vector<1x4x128xf32>
        %squeeze3A_1518 = vector.shape_cast %slice3A_1517 : vector<1x4x128xf32> to vector<4x128xf32>
        %broadcast_in_dim3A_1519 = vector.shape_cast %squeeze3A_1518 : vector<4x128xf32> to vector<1x4x128xf32>
        %mul3A_1520 = vector.broadcast %reshape3A : vector<64x1x1xf32> to vector<64x4x128xf32>
        %mul3A_1521 = vector.broadcast %broadcast_in_dim3A_1519 : vector<1x4x128xf32> to vector<64x4x128xf32>
        %mul3A_1522 = arith.mulf %mul3A_1520, %mul3A_1521 : vector<64x4x128xf32>
        %slice3A_1523 = vector.extract_strided_slice %mul3A_277 {offsets = [7, 12, 0], sizes = [1, 4, 128], strides = [1, 1, 1]} : vector<8x16x128xf32> to vector<1x4x128xf32>
        %squeeze3A_1524 = vector.shape_cast %slice3A_1523 : vector<1x4x128xf32> to vector<4x128xf32>
        %broadcast_in_dim3A_1525 = vector.shape_cast %squeeze3A_1524 : vector<4x128xf32> to vector<1x4x128xf32>
        %mul3A_1526 = vector.broadcast %reshape3A_238 : vector<64x1x1xf32> to vector<64x4x128xf32>
        %mul3A_1527 = vector.broadcast %broadcast_in_dim3A_1525 : vector<1x4x128xf32> to vector<64x4x128xf32>
        %mul3A_1528 = arith.mulf %mul3A_1526, %mul3A_1527 : vector<64x4x128xf32>
        %add3A_1529 = arith.addf %mul3A_1522, %mul3A_1528 : vector<64x4x128xf32>
        %slice3A_1530 = vector.extract_strided_slice %mul3A_278 {offsets = [7, 12, 0], sizes = [1, 4, 128], strides = [1, 1, 1]} : vector<8x16x128xf32> to vector<1x4x128xf32>
        %squeeze3A_1531 = vector.shape_cast %slice3A_1530 : vector<1x4x128xf32> to vector<4x128xf32>
        %broadcast_in_dim3A_1532 = vector.shape_cast %squeeze3A_1531 : vector<4x128xf32> to vector<1x4x128xf32>
        %mul3A_1533 = vector.broadcast %reshape3A_240 : vector<64x1x1xf32> to vector<64x4x128xf32>
        %mul3A_1534 = vector.broadcast %broadcast_in_dim3A_1532 : vector<1x4x128xf32> to vector<64x4x128xf32>
        %mul3A_1535 = arith.mulf %mul3A_1533, %mul3A_1534 : vector<64x4x128xf32>
        %add3A_1536 = arith.addf %add3A_1529, %mul3A_1535 : vector<64x4x128xf32>
        %slice3A_1537 = vector.extract_strided_slice %mul3A_279 {offsets = [7, 12, 0], sizes = [1, 4, 128], strides = [1, 1, 1]} : vector<8x16x128xf32> to vector<1x4x128xf32>
        %squeeze3A_1538 = vector.shape_cast %slice3A_1537 : vector<1x4x128xf32> to vector<4x128xf32>
        %broadcast_in_dim3A_1539 = vector.shape_cast %squeeze3A_1538 : vector<4x128xf32> to vector<1x4x128xf32>
        %mul3A_1540 = vector.broadcast %reshape3A_242 : vector<64x1x1xf32> to vector<64x4x128xf32>
        %mul3A_1541 = vector.broadcast %broadcast_in_dim3A_1539 : vector<1x4x128xf32> to vector<64x4x128xf32>
        %mul3A_1542 = arith.mulf %mul3A_1540, %mul3A_1541 : vector<64x4x128xf32>
        %add3A_1543 = arith.addf %add3A_1536, %mul3A_1542 : vector<64x4x128xf32>
        %swap3A_1544 = arith.constant 0 : i32
        %swap3A_1545 = arith.constant 0 : i32
        %swap3A_1546 = arith.constant 0 : i32
        %swap3A_1547 = arith.constant 0 : i32
        %swap3A_1548 = tpu.memref_slice %run_scoped3A_5[%rem3A_227, %swap3A_1544, %swap3A_1545, %swap3A_1546, %swap3A_1547] : memref<2x8x64x16x128xf32, #tpu.memory_space<vmem>> -> memref<1x8x64x16x128xf32, #tpu.memory_space<vmem>>
        %swap3A_1549 = tpu.memref_squeeze %swap3A_1548 : memref<1x8x64x16x128xf32, #tpu.memory_space<vmem>> -> memref<8x64x16x128xf32, #tpu.memory_space<vmem>>
        %swap3A_1550 = arith.constant 7 : index
        %swap3A_1551 = arith.constant 0 : index
        %swap3A_1552 = arith.constant 12 : index
        %swap3A_1553 = arith.constant 0 : index
        %swap3A_1554 = vector.load %swap3A_1549[%swap3A_1550, %swap3A_1551, %swap3A_1552, %swap3A_1553] : memref<8x64x16x128xf32, #tpu.memory_space<vmem>>, vector<1x64x4x128xf32>
        %swap3A_1555 = vector.shape_cast %swap3A_1554 : vector<1x64x4x128xf32> to vector<64x4x128xf32>
        %swap3A_1556 = vector.shape_cast %add3A_1543 : vector<64x4x128xf32> to vector<1x64x4x128xf32>
        tpu.vector_store %swap3A_1549[%swap3A_1550, %swap3A_1551, %swap3A_1552, %swap3A_1553], %swap3A_1556 {strides = array<i32>} : memref<8x64x16x128xf32, #tpu.memory_space<vmem>>, vector<1x64x4x128xf32>,
        "tpu.trace_stop"() : () -> ()
        %ne3A_1557 = arith.cmpi ne, %add3A_142, %add3A_162 : i32
        %or3A_1558 = arith.constant false
        %or3A_1559 = arith.ori %or3A_1558, %ne3A_1557 : i1
        %or3A_1560 = arith.constant false
        %or3A_1561 = arith.ori %or3A_1559, %or3A_1560 : i1
        %or3A_1562 = arith.constant false
        %or3A_1563 = arith.ori %or3A_1561, %or3A_1562 : i1
        %or3A_1564 = arith.ori %or3A_1563, %eq3A_140 : i1
        %convert_element_type3A_1565 = arith.extui %or3A_1564 : i1 to i32
        %cond3A_1566 = arith.constant 0 : i32
        %cond3A_1567 = arith.cmpi ne, %convert_element_type3A_1565, %cond3A_1566 : i32
        scf.if %cond3A_1567 {
        } else {
        }
        %and3A_1568 = arith.constant false
        %and3A_1569 = arith.andi %or3A_1564, %and3A_1568 : i1
        %ne3A_1570 = arith.cmpi ne, %add3A_142, %add3A_162 : i32
        %or3A_1571 = arith.constant false
        %or3A_1572 = arith.ori %or3A_1571, %ne3A_1570 : i1
        %or3A_1573 = arith.constant false
        %or3A_1574 = arith.ori %or3A_1572, %or3A_1573 : i1
        %or3A_1575 = arith.constant false
        %or3A_1576 = arith.ori %or3A_1574, %or3A_1575 : i1
        %or3A_1577 = arith.constant false
        %or3A_1578 = arith.ori %or3A_1576, %or3A_1577 : i1
        %or3A_1579 = arith.ori %or3A_1578, %eq3A_140 : i1
        %convert_element_type3A_1580 = arith.extui %or3A_1579 : i1 to i32
        %cond3A_1581 = arith.constant 0 : i32
        %cond3A_1582 = arith.cmpi ne, %convert_element_type3A_1580, %cond3A_1581 : i32
        scf.if %cond3A_1582 {
          "tpu.trace_start"() <{level = 10 : i32, message = "ep_copy_out"}> : () -> ()
          %rem3A_1657 = arith.constant 2 : i32
          %rem3A_1658 = arith.remui %scan3A_134, %rem3A_1657 : i32
          %mul3A_1659 = arith.constant 8 : i32
          %mul3A_1660 = arith.muli %mul3A_1659, %add3A_142 : i32
          %dma_start3A_1661 = tpu.memref_slice %run_scoped3A_6[%rem3A_1658] : memref<2x!tpu.dma_semaphore, #tpu.memory_space<semaphore_mem>> -> memref<1x!tpu.dma_semaphore, #tpu.memory_space<semaphore_mem>>
          %dma_start3A_1662 = tpu.memref_squeeze %dma_start3A_1661 : memref<1x!tpu.dma_semaphore, #tpu.memory_space<semaphore_mem>> -> memref<!tpu.dma_semaphore, #tpu.memory_space<semaphore_mem>>
          %dma_start3A_1663 = arith.constant 0 : i32
          %dma_start3A_1664 = arith.constant 0 : i32
          %dma_start3A_1665 = arith.constant 0 : i32
          %dma_start3A_1666 = tpu.memref_slice %arg5[%dma_start3A_1663, %dma_start3A_1664, %mul3A_0, %dma_start3A_1665] : memref<200x64x32x128xf32, #tpu.memory_space<any>> -> memref<200x64x16x128xf32, #tpu.memory_space<any>>
          %dma_start3A_1667 = arith.constant 0 : i32
          %dma_start3A_1668 = arith.constant 0 : i32
          %dma_start3A_1669 = arith.constant 0 : i32
          %dma_start3A_1670 = tpu.memref_slice %dma_start3A_1666[%mul3A_1660, %dma_start3A_1667, %dma_start3A_1668, %dma_start3A_1669] : memref<200x64x16x128xf32, #tpu.memory_space<any>> -> memref<8x64x16x128xf32, #tpu.memory_space<any>>
          %dma_start3A_1671 = arith.constant 0 : i32
          %dma_start3A_1672 = arith.constant 0 : i32
          %dma_start3A_1673 = arith.constant 0 : i32
          %dma_start3A_1674 = arith.constant 0 : i32
          %dma_start3A_1675 = tpu.memref_slice %run_scoped3A_5[%rem3A_1658, %dma_start3A_1671, %dma_start3A_1672, %dma_start3A_1673, %dma_start3A_1674] : memref<2x8x64x16x128xf32, #tpu.memory_space<vmem>> -> memref<1x8x64x16x128xf32, #tpu.memory_space<vmem>>
          %dma_start3A_1676 = tpu.memref_squeeze %dma_start3A_1675 : memref<1x8x64x16x128xf32, #tpu.memory_space<vmem>> -> memref<8x64x16x128xf32, #tpu.memory_space<vmem>>
          tpu.enqueue_dma source(%dma_start3A_1676 : memref<8x64x16x128xf32, #tpu.memory_space<vmem>>) target(%dma_start3A_1670 : memref<8x64x16x128xf32, #tpu.memory_space<any>>) target_semaphore(%dma_start3A_1662 : memref<!tpu.dma_semaphore, #tpu.memory_space<semaphore_mem>>)
          "tpu.trace_stop"() : () -> ()
        } else {
        }
        %and3A_1583 = arith.constant true
        %and3A_1584 = arith.andi %or3A_1579, %and3A_1583 : i1
        %add3A_1585 = arith.constant 1 : i32
        %add3A_1586 = arith.addi %scan3A_134, %add3A_1585 : i32
        %select_n3A_1587 = arith.select %and3A_1584, %add3A_1586, %scan3A_134 : i32
        %ne3A_1588 = arith.cmpi ne, %add3A_142, %add3A_152 : i32
        %or3A_1589 = arith.constant false
        %or3A_1590 = arith.ori %or3A_1589, %ne3A_1588 : i1
        %or3A_1591 = arith.constant false
        %or3A_1592 = arith.ori %or3A_1590, %or3A_1591 : i1
        %or3A_1593 = arith.constant false
        %or3A_1594 = arith.ori %or3A_1592, %or3A_1593 : i1
        %not3A_1595 = arith.constant true
        %not3A_1596 = arith.xori %eq3A_138, %not3A_1595 : i1
        %and3A_1597 = arith.andi %or3A_1594, %not3A_1596 : i1
        %convert_element_type3A_1598 = arith.extui %and3A_1597 : i1 to i32
        %cond3A_1599 = arith.constant 0 : i32
        %cond3A_1600 = arith.cmpi ne, %convert_element_type3A_1598, %cond3A_1599 : i32
        scf.if %cond3A_1600 {
        } else {
        }
        %and3A_1601 = arith.constant false
        %and3A_1602 = arith.andi %and3A_1597, %and3A_1601 : i1
        %ne3A_1603 = arith.cmpi ne, %add3A_142, %add3A_152 : i32
        %or3A_1604 = arith.constant false
        %or3A_1605 = arith.ori %or3A_1604, %ne3A_1603 : i1
        %or3A_1606 = arith.constant false
        %or3A_1607 = arith.ori %or3A_1605, %or3A_1606 : i1
        %or3A_1608 = arith.constant false
        %or3A_1609 = arith.ori %or3A_1607, %or3A_1608 : i1
        %or3A_1610 = arith.constant false
        %or3A_1611 = arith.ori %or3A_1609, %or3A_1610 : i1
        %not3A_1612 = arith.constant true
        %not3A_1613 = arith.xori %eq3A_138, %not3A_1612 : i1
        %and3A_1614 = arith.andi %or3A_1611, %not3A_1613 : i1
        %convert_element_type3A_1615 = arith.extui %and3A_1614 : i1 to i32
        %cond3A_1616 = arith.constant 0 : i32
        %cond3A_1617 = arith.cmpi ne, %convert_element_type3A_1615, %cond3A_1616 : i32
        scf.if %cond3A_1617 {
          "tpu.trace_start"() <{level = 10 : i32, message = "ep_wait_out"}> : () -> ()
          %rem3A_1657 = arith.constant 2 : i32
          %rem3A_1658 = arith.remui %scan3A_135, %rem3A_1657 : i32
          %mul3A_1659 = arith.constant 8 : i32
          %mul3A_1660 = arith.muli %mul3A_1659, %add3A_152 : i32
          %dma_wait3A_1661 = tpu.memref_slice %run_scoped3A_6[%rem3A_1658] : memref<2x!tpu.dma_semaphore, #tpu.memory_space<semaphore_mem>> -> memref<1x!tpu.dma_semaphore, #tpu.memory_space<semaphore_mem>>
          %dma_wait3A_1662 = tpu.memref_squeeze %dma_wait3A_1661 : memref<1x!tpu.dma_semaphore, #tpu.memory_space<semaphore_mem>> -> memref<!tpu.dma_semaphore, #tpu.memory_space<semaphore_mem>>
          %dma_wait3A_1663 = arith.constant 0 : i32
          %dma_wait3A_1664 = arith.constant 0 : i32
          %dma_wait3A_1665 = arith.constant 0 : i32
          %dma_wait3A_1666 = tpu.memref_slice %arg5[%dma_wait3A_1663, %dma_wait3A_1664, %mul3A_0, %dma_wait3A_1665] : memref<200x64x32x128xf32, #tpu.memory_space<any>> -> memref<200x64x16x128xf32, #tpu.memory_space<any>>
          %dma_wait3A_1667 = arith.constant 0 : i32
          %dma_wait3A_1668 = arith.constant 0 : i32
          %dma_wait3A_1669 = arith.constant 0 : i32
          %dma_wait3A_1670 = tpu.memref_slice %dma_wait3A_1666[%mul3A_1660, %dma_wait3A_1667, %dma_wait3A_1668, %dma_wait3A_1669] : memref<200x64x16x128xf32, #tpu.memory_space<any>> -> memref<8x64x16x128xf32, #tpu.memory_space<any>>
          %dma_wait3A_1671 = arith.constant 0 : i32
          %dma_wait3A_1672 = arith.constant 0 : i32
          %dma_wait3A_1673 = arith.constant 0 : i32
          %dma_wait3A_1674 = arith.constant 0 : i32
          %dma_wait3A_1675 = tpu.memref_slice %run_scoped3A_5[%rem3A_1658, %dma_wait3A_1671, %dma_wait3A_1672, %dma_wait3A_1673, %dma_wait3A_1674] : memref<2x8x64x16x128xf32, #tpu.memory_space<vmem>> -> memref<1x8x64x16x128xf32, #tpu.memory_space<vmem>>
          %dma_wait3A_1676 = tpu.memref_squeeze %dma_wait3A_1675 : memref<1x8x64x16x128xf32, #tpu.memory_space<vmem>> -> memref<8x64x16x128xf32, #tpu.memory_space<vmem>>
          tpu.wait_dma2 semaphore(%dma_wait3A_1662 : memref<!tpu.dma_semaphore, #tpu.memory_space<semaphore_mem>>) src(%dma_wait3A_1676 : memref<8x64x16x128xf32, #tpu.memory_space<vmem>>) dst(%dma_wait3A_1670 : memref<8x64x16x128xf32, #tpu.memory_space<any>>)
          "tpu.trace_stop"() : () -> ()
        } else {
        }
        %and3A_1618 = arith.constant true
        %and3A_1619 = arith.andi %and3A_1614, %and3A_1618 : i1
        %add3A_1620 = arith.constant 1 : i32
        %add3A_1621 = arith.addi %scan3A_135, %add3A_1620 : i32
        %select_n3A_1622 = arith.select %and3A_1619, %add3A_1621, %scan3A_135 : i32
        %ne3A_1623 = arith.cmpi ne, %add3A_142, %add3A_162 : i32
        %or3A_1624 = arith.constant false
        %or3A_1625 = arith.ori %or3A_1624, %ne3A_1623 : i1
        %or3A_1626 = arith.constant false
        %or3A_1627 = arith.ori %or3A_1625, %or3A_1626 : i1
        %or3A_1628 = arith.constant false
        %or3A_1629 = arith.ori %or3A_1627, %or3A_1628 : i1
        %or3A_1630 = arith.ori %or3A_1629, %eq3A_140 : i1
        %add3A_1631 = arith.constant 1 : i32
        %add3A_1632 = arith.addi %scan3A_130, %add3A_1631 : i32
        %select_n3A_1633 = arith.select %or3A_1630, %add3A_1632, %scan3A_130 : i32
        %or3A_1634 = arith.constant false
        %or3A_1635 = arith.ori %or3A_1634, %eq3A_140 : i1
        %add3A_1636 = arith.constant 1 : i32
        %add3A_1637 = arith.addi %scan3A_131, %add3A_1636 : i32
        %select_n3A_1638 = arith.select %or3A_1635, %add3A_1637, %scan3A_131 : i32
        %or3A_1639 = arith.constant false
        %or3A_1640 = arith.ori %or3A_1639, %eq3A_140 : i1
        %add3A_1641 = arith.constant 1 : i32
        %add3A_1642 = arith.addi %scan3A_132, %add3A_1641 : i32
        %select_n3A_1643 = arith.select %or3A_1640, %add3A_1642, %scan3A_132 : i32
        %or3A_1644 = arith.constant false
        %or3A_1645 = arith.ori %or3A_1644, %eq3A_140 : i1
        %add3A_1646 = arith.constant 1 : i32
        %add3A_1647 = arith.addi %scan3A_133, %add3A_1646 : i32
        %select_n3A_1648 = arith.select %or3A_1645, %add3A_1647, %scan3A_133 : i32
        %add3A_1649 = arith.constant 1 : i32
        %add3A_1650 = arith.addi %scan3A_136, %add3A_1649 : i32
        %select_n3A_1651 = arith.constant true
        %select_n3A_1652 = arith.select %select_n3A_1651, %add3A_1650, %scan3A_136 : i32
        %eq3A_1653 = arith.constant 25 : i32
        %eq3A_1654 = arith.cmpi eq, %select_n3A_1652, %eq3A_1653 : i32
        %select_n3A_1655 = arith.constant 0 : i32
        %select_n3A_1656 = arith.select %eq3A_1654, %select_n3A_1655, %select_n3A_1652 : i32
        scf.yield %select_n3A_185, %select_n3A_1633, %select_n3A_1638, %select_n3A_1643, %select_n3A_1648, %select_n3A_1587, %select_n3A_1622, %select_n3A_1656 : i32, i32, i32, i32, i32, i32, i32, i32
      }
      %scan3A_69 = arith.constant 25 : i32
      %sub3A = arith.constant 1 : i32
      %sub3A_70 = arith.subi %scan3A_68#7, %sub3A : i32
      %select_n3A_71 = arith.constant true
      %select_n3A_72 = arith.select %select_n3A_71, %sub3A_70, %scan3A_68#7 : i32
      %eq3A_73 = arith.constant -1 : i32
      %eq3A_74 = arith.cmpi eq, %select_n3A_72, %eq3A_73 : i32
      %select_n3A_75 = arith.constant 24 : i32
      %select_n3A_76 = arith.select %eq3A_74, %select_n3A_75, %select_n3A_72 : i32
      %add3A_77 = arith.constant 0 : i32
      %add3A_78 = arith.addi %select_n3A_76, %add3A_77 : i32
      %sub3A_79 = arith.constant 1 : i32
      %sub3A_80 = arith.subi %select_n3A_76, %sub3A_79 : i32
      %select_n3A_81 = arith.constant true
      %select_n3A_82 = arith.select %select_n3A_81, %sub3A_80, %select_n3A_76 : i32
      %eq3A_83 = arith.constant -1 : i32
      %eq3A_84 = arith.cmpi eq, %select_n3A_82, %eq3A_83 : i32
      %select_n3A_85 = arith.constant 24 : i32
      %select_n3A_86 = arith.select %eq3A_84, %select_n3A_85, %select_n3A_82 : i32
      %add3A_87 = arith.constant 0 : i32
      %add3A_88 = arith.addi %select_n3A_86, %add3A_87 : i32
      %add3A_89 = arith.constant 1 : i32
      %add3A_90 = arith.addi %select_n3A_76, %add3A_89 : i32
      %select_n3A_91 = arith.constant true
      %select_n3A_92 = arith.select %select_n3A_91, %add3A_90, %select_n3A_76 : i32
      %eq3A_93 = arith.constant 25 : i32
      %eq3A_94 = arith.cmpi eq, %select_n3A_92, %eq3A_93 : i32
      %select_n3A_95 = arith.constant 0 : i32
      %select_n3A_96 = arith.select %eq3A_94, %select_n3A_95, %select_n3A_92 : i32
      %add3A_97 = arith.constant 0 : i32
      %add3A_98 = arith.addi %select_n3A_96, %add3A_97 : i32
      %add3A_99 = arith.constant 1 : i32
      %add3A_100 = arith.addi %select_n3A_96, %add3A_99 : i32
      %select_n3A_101 = arith.constant true
      %select_n3A_102 = arith.select %select_n3A_101, %add3A_100, %select_n3A_96 : i32
      %eq3A_103 = arith.constant 25 : i32
      %eq3A_104 = arith.cmpi eq, %select_n3A_102, %eq3A_103 : i32
      %select_n3A_105 = arith.constant 0 : i32
      %select_n3A_106 = arith.select %eq3A_104, %select_n3A_105, %select_n3A_102 : i32
      %add3A_107 = arith.constant 0 : i32
      %add3A_108 = arith.addi %select_n3A_106, %add3A_107 : i32
      "tpu.trace_start"() <{level = 10 : i32, message = "ep_finalize"}> : () -> ()
      %rem3A_109 = arith.constant 2 : i32
      %rem3A_110 = arith.remui %scan3A_68#6, %rem3A_109 : i32
      %mul3A_111 = arith.constant 8 : i32
      %mul3A_112 = arith.muli %mul3A_111, %add3A_78 : i32
      %dma_wait3A = tpu.memref_slice %run_scoped3A_6[%rem3A_110] : memref<2x!tpu.dma_semaphore, #tpu.memory_space<semaphore_mem>> -> memref<1x!tpu.dma_semaphore, #tpu.memory_space<semaphore_mem>>
      %dma_wait3A_113 = tpu.memref_squeeze %dma_wait3A : memref<1x!tpu.dma_semaphore, #tpu.memory_space<semaphore_mem>> -> memref<!tpu.dma_semaphore, #tpu.memory_space<semaphore_mem>>
      %dma_wait3A_114 = arith.constant 0 : i32
      %dma_wait3A_115 = arith.constant 0 : i32
      %dma_wait3A_116 = arith.constant 0 : i32
      %dma_wait3A_117 = tpu.memref_slice %arg5[%dma_wait3A_114, %dma_wait3A_115, %mul3A_0, %dma_wait3A_116] : memref<200x64x32x128xf32, #tpu.memory_space<any>> -> memref<200x64x16x128xf32, #tpu.memory_space<any>>
      %dma_wait3A_118 = arith.constant 0 : i32
      %dma_wait3A_119 = arith.constant 0 : i32
      %dma_wait3A_120 = arith.constant 0 : i32
      %dma_wait3A_121 = tpu.memref_slice %dma_wait3A_117[%mul3A_112, %dma_wait3A_118, %dma_wait3A_119, %dma_wait3A_120] : memref<200x64x16x128xf32, #tpu.memory_space<any>> -> memref<8x64x16x128xf32, #tpu.memory_space<any>>
      %dma_wait3A_122 = arith.constant 0 : i32
      %dma_wait3A_123 = arith.constant 0 : i32
      %dma_wait3A_124 = arith.constant 0 : i32
      %dma_wait3A_125 = arith.constant 0 : i32
      %dma_wait3A_126 = tpu.memref_slice %run_scoped3A_5[%rem3A_110, %dma_wait3A_122, %dma_wait3A_123, %dma_wait3A_124, %dma_wait3A_125] : memref<2x8x64x16x128xf32, #tpu.memory_space<vmem>> -> memref<1x8x64x16x128xf32, #tpu.memory_space<vmem>>
      %dma_wait3A_127 = tpu.memref_squeeze %dma_wait3A_126 : memref<1x8x64x16x128xf32, #tpu.memory_space<vmem>> -> memref<8x64x16x128xf32, #tpu.memory_space<vmem>>
      tpu.wait_dma2 semaphore(%dma_wait3A_113 : memref<!tpu.dma_semaphore, #tpu.memory_space<semaphore_mem>>) src(%dma_wait3A_127 : memref<8x64x16x128xf32, #tpu.memory_space<vmem>>) dst(%dma_wait3A_121 : memref<8x64x16x128xf32, #tpu.memory_space<any>>)
      "tpu.trace_stop"() : () -> ()
      tpu.yield
    }) : () -> ()
    return
  }
}

</mosaic_0001>

<sc_bundles>
// kernel: kernel.4.cloned.1.call-start
scs
__scs_entry_jumppad:
0x0: {  	(pc) =	sbr.rel $0x88, $3  }
0x1: {  	(tag) =	ssettag $0x0;
	lr =	simm.s32 $0x1  }
0x2: {  	[smem:$0x3F9D] =	sst lr;
	_ =	strace $0xD0000000  }
0x3: {  	_ = 	snop  }
0x4: {  	_ = 	snop  }
0x5: {  	_ = 	snop  }
0x6: {  	_ = 	snop  }
0x7: {  	_ = 	snop  }
__scs_overlays_trampoline_lowered:
0x8: {  	[smem:$0x3FAC] =	sst s0  }
0x9: {  	[smem:$0x3FAD] =	sst s1  }
0xa: {  	[smem:$0x3FAE] =	sst s2  }
0xb: {  	[smem:$0x3FAF] =	sst s3  }
0xc: {  	[smem:$0x3FB0] =	sst s4  }
0xd: {  	[smem:$0x3FB1] =	sst s5  }
0xe: {  	[smem:$0x3FB2] =	sst s6  }
0xf: {  	[smem:$0x3FB3] =	sst s7  }
0x10: {  	[smem:$0x3FB4] =	sst s8  }
0x11: {  	[smem:$0x3FB5] =	sst s9;
	s0 =	simm.s32 @!p0 $0x0  }
0x12: {  	s1 =	sld [smem:$0x3F9B];
	s0 =	simm.s32 @p0 $0x1  }
0x13: {  	[smem:$0x3FB6] =	sst s0;
	s0 =	simm.s32 @!p1 $0x0  }
0x14: {  	s2 =	sld [smem:$0x3F9A];
	s0 =	simm.s32 @p1 $0x1  }
0x15: {  	[smem:$0x3FB7] =	sst s0;
	s0 =	simm.s32 @!p2 $0x0  }
0x16: {  	s3 =	sld [smem:$0x3FDB];
	s0 =	simm.s32 @p2 $0x1  }
0x17: {  	s4 =	simm.s32 $0x1BF5;
	[smem:$0x3FB9] =	sst s0  }
0x18: {  	s0 =	sld [smem:$0x3F9C];
	_ =	swait.ge [sflag:s4], $0x0  }
0x19: {  	s7 =	sld [smem:$0x3F9D]  }
0x1a: {  	s8 =	sadd.s32 $0xFFFFE003, lr  }
0x1b: {  	s9 =	sadd.s32 $0xFFFFFEF7, lr;
	s5 =	simm.s32 $0xFFFFFFFF;
	p2 =	slt.u32 s8, $0xFFFFF086  }
0x1c: {  	p1 =	slt.u32 s9, $0xF7A;
	s5 =	simm.s32 @!p2 $0x0  }
0x1d: {  	s5 =	simm.s32 @p1 $0x1;
	p0 =	seq.s32 s7, s2  }
0x1e: {  	s7 =	smul.u32 @!p0 $0xF7A, s2;
	p2 =	seq.s32 @!p0 s5, $0x0  }
0x1f: {  	s9 =	smul.u32 $0xF7A, s1;
	s8 =	simm.s32 @!p0 $0x1BF5;
	p2 =	por !p2, p0  }
0x20: {  	[sflag:s8] =	ssyncset.s32 @!p0 $0xFFFFF086;
	s6 =	sadd.s32 @!p0 s3, s7;
	s7 =	simm.s32 @!p0 $0x108  }
0x21: {  	s3 =	sadd.s32 s3, s9;
	s6 =	sadd.s32 @!p0 $0x88, s6;
	s7 =	simm.s32 @p2 $0x1082  }
0x22: {  	[simem:s7], [sflag:s8] =	dma.local @!p0 [hbm:s6], $0xF7A  }
0x23: {  	s9 =	sor.u32 $0xD0000000, s2;
	s6 =	simm.s32 $0x108;
	_ =	swait.ge @!p0 [sflag:s8], $0x0  }
0x24: {  	s3 =	sadd.s32 $0x88, s3;
	s6 =	simm.s32 @!p1 $0x1082;
	[sflag:s4] =	ssyncset.s32 $0xFFFFF086  }
0x25: {  	[simem:s6], [sflag:s4] =	dma.local [hbm:s3], $0xF7A  }
0x26: {  	[smem:$0x3F9D] =	sst s1;
	(tag) =	ssettag s2;
	_ =	strace s9  }
0x27: {  	s1 =	sld [smem:$0x3FAD]  }
0x28: {  	s2 =	sld [smem:$0x3FAE]  }
0x29: {  	s4 =	sld [smem:$0x3FB0]  }
0x2a: {  	p0 =	seq.s32 s5, $0x0;
	s5 =	sld [smem:$0x3FB1]  }
0x2b: {  	s6 =	sld [smem:$0x3FB2]  }
0x2c: {  	s7 =	sld [smem:$0x3FB3]  }
0x2d: {  	s3 =	simm.s32 $0x108;
	s8 =	sld [smem:$0x3FB4]  }
0x2e: {  	s3 =	simm.s32 @!p0 $0x1082;
	s9 =	sld [smem:$0x3FB5]  }
0x2f: {  	lr =	sadd.s32 s0, s3;
	s0 =	sld [smem:$0x3FAC]  }
0x30: {  	s3 =	sld [smem:$0x3FAF]  }
0x31: {  	[smem:$0x3FB8] =	sst s10  }
0x32: {  	s10 =	sld [smem:$0x3FB6];
	_ =	sdelay $0x3  }
0x33: {  	p0 =	seq.s32 s10, $0x1;
	s10 =	sld [smem:$0x3FB8];
	_ =	sdelay $0x3  }
0x34: {  	[smem:$0x3FB8] =	sst s10  }
0x35: {  	s10 =	sld [smem:$0x3FB7];
	_ =	sdelay $0x3  }
0x36: {  	p1 =	seq.s32 s10, $0x1;
	s10 =	sld [smem:$0x3FB8];
	_ =	sdelay $0x3  }
0x37: {  	[smem:$0x3FB8] =	sst s10  }
0x38: {  	s10 =	sld [smem:$0x3FB9]  }
0x39: {  	_ = 	snop;
	(pc) =	sbr.ind lr, $3  }
0x3a: {  	_ = 	snop  }
0x3b: {  	_ = 	snop  }
0x3c: {  	p2 =	seq.s32 s10, $0x1;
	s10 =	sld [smem:$0x3FB8]  }
0x3d: {  	_ =	shalt  }
0x3e: {  	_ =	shalt  }
0x3f: {  	_ =	shalt  }
0x40: {  	_ =	shalt  }
0x41: {  	_ =	shalt  }
0x42: {  	_ =	shalt  }
0x43: {  	_ =	shalt  }
0x44: {  	_ =	shalt  }
0x45: {  	_ =	shalt  }
0x46: {  	_ =	shalt  }
0x47: {  	_ =	shalt  }
0x48: {  	_ =	shalt  }
0x49: {  	_ =	shalt  }
0x4a: {  	_ =	shalt  }
0x4b: {  	_ =	shalt  }
0x4c: {  	_ =	shalt  }
0x4d: {  	_ =	shalt  }
0x4e: {  	_ =	shalt  }
0x4f: {  	_ =	shalt  }
0x50: {  	_ =	shalt  }
0x51: {  	_ =	shalt  }
0x52: {  	_ =	shalt  }
0x53: {  	_ =	shalt  }
0x54: {  	_ =	shalt  }
0x55: {  	_ =	shalt  }
0x56: {  	_ =	shalt  }
0x57: {  	_ =	shalt  }
0x58: {  	_ =	shalt  }
0x59: {  	_ =	shalt  }
0x5a: {  	_ =	shalt  }
0x5b: {  	_ =	shalt  }
0x5c: {  	_ =	shalt  }
0x5d: {  	_ =	shalt  }
0x5e: {  	_ =	shalt  }
0x5f: {  	_ =	shalt  }
0x60: {  	_ =	shalt  }
0x61: {  	_ =	shalt  }
0x62: {  	_ =	shalt  }
0x63: {  	_ =	shalt  }
0x64: {  	_ =	shalt  }
0x65: {  	_ =	shalt  }
0x66: {  	_ =	shalt  }
0x67: {  	_ =	shalt  }
0x68: {  	_ =	shalt  }
0x69: {  	_ =	shalt  }
0x6a: {  	_ =	shalt  }
0x6b: {  	_ =	shalt  }
0x6c: {  	_ =	shalt  }
0x6d: {  	_ =	shalt  }
0x6e: {  	_ =	shalt  }
0x6f: {  	_ =	shalt  }
0x70: {  	_ =	shalt  }
0x71: {  	_ =	shalt  }
0x72: {  	_ =	shalt  }
0x73: {  	_ =	shalt  }
0x74: {  	_ =	shalt  }
0x75: {  	_ =	shalt  }
0x76: {  	_ =	shalt  }
0x77: {  	_ =	shalt  }
0x78: {  	_ =	shalt  }
0x79: {  	_ =	shalt  }
0x7a: {  	_ =	shalt  }
0x7b: {  	_ =	shalt  }
0x7c: {  	_ =	shalt  }
0x7d: {  	_ =	shalt  }
0x7e: {  	_ =	shalt  }
0x7f: {  	_ =	shalt  }
0x80: {  	_ =	shalt  }
0x81: {  	_ =	shalt  }
0x82: {  	_ =	shalt  }
0x83: {  	_ =	shalt  }
0x84: {  	_ =	shalt  }
0x85: {  	_ =	shalt  }
0x86: {  	_ =	shalt  }
0x87: {  	_ =	shalt  }
.Lfunc_end0:
.L_simem_size_0:
called_computation_lowered:
.L_overlay_start_0:
0x88: {  	s2 =	sld [smem:$0x3FD9]  }
0x89: {  	s3 =	sld [smem:$0x3FFE];
	_ =	sdelay $0x1  }
0x8a: {  	s1 =	srdreg.scid  }
0x8b: {  	s0 =	sand.u32 $0x1, s1  }
0x8c: {  	s17 =	sshll.u32 s0, $0xA;
	s2 =	sadd.s32 s3, s2  }
0x8d: {  	s2 =	sadd.s32 s2, s17  }
0x8e: {  	[smem:$0x3FC4] =	sst s2  }
0x8f: {  	_ = 	snop  }
0x90: {  	s2 =	sld [smem:$0x3FD0];
	(tm) =	ssettm $0x1  }
0x91: {  	s18 =	sld [smem:$0x3FFB];
	_ =	sdelay $0x3  }
0x92: {  	_ =	strace s18  }
0x93: {  	s3 =	sld [smem:$0x3FFC];
	_ =	sdelay $0x3  }
0x94: {  	_ =	strace s3  }
0x95: {  	s3 =	sld [smem:$0x3FFD];
	_ =	sdelay $0x3  }
0x96: {  	_ =	strace s3  }
0x97: {  	_ =	strace $0x8FFFFFFF  }
0x98: {  	s19 =	sld [smem:$0x3FDB];
	_ =	sdelay $0x1  }
0x99: {  	s4 =	simm.s32 $_scs_section_size  }
0x9a: {  	s5 =	simm.s32 $_size__tile_overlayer_lowered;
	s6 =	simm.s32 $_tile_overlayer_lowered  }
0x9b: {  	s22 =	simm.s32 $0x1BFF;
	s21 =	sshll.u32 s6, $0x1;
	s3 =	sadd.s32 s4, s19  }
0x9c: {  	s7 =	simm.s32 $0x0;
	s20 =	sshll.u32 s5, $0x1;
	s5 =	sadd.s32 s21, s3  }
0x9d: {  	[timem:s7], [sflag:s22] =	dma.local [hbm:s5], s20  }
0x9e: {  	_ =	swait.ge [sflag:s22], s20  }
0x9f: {  	s4 =	ssub.s32 $0x0, s20;
	[sflag:s22] =	ssyncset.done $0x0  }
0xa0: {  	[sflag:s22] =	ssyncadd.s32 s4;
	_ =	sdelay $0x1  }
0xa1: {  	s23 =	simm.s32 $0x1B8B  }
0xa2: {  	_ =	swait.ge [sflag:s23], $0x1  }
0xa3: {  	[sflag:s23] =	ssyncset.done $0x0  }
0xa4: {  	s25 =	simm.s32 $0x1B8E;
	s24 =	sld [smem:$0x3FFE];
	[sflag:s23] =	ssyncadd.s32 $0xFFFFFFFF  }
0xa5: {  	s26 =	simm.s32 $execute0_lowered;
	[smem:$0x3FD2] =	sst s25  }
0xa6: {  	s5 =	sshll.u32 s26, $0x1;
	_ =	strace $0x80000046;
	[dreg:$0x1] =	wrdreg $0xFFFFFFFF  }
0xa7: {  	s28 =	simm.s32 $_size_execute0_lowered;
	s3 =	sadd.s32 s3, s5;
	[dreg:$0x0] =	wrdreg $0x0  }
0xa8: {  	s5 =	sshll.u32 s28, $0x1;
	[dreg:$0x2] =	wrdreg s3  }
0xa9: {  	[dreg:$0x3] =	wrdreg s5  }
0xaa: {  	[dreg:$0x4] =	wrdreg $0xC0  }
0xab: {  	_ =	task [dreg:s7], $0x5FFFF  }
0xac: {  	[dreg:$0x1] =	wrdreg $0xFFFFFFFF  }
0xad: {  	[dreg:$0x0] =	wrdreg $0x60  }
0xae: {  	[dreg:$0x2] =	wrdreg s2  }
0xaf: {  	[dreg:$0x3] =	wrdreg s24  }
0xb0: {  	[dreg:$0x4] =	wrdreg $0x9  }
0xb1: {  	_ =	task.clear_ibuf [dreg:s7], $0x5FFFF;
	_ =	strace $0x90000046  }
0xb2: {  	s29 =	simm.s32 $0x9;
	_ =	strace $0x80000048  }
0xb3: {  	_ =	swait.ge [sflag:s29], $0x1  }
0xb4: {  	[sflag:s29] =	ssyncadd.s32 $0xFFFFFFFF  }
0xb5: {  	_ =	strace $0x90000048  }
0xb6: {  	_ =	sfence  }
0xb7: {  	s30 =	sld [smem:$0x0];
	_ =	sdelay $0x2  }
0xb8: {  	s31 =	sshll.u32 s1, $0xD;
	s1 =	sshrl.u32 s1, $0x2  }
0xb9: {  	s3 =	sand.u32 $0x4000, s31;
	s1 =	sadd.s32 s1, s30  }
0xba: {  	s0 =	sor.u32 s3, s0;
	s1 =	sshll.u32 s1, $0x11  }
0xbb: {  	s0 =	sor.u32 s1, s0  }
0xbc: {  	s0 =	sadd.s32 $0x8F2B, s0  }
0xbd: {  	[sflag:s0] =	ssyncadd.remote.s32 $0x1  }
0xbe: {  	_ =	sfence.sel $0xFFFF  }
0xbf: {  	[dreg:$0x0] =	wrdreg $0xFFFFFFFF;
	(pc) =	sbr.abs _section_cstart, $3  }
0xc0: {  	[dreg:$0x1] =	wrdreg $0xFFFFFFFF  }
0xc1: {  	_ =	task.clear_ibuf [dreg:s7], $0x2FFFF;
	_ =	strace $0x9FFFFFFF  }
0xc2: {  	(tm) =	ssettm $0x7FFFFFFF  }
0xc3: {  	_ =	shalt  }
tec
execute0_lowered:
.L_overlay_start_1:
0x0: {  	(tag) =	ssettag $0x1  }
0x1: {  	s1 =	rddreg [dreg:$0x0]  }
0x2: {  	s4 =	rddreg [dreg:$0x1]  }
0x3: {  	s0 =	rddreg [dreg:$0x2]  }
0x4: {  	s5 =	srdreg.scid;
	s2 =	stileid.u32  }
0x5: {  	s3 =	simm.s32 $0x0;
	s5 =	sand.u32 $0x1, s5;
	s6 =	sshll.u32 s2, $0x1  }
0x6: {  	s12 =	simm.s32 $0x1;
	s13 =	simm.s32 $0x0;
	s6 =	sor.u32 s5, s6  }
0x7: {  	[smem:$0x7FF] =	sst s3;
	s7 =	sadd.s32 $0x1000, s4;
	s8 =	smul.u32 $0xC8, s6  }
0x8: {  	s9 =	sadd.s32 $0x1A000, s4;
	s5 =	ssub.s32 $0x2, s5;
	s10 =	smul.u32 $0xC80, s6  }
0x9: {  	_ =	strace $0x80000047;
	s28 =	sshrl.u32 s5, $0x1;
	s29 =	smul.u32 $0x6400, s6  }
0xa: {  	s11 =	ssub.s32 s5, s28;
	s30 =	sadd.s32 $0x64, s8;
	s4 =	sadd.s32 s7, s10  }
0xb: {  	s5 =	sadd.s32 s9, s29;
	s8 =	sshll.u32 s30, $0x4;
	s31 =	sshll.u32 s30, $0x7  }
0xc: {  	s10 =	simm.s32 $0x3200;
	s6 =	sadd.s32 s7, s8;
	s7 =	sadd.s32 s9, s31  }
0xd: {  	s8 =	smax.u32 s11, $0x1;
	s9 =	simm.s32 $0x3;
	s11 =	simm.s32 $0x2  }
.LBB2_1:
0xe: {  	[tilespmem:s3], [sflag:$0x3] =	stream.linear.gather [hbm4b:s4+s3], $0x3200, $0x38;
	[tilespmem:$0x1C200] =	vst v63  }
0xf: {  	_ =	swait.ge [sflag:s9], $0x3200  }
0x10: {  	[sflag:s9] =	ssyncset.done $0x0  }
0x11: {  	s14 =	simm.s32 $0x4600;
	s15 =	simm.s32 $0x0;
	[sflag:s9] =	ssyncadd.s32 $0xFFFFCE00  }
.LBB2_2:
0x12: {  	p0 =	seq.s32 s15, $0xC800  }
0x13: {  	s16 =	sadd.s32 @!p0 $0xFFFFEC00, s14;
	s17 =	sshra.s32 @!p0 s15, $0x2;
	s18 =	simm.s32 @!p0 $0x80  }
0x14: {  	[tilespmem:s16], [sflag:$0x1] =	stream.indirect.gather @!p0 [hbm4b:s1+s18], $0x4, s17, s18, $0xb8;
	[tilespmem:$0x1C200] =	vst v63  }
0x15: {  	s16 =	sadd.s32 @!p0 $0xFFFFF000, s14;
	s19 =	sadd.s32 @!p0 $0x80, s17  }
0x16: {  	[tilespmem:s16], [sflag:$0x1] =	stream.indirect.gather @!p0 [hbm4b:s1+s18], $0x4, s19, s18, $0xb8;
	[tilespmem:$0x1C200] =	vst v63  }
0x17: {  	s16 =	sadd.s32 @!p0 $0xFFFFF400, s14;
	s19 =	sadd.s32 @!p0 $0x100, s17  }
0x18: {  	[tilespmem:s16], [sflag:$0x1] =	stream.indirect.gather @!p0 [hbm4b:s1+s18], $0x4, s19, s18, $0xb8;
	[tilespmem:$0x1C200] =	vst v63  }
0x19: {  	s16 =	sadd.s32 @!p0 $0xFFFFF800, s14;
	s19 =	sadd.s32 @!p0 $0x180, s17  }
0x1a: {  	[tilespmem:s16], [sflag:$0x1] =	stream.indirect.gather @!p0 [hbm4b:s1+s18], $0x4, s19, s18, $0xb8;
	[tilespmem:$0x1C200] =	vst v63  }
0x1b: {  	s16 =	sadd.s32 @!p0 $0xFFFFFC00, s14;
	s19 =	sadd.s32 @!p0 $0x200, s17  }
0x1c: {  	[tilespmem:s16], [sflag:$0x1] =	stream.indirect.gather @!p0 [hbm4b:s1+s18], $0x4, s19, s18, $0xb8;
	[tilespmem:$0x1C200] =	vst v63  }
0x1d: {  	s16 =	sadd.s32 @!p0 $0x280, s17  }
0x1e: {  	[tilespmem:s14], [sflag:$0x1] =	stream.indirect.gather @!p0 [hbm4b:s1+s18], $0x4, s16, s18, $0xb8;
	[tilespmem:$0x1C200] =	vst v63  }
0x1f: {  	s19 =	sadd.s32 @!p0 $0x300, s17;
	s16 =	sadd.s32 @!p0 $0x400, s14  }
0x20: {  	[tilespmem:s16], [sflag:$0x1] =	stream.indirect.gather @!p0 [hbm4b:s1+s18], $0x4, s19, s18, $0xb8;
	[tilespmem:$0x1C200] =	vst v63  }
0x21: {  	s16 =	sadd.s32 @!p0 $0x800, s14;
	s19 =	sadd.s32 @!p0 $0x380, s17  }
0x22: {  	[tilespmem:s16], [sflag:$0x1] =	stream.indirect.gather @!p0 [hbm4b:s1+s18], $0x4, s19, s18, $0xb8;
	[tilespmem:$0x1C200] =	vst v63  }
0x23: {  	s16 =	sadd.s32 @!p0 $0xC00, s14;
	s19 =	sadd.s32 @!p0 $0x400, s17  }
0x24: {  	[tilespmem:s16], [sflag:$0x1] =	stream.indirect.gather @!p0 [hbm4b:s1+s18], $0x4, s19, s18, $0xb8;
	[tilespmem:$0x1C200] =	vst v63  }
0x25: {  	p1 =	seq.s32 @!p0 s15, $0x0;
	s17 =	sadd.s32 @!p0 $0x480, s17;
	s16 =	sadd.s32 @!p0 $0x1000, s14  }
0x26: {  	[tilespmem:s16], [sflag:$0x1] =	stream.indirect.gather @!p0 [hbm4b:s1+s18], $0x4, s17, s18, $0xb8;
	[tilespmem:$0x1C200] =	vst v63  }
0x27: {  	p0 =	por p0, !p1  }
0x28: {  	_ =	swait.ge @p0 [sflag:s12], $0x200  }
0x29: {  	[sflag:s12] =	ssyncset.done @p0 $0x0  }
0x2a: {  	[sflag:s12] =	ssyncadd.s32 @p0 $0xFFFFFE00  }
0x2b: {  	_ =	swait.ge @p0 [sflag:s12], $0x200  }
0x2c: {  	[sflag:s12] =	ssyncset.done @p0 $0x0  }
0x2d: {  	[sflag:s12] =	ssyncadd.s32 @p0 $0xFFFFFE00  }
0x2e: {  	_ =	swait.ge @p0 [sflag:s12], $0x200  }
0x2f: {  	[sflag:s12] =	ssyncset.done @p0 $0x0  }
0x30: {  	[sflag:s12] =	ssyncadd.s32 @p0 $0xFFFFFE00  }
0x31: {  	_ =	swait.ge @p0 [sflag:s12], $0x200  }
0x32: {  	[sflag:s12] =	ssyncset.done @p0 $0x0  }
0x33: {  	[sflag:s12] =	ssyncadd.s32 @p0 $0xFFFFFE00  }
0x34: {  	_ =	swait.ge @p0 [sflag:s12], $0x200  }
0x35: {  	[sflag:s12] =	ssyncset.done @p0 $0x0  }
0x36: {  	[sflag:s12] =	ssyncadd.s32 @p0 $0xFFFFFE00  }
0x37: {  	_ =	swait.ge @p0 [sflag:s12], $0x200  }
0x38: {  	[sflag:s12] =	ssyncset.done @p0 $0x0  }
0x39: {  	[sflag:s12] =	ssyncadd.s32 @p0 $0xFFFFFE00  }
0x3a: {  	_ =	swait.ge @p0 [sflag:s12], $0x200  }
0x3b: {  	[sflag:s12] =	ssyncset.done @p0 $0x0  }
0x3c: {  	[sflag:s12] =	ssyncadd.s32 @p0 $0xFFFFFE00  }
0x3d: {  	_ =	swait.ge @p0 [sflag:s12], $0x200  }
0x3e: {  	[sflag:s12] =	ssyncset.done @p0 $0x0  }
0x3f: {  	[sflag:s12] =	ssyncadd.s32 @p0 $0xFFFFFE00  }
0x40: {  	_ =	swait.ge @p0 [sflag:s12], $0x200  }
0x41: {  	[sflag:s12] =	ssyncset.done @p0 $0x0  }
0x42: {  	[sflag:s12] =	ssyncadd.s32 @p0 $0xFFFFFE00  }
0x43: {  	_ =	swait.ge @p0 [sflag:s12], $0x200  }
0x44: {  	s15 =	sadd.s32 $0x1400, s15;
	[sflag:s12] =	ssyncset.done @p0 $0x0  }
0x45: {  	[sflag:s12] =	ssyncadd.s32 @p0 $0xFFFFFE00;
	p0 =	sne.s32 s15, $0xDC00  }
.Ltmp0:
0x46: {  	_ = 	snop;
	(pc) =	sbr.rel @p0 .LBB2_2-.Ltmp0, $2  }
0x47: {  	_ =	sdelay $0x2  }
0x48: {  	s14 =	sadd.s32 $0x2800, s14  }
0x49: {  	s14 =	simm.s32 $0x0  }
0x4a: {  	[hbm4b:s5+s14] =	stream.linear.scatter [tilespmem:s10], [sflag:$0x2], $0x19000, $0x38;
	[tilespmem:$0x1C200] =	vst v63  }
0x4b: {  	_ =	swait.ge [sflag:s11], $0x19000  }
0x4c: {  	[sflag:s11] =	ssyncset.done $0x0  }
0x4d: {  	[sflag:s11] =	ssyncadd.s32 $0xFFFE7000  }
0x4e: {  	[tilespmem:s14], [sflag:$0x3] =	stream.linear.gather [hbm4b:s6+s14], $0x3200, $0x38;
	[tilespmem:$0x1C200] =	vst v63  }
0x4f: {  	_ =	swait.ge [sflag:s9], $0x3200  }
0x50: {  	[sflag:s9] =	ssyncset.done $0x0  }
0x51: {  	s15 =	simm.s32 $0x4600;
	[sflag:s9] =	ssyncadd.s32 $0xFFFFCE00  }
.LBB2_4:
0x52: {  	p0 =	seq.s32 s14, $0xC800  }
0x53: {  	s16 =	sadd.s32 @!p0 $0xFFFFEC00, s15;
	s17 =	sshra.s32 @!p0 s14, $0x2;
	s18 =	simm.s32 @!p0 $0x80  }
0x54: {  	[tilespmem:s16], [sflag:$0x1] =	stream.indirect.gather @!p0 [hbm4b:s1+s18], $0x4, s17, s18, $0xb8;
	[tilespmem:$0x1C200] =	vst v63  }
0x55: {  	s16 =	sadd.s32 @!p0 $0xFFFFF000, s15;
	s19 =	sadd.s32 @!p0 $0x80, s17  }
0x56: {  	[tilespmem:s16], [sflag:$0x1] =	stream.indirect.gather @!p0 [hbm4b:s1+s18], $0x4, s19, s18, $0xb8;
	[tilespmem:$0x1C200] =	vst v63  }
0x57: {  	s16 =	sadd.s32 @!p0 $0xFFFFF400, s15;
	s19 =	sadd.s32 @!p0 $0x100, s17  }
0x58: {  	[tilespmem:s16], [sflag:$0x1] =	stream.indirect.gather @!p0 [hbm4b:s1+s18], $0x4, s19, s18, $0xb8;
	[tilespmem:$0x1C200] =	vst v63  }
0x59: {  	s16 =	sadd.s32 @!p0 $0xFFFFF800, s15;
	s19 =	sadd.s32 @!p0 $0x180, s17  }
0x5a: {  	[tilespmem:s16], [sflag:$0x1] =	stream.indirect.gather @!p0 [hbm4b:s1+s18], $0x4, s19, s18, $0xb8;
	[tilespmem:$0x1C200] =	vst v63  }
0x5b: {  	s16 =	sadd.s32 @!p0 $0xFFFFFC00, s15;
	s19 =	sadd.s32 @!p0 $0x200, s17  }
0x5c: {  	[tilespmem:s16], [sflag:$0x1] =	stream.indirect.gather @!p0 [hbm4b:s1+s18], $0x4, s19, s18, $0xb8;
	[tilespmem:$0x1C200] =	vst v63  }
0x5d: {  	s16 =	sadd.s32 @!p0 $0x280, s17  }
0x5e: {  	[tilespmem:s15], [sflag:$0x1] =	stream.indirect.gather @!p0 [hbm4b:s1+s18], $0x4, s16, s18, $0xb8;
	[tilespmem:$0x1C200] =	vst v63  }
0x5f: {  	s19 =	sadd.s32 @!p0 $0x300, s17;
	s16 =	sadd.s32 @!p0 $0x400, s15  }
0x60: {  	[tilespmem:s16], [sflag:$0x1] =	stream.indirect.gather @!p0 [hbm4b:s1+s18], $0x4, s19, s18, $0xb8;
	[tilespmem:$0x1C200] =	vst v63  }
0x61: {  	s16 =	sadd.s32 @!p0 $0x800, s15;
	s19 =	sadd.s32 @!p0 $0x380, s17  }
0x62: {  	[tilespmem:s16], [sflag:$0x1] =	stream.indirect.gather @!p0 [hbm4b:s1+s18], $0x4, s19, s18, $0xb8;
	[tilespmem:$0x1C200] =	vst v63  }
0x63: {  	s16 =	sadd.s32 @!p0 $0xC00, s15;
	s19 =	sadd.s32 @!p0 $0x400, s17  }
0x64: {  	[tilespmem:s16], [sflag:$0x1] =	stream.indirect.gather @!p0 [hbm4b:s1+s18], $0x4, s19, s18, $0xb8;
	[tilespmem:$0x1C200] =	vst v63  }
0x65: {  	p1 =	seq.s32 @!p0 s14, $0x0;
	s17 =	sadd.s32 @!p0 $0x480, s17;
	s16 =	sadd.s32 @!p0 $0x1000, s15  }
0x66: {  	[tilespmem:s16], [sflag:$0x1] =	stream.indirect.gather @!p0 [hbm4b:s1+s18], $0x4, s17, s18, $0xb8;
	[tilespmem:$0x1C200] =	vst v63  }
0x67: {  	p0 =	por p0, !p1  }
0x68: {  	_ =	swait.ge @p0 [sflag:s12], $0x200  }
0x69: {  	[sflag:s12] =	ssyncset.done @p0 $0x0  }
0x6a: {  	[sflag:s12] =	ssyncadd.s32 @p0 $0xFFFFFE00  }
0x6b: {  	_ =	swait.ge @p0 [sflag:s12], $0x200  }
0x6c: {  	[sflag:s12] =	ssyncset.done @p0 $0x0  }
0x6d: {  	[sflag:s12] =	ssyncadd.s32 @p0 $0xFFFFFE00  }
0x6e: {  	_ =	swait.ge @p0 [sflag:s12], $0x200  }
0x6f: {  	[sflag:s12] =	ssyncset.done @p0 $0x0  }
0x70: {  	[sflag:s12] =	ssyncadd.s32 @p0 $0xFFFFFE00  }
0x71: {  	_ =	swait.ge @p0 [sflag:s12], $0x200  }
0x72: {  	[sflag:s12] =	ssyncset.done @p0 $0x0  }
0x73: {  	[sflag:s12] =	ssyncadd.s32 @p0 $0xFFFFFE00  }
0x74: {  	_ =	swait.ge @p0 [sflag:s12], $0x200  }
0x75: {  	[sflag:s12] =	ssyncset.done @p0 $0x0  }
0x76: {  	[sflag:s12] =	ssyncadd.s32 @p0 $0xFFFFFE00  }
0x77: {  	_ =	swait.ge @p0 [sflag:s12], $0x200  }
0x78: {  	[sflag:s12] =	ssyncset.done @p0 $0x0  }
0x79: {  	[sflag:s12] =	ssyncadd.s32 @p0 $0xFFFFFE00  }
0x7a: {  	_ =	swait.ge @p0 [sflag:s12], $0x200  }
0x7b: {  	[sflag:s12] =	ssyncset.done @p0 $0x0  }
0x7c: {  	[sflag:s12] =	ssyncadd.s32 @p0 $0xFFFFFE00  }
0x7d: {  	_ =	swait.ge @p0 [sflag:s12], $0x200  }
0x7e: {  	[sflag:s12] =	ssyncset.done @p0 $0x0  }
0x7f: {  	[sflag:s12] =	ssyncadd.s32 @p0 $0xFFFFFE00  }
0x80: {  	_ =	swait.ge @p0 [sflag:s12], $0x200  }
0x81: {  	[sflag:s12] =	ssyncset.done @p0 $0x0  }
0x82: {  	[sflag:s12] =	ssyncadd.s32 @p0 $0xFFFFFE00  }
0x83: {  	_ =	swait.ge @p0 [sflag:s12], $0x200  }
0x84: {  	s14 =	sadd.s32 $0x1400, s14;
	[sflag:s12] =	ssyncset.done @p0 $0x0  }
0x85: {  	[sflag:s12] =	ssyncadd.s32 @p0 $0xFFFFFE00;
	p0 =	sne.s32 s14, $0xDC00  }
.Ltmp1:
0x86: {  	_ = 	snop;
	(pc) =	sbr.rel @p0 .LBB2_4-.Ltmp1, $2  }
0x87: {  	_ =	sdelay $0x2  }
0x88: {  	s15 =	sadd.s32 $0x2800, s15  }
0x89: {  	s13 =	sadd.s32 $0x1, s13  }
0x8a: {  	p0 =	sne.s32 s13, s8  }
.Ltmp2:
0x8b: {  	_ = 	snop;
	(pc) =	sbr.rel @p0 .LBB2_1-.Ltmp2, $4  }
0x8c: {  	[hbm4b:s7+s3] =	stream.linear.scatter [tilespmem:s10], [sflag:$0x2], $0x19000, $0x38;
	[tilespmem:$0x1C200] =	vst v63  }
0x8d: {  	_ =	swait.ge [sflag:s11], $0x19000  }
0x8e: {  	[sflag:s11] =	ssyncset.done $0x0  }
0x8f: {  	[sflag:s11] =	ssyncadd.s32 $0xFFFE7000  }
0x90: {  	_ =	sfence.sel $0x180000  }
0x91: {  	[bflag:$0x0] =	sbarrier.arrive $0xFFFF  }
0x92: {  	p0 =	sne.s32 s2, $0x0;
	_ =	strace $0x90000047  }
0x93: {  	s0 =	sadd.s32 @!p0 $0x100000, s0;
	[bflag:$0x2] =	sbarrier.arrive $0xFFFF  }
0x94: {  	[sflag:s0] =	ssyncadd.tile.s32 @!p0 $0x1;
	_ =	shalt  }
.Lfunc_end2:
_tile_overlayer_lowered:
.L_overlay_start_2:
0x95: {  	(tag) =	ssettag $0x2  }
0x96: {  	s0 =	rddreg [dreg:$0x0];
	s2 =	stileid.u32  }
0x97: {  	s1 =	rddreg [dreg:$0x1];
	p0 =	sne.s32 s2, $0x0  }
0x98: {  	s3 =	rddreg [dreg:$0x2];
	[bflag:$0x3] =	sbarrier.arrive $0xFFFF;
	s2 =	simm.s32 @!p0 $0x1C03  }
0x99: {  	[timem:s3], [sflag:s2] =	dma.local @!p0 [hbm:s0], s1  }
0x9a: {  	s0 =	simm.s32 @!p0 $0x3  }
0x9b: {  	_ =	swait.ge @!p0 [sflag:s0], s1  }
0x9c: {  	s1 =	ssub.s32 @!p0 $0x0, s1;
	[sflag:s0] =	ssyncset.done @!p0 $0x0  }
0x9d: {  	[sflag:s0] =	ssyncadd.s32 @!p0 s1  }
0x9e: {  	[bflag:$0x3] =	sbarrier.arrive $0xFFFF  }
0x9f: {  	_ =	shalt  }

</sc_bundles>
